<compile_context>
chip_gen: v7x
topology: tpu7x:2x2x1
jax: 0.10.2.dev20260603
libtpu: 0.0.44.dev20260713+nightly
codegen_flags: <defaults>
</compile_context>

<pallas_src>
import functools

import jax
import jax.numpy as jnp
from jax import lax
from jax.experimental import pallas as pl
from jax.experimental.pallas import tpu as pltpu
from jax.experimental.pallas import tpu_sc as plsc

N_NODES = 10000
F = 128
NC, NS = 2, 16
NW = NC * NS
CH = 128
ACC_ROWS = 10240
DUMMY_ROW = N_NODES
ROWS_PER_TILE_OUT = ACC_ROWS // NS
PACK_SHIFT = 14


def _sc_segment_accumulate(feat, packed_p, t_chunks):
    mesh = plsc.VectorSubcoreMesh(core_axis_name="c", subcore_axis_name="s")

    @functools.partial(
        pl.kernel,
        mesh=mesh,
        out_type=jax.ShapeDtypeStruct((NC, ACC_ROWS, F), jnp.float32),
        scratch_types=[
            pltpu.VMEM((t_chunks, CH), jnp.int32),
            pltpu.VMEM((4, CH), jnp.int32),
            pltpu.VMEM((4, CH), jnp.int32),
            pltpu.VMEM((CH, F), jnp.float32),
            pltpu.VMEM((CH, F), jnp.float32),
            pltpu.VMEM((16, F), jnp.float32),
            pltpu.VMEM_SHARED((ACC_ROWS, F), jnp.float32),
            pltpu.SemaphoreType.DMA,
            pltpu.SemaphoreType.DMA,
            pltpu.SemaphoreType.DMA,
            pltpu.SemaphoreType.DMA,
        ],
    )
    def k(feat_hbm, packed_hbm, out_hbm,
          pk_v, src_r, dst_r, rows_a, rows_b, zero_v, acc,
          sem_ga, sem_gb, sem_sa, sem_sb):
        c = lax.axis_index("c")
        s = lax.axis_index("s")
        w = c * NS + s

        with jax.named_scope("zero_fill"):
            zf = jnp.zeros((16,), jnp.float32)
            for r in range(16):
                for g in range(F // 16):
                    zero_v[r, pl.ds(g * 16, 16)] = zf

            n_zero_blocks = ACC_ROWS // (NS * 16)
            zbase = s * (ACC_ROWS // NS)

            def zbody(i, carry):
                pltpu.async_copy(
                    zero_v, acc.at[pl.ds(zbase + i * 16, 16)], sem_sa)
                return carry
            lax.fori_loop(0, n_zero_blocks, zbody, None)

            def zdrain(i, carry):
                pltpu.make_async_copy(
                    zero_v, acc.at[pl.ds(zbase + i * 16, 16)], sem_sa).wait()
                return carry
            lax.fori_loop(0, n_zero_blocks, zdrain, None)

        with jax.named_scope("stage_idx"):
            pltpu.sync_copy(packed_hbm.at[w], pk_v)

        def unpack(j, slot):
            for i in range(CH // 16):
                v = pk_v[j, pl.ds(16 * i, 16)]
                dst_r[slot, pl.ds(16 * i, 16)] = v & ((1 << PACK_SHIFT) - 1)
                src_r[slot, pl.ds(16 * i, 16)] = lax.shift_right_logical(
                    v, PACK_SHIFT)

        plsc.subcore_barrier()

        with jax.named_scope("main_loop"):
            unpack(0, 0)
            unpack(1, 1)
            pltpu.async_copy(feat_hbm.at[dst_r.at[0]], rows_a, sem_ga)
            pltpu.async_copy(feat_hbm.at[dst_r.at[1]], rows_b, sem_gb)

            def body(j2, carry):
                j = 2 * j2
                sa = j % 4
                sb = (j + 1) % 4
                sa2 = (j + 2) % 4
                sb2 = (j + 3) % 4
                pltpu.make_async_copy(
                    feat_hbm.at[dst_r.at[sa]], rows_a, sem_ga).wait()
                cp_a = pltpu.async_copy(
                    rows_a, acc.at[src_r.at[sa]], sem_sa, add=True)
                pltpu.make_async_copy(
                    feat_hbm.at[dst_r.at[sb]], rows_b, sem_gb).wait()
                cp_b = pltpu.async_copy(
                    rows_b, acc.at[src_r.at[sb]], sem_sb, add=True)
                unpack(j + 2, sa2)
                unpack(j + 3, sb2)
                cp_a.wait()
                pltpu.async_copy(feat_hbm.at[dst_r.at[sa2]], rows_a, sem_ga)
                cp_b.wait()
                pltpu.async_copy(feat_hbm.at[dst_r.at[sb2]], rows_b, sem_gb)
                return carry
            lax.fori_loop(0, t_chunks // 2 - 1, body, None)

            jl = t_chunks - 2
            pltpu.make_async_copy(
                feat_hbm.at[dst_r.at[jl % 4]], rows_a, sem_ga).wait()
            cp_a = pltpu.async_copy(
                rows_a, acc.at[src_r.at[jl % 4]], sem_sa, add=True)
            pltpu.make_async_copy(
                feat_hbm.at[dst_r.at[(jl + 1) % 4]], rows_b, sem_gb).wait()
            cp_b = pltpu.async_copy(
                rows_b, acc.at[src_r.at[(jl + 1) % 4]], sem_sb, add=True)
            cp_a.wait()
            cp_b.wait()

        plsc.subcore_barrier()

        with jax.named_scope("copy_out"):
            obase = s * ROWS_PER_TILE_OUT
            pltpu.sync_copy(acc.at[pl.ds(obase, ROWS_PER_TILE_OUT)],
                            out_hbm.at[c, pl.ds(obase, ROWS_PER_TILE_OUT)])

    return k(feat, packed_p)


def _tc_combine(feat, w_mat, gp):
    def body(feat_ref, w_ref, gp_ref, out_ref):
        m = w_ref[...] + w_ref[...].T
        h = jnp.dot(feat_ref[...], m, preferred_element_type=jnp.float32)
        g = gp_ref[0, :N_NODES] + gp_ref[1, :N_NODES]
        out_ref[...] = jnp.sum(h * g, axis=1)

    return pl.pallas_call(
        body,
        out_shape=jax.ShapeDtypeStruct((N_NODES,), jnp.float32),
    )(feat, w_mat, gp)


def kernel(molec_feature_vectures, mo_neighbour_indices, mo_mol_id, mo_pair_id,
           V_n, wfn_pairs, wfn_pairs_mol_id, n_output, W):
    feat = molec_feature_vectures
    src = mo_neighbour_indices[0]
    dst = mo_neighbour_indices[1]
    e = src.shape[0]
    per_chunk_all = NW * CH
    t_chunks = -(-e // per_chunk_all)
    t_chunks += t_chunks % 2
    pad = t_chunks * per_chunk_all - e
    pad_src = DUMMY_ROW + (jnp.arange(pad, dtype=jnp.int32)
                           % (ACC_ROWS - N_NODES))
    pad_dst = jnp.arange(pad, dtype=jnp.int32) % N_NODES
    src_p = jnp.concatenate([src, pad_src])
    dst_p = jnp.concatenate([dst, pad_dst])
    packed_p = ((src_p << PACK_SHIFT) | dst_p).reshape(NW, t_chunks, CH)
    gp = _sc_segment_accumulate(feat, packed_p, t_chunks)
    return _tc_combine(feat, W, gp)

# --- scband reference (transcript-rebuilt; emitter-appended) ---
"""Pipeline reference for scband-output-layer-18786186953532 (READ-ONLY COPY).

The authoritative reference and input builder live on the scoring server;
editing this copy changes nothing except your own understanding.
"""

import jax, jax.numpy as jnp
import numpy as np

N_NODES = 10000
N_EDGES = 320000
F = 128


def setup_inputs(seed: int = 0) -> dict:
    key = jax.random.key(seed)
    ks = jax.random.split(key, 9)
    molec_feature_vectures = jax.random.normal(ks[0], (N_NODES, F), dtype=jnp.float32)
    mo_neighbour_indices = jax.random.randint(ks[1], (2, N_EDGES), 0, N_NODES, dtype=jnp.int32)
    mo_mol_id = jax.random.randint(ks[2], (N_EDGES,), 0, 64, dtype=jnp.int32)
    mo_pair_id = jax.random.randint(ks[3], (N_EDGES,), 0, N_EDGES, dtype=jnp.int32)
    V_n = jax.random.normal(ks[4], (N_NODES, F), dtype=jnp.float32)
    wfn_pairs = jax.random.randint(ks[5], (2, 1024), 0, N_NODES, dtype=jnp.int32)
    wfn_pairs_mol_id = jax.random.randint(ks[6], (2, 1024), 0, 64, dtype=jnp.int32)
    n_output = N_NODES  # python int scalar
    # learned parameter: W with shape (F, F), GlorotNormal init
    scale = float(np.sqrt(2.0 / (F + F)))
    W = jax.random.normal(ks[7], (F, F), dtype=jnp.float32) * scale
    return {
        'molec_feature_vectures': molec_feature_vectures,
        'mo_neighbour_indices': mo_neighbour_indices,
        'mo_mol_id': mo_mol_id,
        'mo_pair_id': mo_pair_id,
        'V_n': V_n,
        'wfn_pairs': wfn_pairs,
        'wfn_pairs_mol_id': wfn_pairs_mol_id,
        'n_output': n_output,
        'W': W,
    }


def reference(molec_feature_vectures, mo_neighbour_indices, mo_mol_id, mo_pair_id,
              V_n, wfn_pairs, wfn_pairs_mol_id, n_output, W):
    # mode == 'pes' branch of OutputLayer.call
    src = mo_neighbour_indices[0]
    dst = mo_neighbour_indices[1]
    x_i = jnp.take(molec_feature_vectures, src, axis=0)   # gather [E, F]
    x_j = jnp.take(molec_feature_vectures, dst, axis=0)   # gather [E, F]
    M = W + W.T                                           # symmetrized weight
    # einsum 'ni,ij,nj->n'
    molec_pair_scalars = jnp.sum((x_i @ M) * x_j, axis=-1)  # [E]
    # unsorted_segment_sum over destination node index -> scatter-add
    num_segments_static = molec_feature_vectures.shape[0]
    res = jax.ops.segment_sum(molec_pair_scalars, src, num_segments=num_segments_static)
    n_output_arr = jnp.asarray(n_output)
    res = res + (n_output_arr - n_output_arr).astype(res.dtype)
    return res

if __name__ == "__main__":
    import jax
    _d = setup_inputs()
    print(jax.jit(kernel)(*tuple(_d.values())))

</pallas_src>

<mosaic_0001>
#map = affine_map<(d0, d1) -> (0, 0)>
#map1 = affine_map<(d0, d1) -> (0, 0, 0)>
module attributes {stable_mosaic.version = 14 : i64} {
  func.func @k(%arg0: i32, %arg1: i32, %arg2: memref<10000x128xf32, #tpu.memory_space<hbm>>, %arg3: memref<32x80x128xi32, #tpu.memory_space<hbm>>, %arg4: memref<2x10240x128xf32, #tpu.memory_space<hbm>>, %arg5: memref<80x128xi32, #tpu.memory_space<vmem>>, %arg6: memref<4x128xi32, #tpu.memory_space<vmem>>, %arg7: memref<4x128xi32, #tpu.memory_space<vmem>>, %arg8: memref<128x128xf32, #tpu.memory_space<vmem>>, %arg9: memref<128x128xf32, #tpu.memory_space<vmem>>, %arg10: memref<16x128xf32, #tpu.memory_space<vmem>>, %arg11: memref<10240x128xf32, #tpu.memory_space<vmem_shared>>, %arg12: memref<!tpu.dma_semaphore, #tpu.memory_space<semaphore_mem>>, %arg13: memref<!tpu.dma_semaphore, #tpu.memory_space<semaphore_mem>>, %arg14: memref<!tpu.dma_semaphore, #tpu.memory_space<semaphore_mem>>, %arg15: memref<!tpu.dma_semaphore, #tpu.memory_space<semaphore_mem>>) attributes {dimension_semantics = [#tpu.dimension_semantics<core_parallel>, #tpu.dimension_semantics<subcore_parallel>], iteration_bounds = array<i64: 2, 16>, scalar_prefetch = 0 : i64, scratch_operands = 11 : i64, tpu.core_type = #tpu.core_type<sc_vector_subcore>, window_params = [{transform_indices = #map}, {transform_indices = #map1}, {transform_indices = #map1}]} {
    %mul3A = arith.constant 16 : i32
    %mul3A_0 = arith.muli %arg0, %mul3A : i32
    %add3A = arith.addi %mul3A_0, %arg1 : i32
    %broadcast_in_dim3A = arith.constant 0.000000e+00 : f32
    "tpu.trace_start"() <{level = 10 : i32, message = "zero_fill"}> : () -> ()
    %broadcast_in_dim3A_1 = vector.broadcast %broadcast_in_dim3A : f32 to vector<16xf32>
    %swap3A = arith.constant 0 : i32
    %swap3A_2 = arith.index_cast %swap3A : i32 to index
    %swap3A_3 = arith.constant 0 : index
    %swap3A_4 = tpu.vector_load %arg10[%swap3A_2, %swap3A_3] {strides = array<i32>} : memref<16x128xf32, #tpu.memory_space<vmem>>, vector<1x16xf32>,
    %swap3A_5 = vector.shape_cast %swap3A_4 : vector<1x16xf32> to vector<16xf32>
    %swap3A_6 = vector.shape_cast %broadcast_in_dim3A_1 : vector<16xf32> to vector<1x16xf32>
    tpu.vector_store %arg10[%swap3A_2, %swap3A_3], %swap3A_6 {strides = array<i32>} : memref<16x128xf32, #tpu.memory_space<vmem>>, vector<1x16xf32>,
    %swap3A_7 = arith.constant 0 : i32
    %swap3A_8 = arith.index_cast %swap3A_7 : i32 to index
    %swap3A_9 = arith.constant 16 : index
    %swap3A_10 = tpu.vector_load %arg10[%swap3A_8, %swap3A_9] {strides = array<i32>} : memref<16x128xf32, #tpu.memory_space<vmem>>, vector<1x16xf32>,
    %swap3A_11 = vector.shape_cast %swap3A_10 : vector<1x16xf32> to vector<16xf32>
    %swap3A_12 = vector.shape_cast %broadcast_in_dim3A_1 : vector<16xf32> to vector<1x16xf32>
    tpu.vector_store %arg10[%swap3A_8, %swap3A_9], %swap3A_12 {strides = array<i32>} : memref<16x128xf32, #tpu.memory_space<vmem>>, vector<1x16xf32>,
    %swap3A_13 = arith.constant 0 : i32
    %swap3A_14 = arith.index_cast %swap3A_13 : i32 to index
    %swap3A_15 = arith.constant 32 : index
    %swap3A_16 = tpu.vector_load %arg10[%swap3A_14, %swap3A_15] {strides = array<i32>} : memref<16x128xf32, #tpu.memory_space<vmem>>, vector<1x16xf32>,
    %swap3A_17 = vector.shape_cast %swap3A_16 : vector<1x16xf32> to vector<16xf32>
    %swap3A_18 = vector.shape_cast %broadcast_in_dim3A_1 : vector<16xf32> to vector<1x16xf32>
    tpu.vector_store %arg10[%swap3A_14, %swap3A_15], %swap3A_18 {strides = array<i32>} : memref<16x128xf32, #tpu.memory_space<vmem>>, vector<1x16xf32>,
    %swap3A_19 = arith.constant 0 : i32
    %swap3A_20 = arith.index_cast %swap3A_19 : i32 to index
    %swap3A_21 = arith.constant 48 : index
    %swap3A_22 = tpu.vector_load %arg10[%swap3A_20, %swap3A_21] {strides = array<i32>} : memref<16x128xf32, #tpu.memory_space<vmem>>, vector<1x16xf32>,
    %swap3A_23 = vector.shape_cast %swap3A_22 : vector<1x16xf32> to vector<16xf32>
    %swap3A_24 = vector.shape_cast %broadcast_in_dim3A_1 : vector<16xf32> to vector<1x16xf32>
    tpu.vector_store %arg10[%swap3A_20, %swap3A_21], %swap3A_24 {strides = array<i32>} : memref<16x128xf32, #tpu.memory_space<vmem>>, vector<1x16xf32>,
    %swap3A_25 = arith.constant 0 : i32
    %swap3A_26 = arith.index_cast %swap3A_25 : i32 to index
    %swap3A_27 = arith.constant 64 : index
    %swap3A_28 = tpu.vector_load %arg10[%swap3A_26, %swap3A_27] {strides = array<i32>} : memref<16x128xf32, #tpu.memory_space<vmem>>, vector<1x16xf32>,
    %swap3A_29 = vector.shape_cast %swap3A_28 : vector<1x16xf32> to vector<16xf32>
    %swap3A_30 = vector.shape_cast %broadcast_in_dim3A_1 : vector<16xf32> to vector<1x16xf32>
    tpu.vector_store %arg10[%swap3A_26, %swap3A_27], %swap3A_30 {strides = array<i32>} : memref<16x128xf32, #tpu.memory_space<vmem>>, vector<1x16xf32>,
    %swap3A_31 = arith.constant 0 : i32
    %swap3A_32 = arith.index_cast %swap3A_31 : i32 to index
    %swap3A_33 = arith.constant 80 : index
    %swap3A_34 = tpu.vector_load %arg10[%swap3A_32, %swap3A_33] {strides = array<i32>} : memref<16x128xf32, #tpu.memory_space<vmem>>, vector<1x16xf32>,
    %swap3A_35 = vector.shape_cast %swap3A_34 : vector<1x16xf32> to vector<16xf32>
    %swap3A_36 = vector.shape_cast %broadcast_in_dim3A_1 : vector<16xf32> to vector<1x16xf32>
    tpu.vector_store %arg10[%swap3A_32, %swap3A_33], %swap3A_36 {strides = array<i32>} : memref<16x128xf32, #tpu.memory_space<vmem>>, vector<1x16xf32>,
    %swap3A_37 = arith.constant 0 : i32
    %swap3A_38 = arith.index_cast %swap3A_37 : i32 to index
    %swap3A_39 = arith.constant 96 : index
    %swap3A_40 = tpu.vector_load %arg10[%swap3A_38, %swap3A_39] {strides = array<i32>} : memref<16x128xf32, #tpu.memory_space<vmem>>, vector<1x16xf32>,
    %swap3A_41 = vector.shape_cast %swap3A_40 : vector<1x16xf32> to vector<16xf32>
    %swap3A_42 = vector.shape_cast %broadcast_in_dim3A_1 : vector<16xf32> to vector<1x16xf32>
    tpu.vector_store %arg10[%swap3A_38, %swap3A_39], %swap3A_42 {strides = array<i32>} : memref<16x128xf32, #tpu.memory_space<vmem>>, vector<1x16xf32>,
    %swap3A_43 = arith.constant 0 : i32
    %swap3A_44 = arith.index_cast %swap3A_43 : i32 to index
    %swap3A_45 = arith.constant 112 : index
    %swap3A_46 = tpu.vector_load %arg10[%swap3A_44, %swap3A_45] {strides = array<i32>} : memref<16x128xf32, #tpu.memory_space<vmem>>, vector<1x16xf32>,
    %swap3A_47 = vector.shape_cast %swap3A_46 : vector<1x16xf32> to vector<16xf32>
    %swap3A_48 = vector.shape_cast %broadcast_in_dim3A_1 : vector<16xf32> to vector<1x16xf32>
    tpu.vector_store %arg10[%swap3A_44, %swap3A_45], %swap3A_48 {strides = array<i32>} : memref<16x128xf32, #tpu.memory_space<vmem>>, vector<1x16xf32>,
    %swap3A_49 = arith.constant 1 : i32
    %swap3A_50 = arith.index_cast %swap3A_49 : i32 to index
    %swap3A_51 = arith.constant 0 : index
    %swap3A_52 = tpu.vector_load %arg10[%swap3A_50, %swap3A_51] {strides = array<i32>} : memref<16x128xf32, #tpu.memory_space<vmem>>, vector<1x16xf32>,
    %swap3A_53 = vector.shape_cast %swap3A_52 : vector<1x16xf32> to vector<16xf32>
    %swap3A_54 = vector.shape_cast %broadcast_in_dim3A_1 : vector<16xf32> to vector<1x16xf32>
    tpu.vector_store %arg10[%swap3A_50, %swap3A_51], %swap3A_54 {strides = array<i32>} : memref<16x128xf32, #tpu.memory_space<vmem>>, vector<1x16xf32>,
    %swap3A_55 = arith.constant 1 : i32
    %swap3A_56 = arith.index_cast %swap3A_55 : i32 to index
    %swap3A_57 = arith.constant 16 : index
    %swap3A_58 = tpu.vector_load %arg10[%swap3A_56, %swap3A_57] {strides = array<i32>} : memref<16x128xf32, #tpu.memory_space<vmem>>, vector<1x16xf32>,
    %swap3A_59 = vector.shape_cast %swap3A_58 : vector<1x16xf32> to vector<16xf32>
    %swap3A_60 = vector.shape_cast %broadcast_in_dim3A_1 : vector<16xf32> to vector<1x16xf32>
    tpu.vector_store %arg10[%swap3A_56, %swap3A_57], %swap3A_60 {strides = array<i32>} : memref<16x128xf32, #tpu.memory_space<vmem>>, vector<1x16xf32>,
    %swap3A_61 = arith.constant 1 : i32
    %swap3A_62 = arith.index_cast %swap3A_61 : i32 to index
    %swap3A_63 = arith.constant 32 : index
    %swap3A_64 = tpu.vector_load %arg10[%swap3A_62, %swap3A_63] {strides = array<i32>} : memref<16x128xf32, #tpu.memory_space<vmem>>, vector<1x16xf32>,
    %swap3A_65 = vector.shape_cast %swap3A_64 : vector<1x16xf32> to vector<16xf32>
    %swap3A_66 = vector.shape_cast %broadcast_in_dim3A_1 : vector<16xf32> to vector<1x16xf32>
    tpu.vector_store %arg10[%swap3A_62, %swap3A_63], %swap3A_66 {strides = array<i32>} : memref<16x128xf32, #tpu.memory_space<vmem>>, vector<1x16xf32>,
    %swap3A_67 = arith.constant 1 : i32
    %swap3A_68 = arith.index_cast %swap3A_67 : i32 to index
    %swap3A_69 = arith.constant 48 : index
    %swap3A_70 = tpu.vector_load %arg10[%swap3A_68, %swap3A_69] {strides = array<i32>} : memref<16x128xf32, #tpu.memory_space<vmem>>, vector<1x16xf32>,
    %swap3A_71 = vector.shape_cast %swap3A_70 : vector<1x16xf32> to vector<16xf32>
    %swap3A_72 = vector.shape_cast %broadcast_in_dim3A_1 : vector<16xf32> to vector<1x16xf32>
    tpu.vector_store %arg10[%swap3A_68, %swap3A_69], %swap3A_72 {strides = array<i32>} : memref<16x128xf32, #tpu.memory_space<vmem>>, vector<1x16xf32>,
    %swap3A_73 = arith.constant 1 : i32
    %swap3A_74 = arith.index_cast %swap3A_73 : i32 to index
    %swap3A_75 = arith.constant 64 : index
    %swap3A_76 = tpu.vector_load %arg10[%swap3A_74, %swap3A_75] {strides = array<i32>} : memref<16x128xf32, #tpu.memory_space<vmem>>, vector<1x16xf32>,
    %swap3A_77 = vector.shape_cast %swap3A_76 : vector<1x16xf32> to vector<16xf32>
    %swap3A_78 = vector.shape_cast %broadcast_in_dim3A_1 : vector<16xf32> to vector<1x16xf32>
    tpu.vector_store %arg10[%swap3A_74, %swap3A_75], %swap3A_78 {strides = array<i32>} : memref<16x128xf32, #tpu.memory_space<vmem>>, vector<1x16xf32>,
    %swap3A_79 = arith.constant 1 : i32
    %swap3A_80 = arith.index_cast %swap3A_79 : i32 to index
    %swap3A_81 = arith.constant 80 : index
    %swap3A_82 = tpu.vector_load %arg10[%swap3A_80, %swap3A_81] {strides = array<i32>} : memref<16x128xf32, #tpu.memory_space<vmem>>, vector<1x16xf32>,
    %swap3A_83 = vector.shape_cast %swap3A_82 : vector<1x16xf32> to vector<16xf32>
    %swap3A_84 = vector.shape_cast %broadcast_in_dim3A_1 : vector<16xf32> to vector<1x16xf32>
    tpu.vector_store %arg10[%swap3A_80, %swap3A_81], %swap3A_84 {strides = array<i32>} : memref<16x128xf32, #tpu.memory_space<vmem>>, vector<1x16xf32>,
    %swap3A_85 = arith.constant 1 : i32
    %swap3A_86 = arith.index_cast %swap3A_85 : i32 to index
    %swap3A_87 = arith.constant 96 : index
    %swap3A_88 = tpu.vector_load %arg10[%swap3A_86, %swap3A_87] {strides = array<i32>} : memref<16x128xf32, #tpu.memory_space<vmem>>, vector<1x16xf32>,
    %swap3A_89 = vector.shape_cast %swap3A_88 : vector<1x16xf32> to vector<16xf32>
    %swap3A_90 = vector.shape_cast %broadcast_in_dim3A_1 : vector<16xf32> to vector<1x16xf32>
    tpu.vector_store %arg10[%swap3A_86, %swap3A_87], %swap3A_90 {strides = array<i32>} : memref<16x128xf32, #tpu.memory_space<vmem>>, vector<1x16xf32>,
    %swap3A_91 = arith.constant 1 : i32
    %swap3A_92 = arith.index_cast %swap3A_91 : i32 to index
    %swap3A_93 = arith.constant 112 : index
    %swap3A_94 = tpu.vector_load %arg10[%swap3A_92, %swap3A_93] {strides = array<i32>} : memref<16x128xf32, #tpu.memory_space<vmem>>, vector<1x16xf32>,
    %swap3A_95 = vector.shape_cast %swap3A_94 : vector<1x16xf32> to vector<16xf32>
    %swap3A_96 = vector.shape_cast %broadcast_in_dim3A_1 : vector<16xf32> to vector<1x16xf32>
    tpu.vector_store %arg10[%swap3A_92, %swap3A_93], %swap3A_96 {strides = array<i32>} : memref<16x128xf32, #tpu.memory_space<vmem>>, vector<1x16xf32>,
    %swap3A_97 = arith.constant 2 : i32
    %swap3A_98 = arith.index_cast %swap3A_97 : i32 to index
    %swap3A_99 = arith.constant 0 : index
    %swap3A_100 = tpu.vector_load %arg10[%swap3A_98, %swap3A_99] {strides = array<i32>} : memref<16x128xf32, #tpu.memory_space<vmem>>, vector<1x16xf32>,
    %swap3A_101 = vector.shape_cast %swap3A_100 : vector<1x16xf32> to vector<16xf32>
    %swap3A_102 = vector.shape_cast %broadcast_in_dim3A_1 : vector<16xf32> to vector<1x16xf32>
    tpu.vector_store %arg10[%swap3A_98, %swap3A_99], %swap3A_102 {strides = array<i32>} : memref<16x128xf32, #tpu.memory_space<vmem>>, vector<1x16xf32>,
    %swap3A_103 = arith.constant 2 : i32
    %swap3A_104 = arith.index_cast %swap3A_103 : i32 to index
    %swap3A_105 = arith.constant 16 : index
    %swap3A_106 = tpu.vector_load %arg10[%swap3A_104, %swap3A_105] {strides = array<i32>} : memref<16x128xf32, #tpu.memory_space<vmem>>, vector<1x16xf32>,
    %swap3A_107 = vector.shape_cast %swap3A_106 : vector<1x16xf32> to vector<16xf32>
    %swap3A_108 = vector.shape_cast %broadcast_in_dim3A_1 : vector<16xf32> to vector<1x16xf32>
    tpu.vector_store %arg10[%swap3A_104, %swap3A_105], %swap3A_108 {strides = array<i32>} : memref<16x128xf32, #tpu.memory_space<vmem>>, vector<1x16xf32>,
    %swap3A_109 = arith.constant 2 : i32
    %swap3A_110 = arith.index_cast %swap3A_109 : i32 to index
    %swap3A_111 = arith.constant 32 : index
    %swap3A_112 = tpu.vector_load %arg10[%swap3A_110, %swap3A_111] {strides = array<i32>} : memref<16x128xf32, #tpu.memory_space<vmem>>, vector<1x16xf32>,
    %swap3A_113 = vector.shape_cast %swap3A_112 : vector<1x16xf32> to vector<16xf32>
    %swap3A_114 = vector.shape_cast %broadcast_in_dim3A_1 : vector<16xf32> to vector<1x16xf32>
    tpu.vector_store %arg10[%swap3A_110, %swap3A_111], %swap3A_114 {strides = array<i32>} : memref<16x128xf32, #tpu.memory_space<vmem>>, vector<1x16xf32>,
    %swap3A_115 = arith.constant 2 : i32
    %swap3A_116 = arith.index_cast %swap3A_115 : i32 to index
    %swap3A_117 = arith.constant 48 : index
    %swap3A_118 = tpu.vector_load %arg10[%swap3A_116, %swap3A_117] {strides = array<i32>} : memref<16x128xf32, #tpu.memory_space<vmem>>, vector<1x16xf32>,
    %swap3A_119 = vector.shape_cast %swap3A_118 : vector<1x16xf32> to vector<16xf32>
    %swap3A_120 = vector.shape_cast %broadcast_in_dim3A_1 : vector<16xf32> to vector<1x16xf32>
    tpu.vector_store %arg10[%swap3A_116, %swap3A_117], %swap3A_120 {strides = array<i32>} : memref<16x128xf32, #tpu.memory_space<vmem>>, vector<1x16xf32>,
    %swap3A_121 = arith.constant 2 : i32
    %swap3A_122 = arith.index_cast %swap3A_121 : i32 to index
    %swap3A_123 = arith.constant 64 : index
    %swap3A_124 = tpu.vector_load %arg10[%swap3A_122, %swap3A_123] {strides = array<i32>} : memref<16x128xf32, #tpu.memory_space<vmem>>, vector<1x16xf32>,
    %swap3A_125 = vector.shape_cast %swap3A_124 : vector<1x16xf32> to vector<16xf32>
    %swap3A_126 = vector.shape_cast %broadcast_in_dim3A_1 : vector<16xf32> to vector<1x16xf32>
    tpu.vector_store %arg10[%swap3A_122, %swap3A_123], %swap3A_126 {strides = array<i32>} : memref<16x128xf32, #tpu.memory_space<vmem>>, vector<1x16xf32>,
    %swap3A_127 = arith.constant 2 : i32
    %swap3A_128 = arith.index_cast %swap3A_127 : i32 to index
    %swap3A_129 = arith.constant 80 : index
    %swap3A_130 = tpu.vector_load %arg10[%swap3A_128, %swap3A_129] {strides = array<i32>} : memref<16x128xf32, #tpu.memory_space<vmem>>, vector<1x16xf32>,
    %swap3A_131 = vector.shape_cast %swap3A_130 : vector<1x16xf32> to vector<16xf32>
    %swap3A_132 = vector.shape_cast %broadcast_in_dim3A_1 : vector<16xf32> to vector<1x16xf32>
    tpu.vector_store %arg10[%swap3A_128, %swap3A_129], %swap3A_132 {strides = array<i32>} : memref<16x128xf32, #tpu.memory_space<vmem>>, vector<1x16xf32>,
    %swap3A_133 = arith.constant 2 : i32
    %swap3A_134 = arith.index_cast %swap3A_133 : i32 to index
    %swap3A_135 = arith.constant 96 : index
    %swap3A_136 = tpu.vector_load %arg10[%swap3A_134, %swap3A_135] {strides = array<i32>} : memref<16x128xf32, #tpu.memory_space<vmem>>, vector<1x16xf32>,
    %swap3A_137 = vector.shape_cast %swap3A_136 : vector<1x16xf32> to vector<16xf32>
    %swap3A_138 = vector.shape_cast %broadcast_in_dim3A_1 : vector<16xf32> to vector<1x16xf32>
    tpu.vector_store %arg10[%swap3A_134, %swap3A_135], %swap3A_138 {strides = array<i32>} : memref<16x128xf32, #tpu.memory_space<vmem>>, vector<1x16xf32>,
    %swap3A_139 = arith.constant 2 : i32
    %swap3A_140 = arith.index_cast %swap3A_139 : i32 to index
    %swap3A_141 = arith.constant 112 : index
    %swap3A_142 = tpu.vector_load %arg10[%swap3A_140, %swap3A_141] {strides = array<i32>} : memref<16x128xf32, #tpu.memory_space<vmem>>, vector<1x16xf32>,
    %swap3A_143 = vector.shape_cast %swap3A_142 : vector<1x16xf32> to vector<16xf32>
    %swap3A_144 = vector.shape_cast %broadcast_in_dim3A_1 : vector<16xf32> to vector<1x16xf32>
    tpu.vector_store %arg10[%swap3A_140, %swap3A_141], %swap3A_144 {strides = array<i32>} : memref<16x128xf32, #tpu.memory_space<vmem>>, vector<1x16xf32>,
    %swap3A_145 = arith.constant 3 : i32
    %swap3A_146 = arith.index_cast %swap3A_145 : i32 to index
    %swap3A_147 = arith.constant 0 : index
    %swap3A_148 = tpu.vector_load %arg10[%swap3A_146, %swap3A_147] {strides = array<i32>} : memref<16x128xf32, #tpu.memory_space<vmem>>, vector<1x16xf32>,
    %swap3A_149 = vector.shape_cast %swap3A_148 : vector<1x16xf32> to vector<16xf32>
    %swap3A_150 = vector.shape_cast %broadcast_in_dim3A_1 : vector<16xf32> to vector<1x16xf32>
    tpu.vector_store %arg10[%swap3A_146, %swap3A_147], %swap3A_150 {strides = array<i32>} : memref<16x128xf32, #tpu.memory_space<vmem>>, vector<1x16xf32>,
    %swap3A_151 = arith.constant 3 : i32
    %swap3A_152 = arith.index_cast %swap3A_151 : i32 to index
    %swap3A_153 = arith.constant 16 : index
    %swap3A_154 = tpu.vector_load %arg10[%swap3A_152, %swap3A_153] {strides = array<i32>} : memref<16x128xf32, #tpu.memory_space<vmem>>, vector<1x16xf32>,
    %swap3A_155 = vector.shape_cast %swap3A_154 : vector<1x16xf32> to vector<16xf32>
    %swap3A_156 = vector.shape_cast %broadcast_in_dim3A_1 : vector<16xf32> to vector<1x16xf32>
    tpu.vector_store %arg10[%swap3A_152, %swap3A_153], %swap3A_156 {strides = array<i32>} : memref<16x128xf32, #tpu.memory_space<vmem>>, vector<1x16xf32>,
    %swap3A_157 = arith.constant 3 : i32
    %swap3A_158 = arith.index_cast %swap3A_157 : i32 to index
    %swap3A_159 = arith.constant 32 : index
    %swap3A_160 = tpu.vector_load %arg10[%swap3A_158, %swap3A_159] {strides = array<i32>} : memref<16x128xf32, #tpu.memory_space<vmem>>, vector<1x16xf32>,
    %swap3A_161 = vector.shape_cast %swap3A_160 : vector<1x16xf32> to vector<16xf32>
    %swap3A_162 = vector.shape_cast %broadcast_in_dim3A_1 : vector<16xf32> to vector<1x16xf32>
    tpu.vector_store %arg10[%swap3A_158, %swap3A_159], %swap3A_162 {strides = array<i32>} : memref<16x128xf32, #tpu.memory_space<vmem>>, vector<1x16xf32>,
    %swap3A_163 = arith.constant 3 : i32
    %swap3A_164 = arith.index_cast %swap3A_163 : i32 to index
    %swap3A_165 = arith.constant 48 : index
    %swap3A_166 = tpu.vector_load %arg10[%swap3A_164, %swap3A_165] {strides = array<i32>} : memref<16x128xf32, #tpu.memory_space<vmem>>, vector<1x16xf32>,
    %swap3A_167 = vector.shape_cast %swap3A_166 : vector<1x16xf32> to vector<16xf32>
    %swap3A_168 = vector.shape_cast %broadcast_in_dim3A_1 : vector<16xf32> to vector<1x16xf32>
    tpu.vector_store %arg10[%swap3A_164, %swap3A_165], %swap3A_168 {strides = array<i32>} : memref<16x128xf32, #tpu.memory_space<vmem>>, vector<1x16xf32>,
    %swap3A_169 = arith.constant 3 : i32
    %swap3A_170 = arith.index_cast %swap3A_169 : i32 to index
    %swap3A_171 = arith.constant 64 : index
    %swap3A_172 = tpu.vector_load %arg10[%swap3A_170, %swap3A_171] {strides = array<i32>} : memref<16x128xf32, #tpu.memory_space<vmem>>, vector<1x16xf32>,
    %swap3A_173 = vector.shape_cast %swap3A_172 : vector<1x16xf32> to vector<16xf32>
    %swap3A_174 = vector.shape_cast %broadcast_in_dim3A_1 : vector<16xf32> to vector<1x16xf32>
    tpu.vector_store %arg10[%swap3A_170, %swap3A_171], %swap3A_174 {strides = array<i32>} : memref<16x128xf32, #tpu.memory_space<vmem>>, vector<1x16xf32>,
    %swap3A_175 = arith.constant 3 : i32
    %swap3A_176 = arith.index_cast %swap3A_175 : i32 to index
    %swap3A_177 = arith.constant 80 : index
    %swap3A_178 = tpu.vector_load %arg10[%swap3A_176, %swap3A_177] {strides = array<i32>} : memref<16x128xf32, #tpu.memory_space<vmem>>, vector<1x16xf32>,
    %swap3A_179 = vector.shape_cast %swap3A_178 : vector<1x16xf32> to vector<16xf32>
    %swap3A_180 = vector.shape_cast %broadcast_in_dim3A_1 : vector<16xf32> to vector<1x16xf32>
    tpu.vector_store %arg10[%swap3A_176, %swap3A_177], %swap3A_180 {strides = array<i32>} : memref<16x128xf32, #tpu.memory_space<vmem>>, vector<1x16xf32>,
    %swap3A_181 = arith.constant 3 : i32
    %swap3A_182 = arith.index_cast %swap3A_181 : i32 to index
    %swap3A_183 = arith.constant 96 : index
    %swap3A_184 = tpu.vector_load %arg10[%swap3A_182, %swap3A_183] {strides = array<i32>} : memref<16x128xf32, #tpu.memory_space<vmem>>, vector<1x16xf32>,
    %swap3A_185 = vector.shape_cast %swap3A_184 : vector<1x16xf32> to vector<16xf32>
    %swap3A_186 = vector.shape_cast %broadcast_in_dim3A_1 : vector<16xf32> to vector<1x16xf32>
    tpu.vector_store %arg10[%swap3A_182, %swap3A_183], %swap3A_186 {strides = array<i32>} : memref<16x128xf32, #tpu.memory_space<vmem>>, vector<1x16xf32>,
    %swap3A_187 = arith.constant 3 : i32
    %swap3A_188 = arith.index_cast %swap3A_187 : i32 to index
    %swap3A_189 = arith.constant 112 : index
    %swap3A_190 = tpu.vector_load %arg10[%swap3A_188, %swap3A_189] {strides = array<i32>} : memref<16x128xf32, #tpu.memory_space<vmem>>, vector<1x16xf32>,
    %swap3A_191 = vector.shape_cast %swap3A_190 : vector<1x16xf32> to vector<16xf32>
    %swap3A_192 = vector.shape_cast %broadcast_in_dim3A_1 : vector<16xf32> to vector<1x16xf32>
    tpu.vector_store %arg10[%swap3A_188, %swap3A_189], %swap3A_192 {strides = array<i32>} : memref<16x128xf32, #tpu.memory_space<vmem>>, vector<1x16xf32>,
    %swap3A_193 = arith.constant 4 : i32
    %swap3A_194 = arith.index_cast %swap3A_193 : i32 to index
    %swap3A_195 = arith.constant 0 : index
    %swap3A_196 = tpu.vector_load %arg10[%swap3A_194, %swap3A_195] {strides = array<i32>} : memref<16x128xf32, #tpu.memory_space<vmem>>, vector<1x16xf32>,
    %swap3A_197 = vector.shape_cast %swap3A_196 : vector<1x16xf32> to vector<16xf32>
    %swap3A_198 = vector.shape_cast %broadcast_in_dim3A_1 : vector<16xf32> to vector<1x16xf32>
    tpu.vector_store %arg10[%swap3A_194, %swap3A_195], %swap3A_198 {strides = array<i32>} : memref<16x128xf32, #tpu.memory_space<vmem>>, vector<1x16xf32>,
    %swap3A_199 = arith.constant 4 : i32
    %swap3A_200 = arith.index_cast %swap3A_199 : i32 to index
    %swap3A_201 = arith.constant 16 : index
    %swap3A_202 = tpu.vector_load %arg10[%swap3A_200, %swap3A_201] {strides = array<i32>} : memref<16x128xf32, #tpu.memory_space<vmem>>, vector<1x16xf32>,
    %swap3A_203 = vector.shape_cast %swap3A_202 : vector<1x16xf32> to vector<16xf32>
    %swap3A_204 = vector.shape_cast %broadcast_in_dim3A_1 : vector<16xf32> to vector<1x16xf32>
    tpu.vector_store %arg10[%swap3A_200, %swap3A_201], %swap3A_204 {strides = array<i32>} : memref<16x128xf32, #tpu.memory_space<vmem>>, vector<1x16xf32>,
    %swap3A_205 = arith.constant 4 : i32
    %swap3A_206 = arith.index_cast %swap3A_205 : i32 to index
    %swap3A_207 = arith.constant 32 : index
    %swap3A_208 = tpu.vector_load %arg10[%swap3A_206, %swap3A_207] {strides = array<i32>} : memref<16x128xf32, #tpu.memory_space<vmem>>, vector<1x16xf32>,
    %swap3A_209 = vector.shape_cast %swap3A_208 : vector<1x16xf32> to vector<16xf32>
    %swap3A_210 = vector.shape_cast %broadcast_in_dim3A_1 : vector<16xf32> to vector<1x16xf32>
    tpu.vector_store %arg10[%swap3A_206, %swap3A_207], %swap3A_210 {strides = array<i32>} : memref<16x128xf32, #tpu.memory_space<vmem>>, vector<1x16xf32>,
    %swap3A_211 = arith.constant 4 : i32
    %swap3A_212 = arith.index_cast %swap3A_211 : i32 to index
    %swap3A_213 = arith.constant 48 : index
    %swap3A_214 = tpu.vector_load %arg10[%swap3A_212, %swap3A_213] {strides = array<i32>} : memref<16x128xf32, #tpu.memory_space<vmem>>, vector<1x16xf32>,
    %swap3A_215 = vector.shape_cast %swap3A_214 : vector<1x16xf32> to vector<16xf32>
    %swap3A_216 = vector.shape_cast %broadcast_in_dim3A_1 : vector<16xf32> to vector<1x16xf32>
    tpu.vector_store %arg10[%swap3A_212, %swap3A_213], %swap3A_216 {strides = array<i32>} : memref<16x128xf32, #tpu.memory_space<vmem>>, vector<1x16xf32>,
    %swap3A_217 = arith.constant 4 : i32
    %swap3A_218 = arith.index_cast %swap3A_217 : i32 to index
    %swap3A_219 = arith.constant 64 : index
    %swap3A_220 = tpu.vector_load %arg10[%swap3A_218, %swap3A_219] {strides = array<i32>} : memref<16x128xf32, #tpu.memory_space<vmem>>, vector<1x16xf32>,
    %swap3A_221 = vector.shape_cast %swap3A_220 : vector<1x16xf32> to vector<16xf32>
    %swap3A_222 = vector.shape_cast %broadcast_in_dim3A_1 : vector<16xf32> to vector<1x16xf32>
    tpu.vector_store %arg10[%swap3A_218, %swap3A_219], %swap3A_222 {strides = array<i32>} : memref<16x128xf32, #tpu.memory_space<vmem>>, vector<1x16xf32>,
    %swap3A_223 = arith.constant 4 : i32
    %swap3A_224 = arith.index_cast %swap3A_223 : i32 to index
    %swap3A_225 = arith.constant 80 : index
    %swap3A_226 = tpu.vector_load %arg10[%swap3A_224, %swap3A_225] {strides = array<i32>} : memref<16x128xf32, #tpu.memory_space<vmem>>, vector<1x16xf32>,
    %swap3A_227 = vector.shape_cast %swap3A_226 : vector<1x16xf32> to vector<16xf32>
    %swap3A_228 = vector.shape_cast %broadcast_in_dim3A_1 : vector<16xf32> to vector<1x16xf32>
    tpu.vector_store %arg10[%swap3A_224, %swap3A_225], %swap3A_228 {strides = array<i32>} : memref<16x128xf32, #tpu.memory_space<vmem>>, vector<1x16xf32>,
    %swap3A_229 = arith.constant 4 : i32
    %swap3A_230 = arith.index_cast %swap3A_229 : i32 to index
    %swap3A_231 = arith.constant 96 : index
    %swap3A_232 = tpu.vector_load %arg10[%swap3A_230, %swap3A_231] {strides = array<i32>} : memref<16x128xf32, #tpu.memory_space<vmem>>, vector<1x16xf32>,
    %swap3A_233 = vector.shape_cast %swap3A_232 : vector<1x16xf32> to vector<16xf32>
    %swap3A_234 = vector.shape_cast %broadcast_in_dim3A_1 : vector<16xf32> to vector<1x16xf32>
    tpu.vector_store %arg10[%swap3A_230, %swap3A_231], %swap3A_234 {strides = array<i32>} : memref<16x128xf32, #tpu.memory_space<vmem>>, vector<1x16xf32>,
    %swap3A_235 = arith.constant 4 : i32
    %swap3A_236 = arith.index_cast %swap3A_235 : i32 to index
    %swap3A_237 = arith.constant 112 : index
    %swap3A_238 = tpu.vector_load %arg10[%swap3A_236, %swap3A_237] {strides = array<i32>} : memref<16x128xf32, #tpu.memory_space<vmem>>, vector<1x16xf32>,
    %swap3A_239 = vector.shape_cast %swap3A_238 : vector<1x16xf32> to vector<16xf32>
    %swap3A_240 = vector.shape_cast %broadcast_in_dim3A_1 : vector<16xf32> to vector<1x16xf32>
    tpu.vector_store %arg10[%swap3A_236, %swap3A_237], %swap3A_240 {strides = array<i32>} : memref<16x128xf32, #tpu.memory_space<vmem>>, vector<1x16xf32>,
    %swap3A_241 = arith.constant 5 : i32
    %swap3A_242 = arith.index_cast %swap3A_241 : i32 to index
    %swap3A_243 = arith.constant 0 : index
    %swap3A_244 = tpu.vector_load %arg10[%swap3A_242, %swap3A_243] {strides = array<i32>} : memref<16x128xf32, #tpu.memory_space<vmem>>, vector<1x16xf32>,
    %swap3A_245 = vector.shape_cast %swap3A_244 : vector<1x16xf32> to vector<16xf32>
    %swap3A_246 = vector.shape_cast %broadcast_in_dim3A_1 : vector<16xf32> to vector<1x16xf32>
    tpu.vector_store %arg10[%swap3A_242, %swap3A_243], %swap3A_246 {strides = array<i32>} : memref<16x128xf32, #tpu.memory_space<vmem>>, vector<1x16xf32>,
    %swap3A_247 = arith.constant 5 : i32
    %swap3A_248 = arith.index_cast %swap3A_247 : i32 to index
    %swap3A_249 = arith.constant 16 : index
    %swap3A_250 = tpu.vector_load %arg10[%swap3A_248, %swap3A_249] {strides = array<i32>} : memref<16x128xf32, #tpu.memory_space<vmem>>, vector<1x16xf32>,
    %swap3A_251 = vector.shape_cast %swap3A_250 : vector<1x16xf32> to vector<16xf32>
    %swap3A_252 = vector.shape_cast %broadcast_in_dim3A_1 : vector<16xf32> to vector<1x16xf32>
    tpu.vector_store %arg10[%swap3A_248, %swap3A_249], %swap3A_252 {strides = array<i32>} : memref<16x128xf32, #tpu.memory_space<vmem>>, vector<1x16xf32>,
    %swap3A_253 = arith.constant 5 : i32
    %swap3A_254 = arith.index_cast %swap3A_253 : i32 to index
    %swap3A_255 = arith.constant 32 : index
    %swap3A_256 = tpu.vector_load %arg10[%swap3A_254, %swap3A_255] {strides = array<i32>} : memref<16x128xf32, #tpu.memory_space<vmem>>, vector<1x16xf32>,
    %swap3A_257 = vector.shape_cast %swap3A_256 : vector<1x16xf32> to vector<16xf32>
    %swap3A_258 = vector.shape_cast %broadcast_in_dim3A_1 : vector<16xf32> to vector<1x16xf32>
    tpu.vector_store %arg10[%swap3A_254, %swap3A_255], %swap3A_258 {strides = array<i32>} : memref<16x128xf32, #tpu.memory_space<vmem>>, vector<1x16xf32>,
    %swap3A_259 = arith.constant 5 : i32
    %swap3A_260 = arith.index_cast %swap3A_259 : i32 to index
    %swap3A_261 = arith.constant 48 : index
    %swap3A_262 = tpu.vector_load %arg10[%swap3A_260, %swap3A_261] {strides = array<i32>} : memref<16x128xf32, #tpu.memory_space<vmem>>, vector<1x16xf32>,
    %swap3A_263 = vector.shape_cast %swap3A_262 : vector<1x16xf32> to vector<16xf32>
    %swap3A_264 = vector.shape_cast %broadcast_in_dim3A_1 : vector<16xf32> to vector<1x16xf32>
    tpu.vector_store %arg10[%swap3A_260, %swap3A_261], %swap3A_264 {strides = array<i32>} : memref<16x128xf32, #tpu.memory_space<vmem>>, vector<1x16xf32>,
    %swap3A_265 = arith.constant 5 : i32
    %swap3A_266 = arith.index_cast %swap3A_265 : i32 to index
    %swap3A_267 = arith.constant 64 : index
    %swap3A_268 = tpu.vector_load %arg10[%swap3A_266, %swap3A_267] {strides = array<i32>} : memref<16x128xf32, #tpu.memory_space<vmem>>, vector<1x16xf32>,
    %swap3A_269 = vector.shape_cast %swap3A_268 : vector<1x16xf32> to vector<16xf32>
    %swap3A_270 = vector.shape_cast %broadcast_in_dim3A_1 : vector<16xf32> to vector<1x16xf32>
    tpu.vector_store %arg10[%swap3A_266, %swap3A_267], %swap3A_270 {strides = array<i32>} : memref<16x128xf32, #tpu.memory_space<vmem>>, vector<1x16xf32>,
    %swap3A_271 = arith.constant 5 : i32
    %swap3A_272 = arith.index_cast %swap3A_271 : i32 to index
    %swap3A_273 = arith.constant 80 : index
    %swap3A_274 = tpu.vector_load %arg10[%swap3A_272, %swap3A_273] {strides = array<i32>} : memref<16x128xf32, #tpu.memory_space<vmem>>, vector<1x16xf32>,
    %swap3A_275 = vector.shape_cast %swap3A_274 : vector<1x16xf32> to vector<16xf32>
    %swap3A_276 = vector.shape_cast %broadcast_in_dim3A_1 : vector<16xf32> to vector<1x16xf32>
    tpu.vector_store %arg10[%swap3A_272, %swap3A_273], %swap3A_276 {strides = array<i32>} : memref<16x128xf32, #tpu.memory_space<vmem>>, vector<1x16xf32>,
    %swap3A_277 = arith.constant 5 : i32
    %swap3A_278 = arith.index_cast %swap3A_277 : i32 to index
    %swap3A_279 = arith.constant 96 : index
    %swap3A_280 = tpu.vector_load %arg10[%swap3A_278, %swap3A_279] {strides = array<i32>} : memref<16x128xf32, #tpu.memory_space<vmem>>, vector<1x16xf32>,
    %swap3A_281 = vector.shape_cast %swap3A_280 : vector<1x16xf32> to vector<16xf32>
    %swap3A_282 = vector.shape_cast %broadcast_in_dim3A_1 : vector<16xf32> to vector<1x16xf32>
    tpu.vector_store %arg10[%swap3A_278, %swap3A_279], %swap3A_282 {strides = array<i32>} : memref<16x128xf32, #tpu.memory_space<vmem>>, vector<1x16xf32>,
    %swap3A_283 = arith.constant 5 : i32
    %swap3A_284 = arith.index_cast %swap3A_283 : i32 to index
    %swap3A_285 = arith.constant 112 : index
    %swap3A_286 = tpu.vector_load %arg10[%swap3A_284, %swap3A_285] {strides = array<i32>} : memref<16x128xf32, #tpu.memory_space<vmem>>, vector<1x16xf32>,
    %swap3A_287 = vector.shape_cast %swap3A_286 : vector<1x16xf32> to vector<16xf32>
    %swap3A_288 = vector.shape_cast %broadcast_in_dim3A_1 : vector<16xf32> to vector<1x16xf32>
    tpu.vector_store %arg10[%swap3A_284, %swap3A_285], %swap3A_288 {strides = array<i32>} : memref<16x128xf32, #tpu.memory_space<vmem>>, vector<1x16xf32>,
    %swap3A_289 = arith.constant 6 : i32
    %swap3A_290 = arith.index_cast %swap3A_289 : i32 to index
    %swap3A_291 = arith.constant 0 : index
    %swap3A_292 = tpu.vector_load %arg10[%swap3A_290, %swap3A_291] {strides = array<i32>} : memref<16x128xf32, #tpu.memory_space<vmem>>, vector<1x16xf32>,
    %swap3A_293 = vector.shape_cast %swap3A_292 : vector<1x16xf32> to vector<16xf32>
    %swap3A_294 = vector.shape_cast %broadcast_in_dim3A_1 : vector<16xf32> to vector<1x16xf32>
    tpu.vector_store %arg10[%swap3A_290, %swap3A_291], %swap3A_294 {strides = array<i32>} : memref<16x128xf32, #tpu.memory_space<vmem>>, vector<1x16xf32>,
    %swap3A_295 = arith.constant 6 : i32
    %swap3A_296 = arith.index_cast %swap3A_295 : i32 to index
    %swap3A_297 = arith.constant 16 : index
    %swap3A_298 = tpu.vector_load %arg10[%swap3A_296, %swap3A_297] {strides = array<i32>} : memref<16x128xf32, #tpu.memory_space<vmem>>, vector<1x16xf32>,
    %swap3A_299 = vector.shape_cast %swap3A_298 : vector<1x16xf32> to vector<16xf32>
    %swap3A_300 = vector.shape_cast %broadcast_in_dim3A_1 : vector<16xf32> to vector<1x16xf32>
    tpu.vector_store %arg10[%swap3A_296, %swap3A_297], %swap3A_300 {strides = array<i32>} : memref<16x128xf32, #tpu.memory_space<vmem>>, vector<1x16xf32>,
    %swap3A_301 = arith.constant 6 : i32
    %swap3A_302 = arith.index_cast %swap3A_301 : i32 to index
    %swap3A_303 = arith.constant 32 : index
    %swap3A_304 = tpu.vector_load %arg10[%swap3A_302, %swap3A_303] {strides = array<i32>} : memref<16x128xf32, #tpu.memory_space<vmem>>, vector<1x16xf32>,
    %swap3A_305 = vector.shape_cast %swap3A_304 : vector<1x16xf32> to vector<16xf32>
    %swap3A_306 = vector.shape_cast %broadcast_in_dim3A_1 : vector<16xf32> to vector<1x16xf32>
    tpu.vector_store %arg10[%swap3A_302, %swap3A_303], %swap3A_306 {strides = array<i32>} : memref<16x128xf32, #tpu.memory_space<vmem>>, vector<1x16xf32>,
    %swap3A_307 = arith.constant 6 : i32
    %swap3A_308 = arith.index_cast %swap3A_307 : i32 to index
    %swap3A_309 = arith.constant 48 : index
    %swap3A_310 = tpu.vector_load %arg10[%swap3A_308, %swap3A_309] {strides = array<i32>} : memref<16x128xf32, #tpu.memory_space<vmem>>, vector<1x16xf32>,
    %swap3A_311 = vector.shape_cast %swap3A_310 : vector<1x16xf32> to vector<16xf32>
    %swap3A_312 = vector.shape_cast %broadcast_in_dim3A_1 : vector<16xf32> to vector<1x16xf32>
    tpu.vector_store %arg10[%swap3A_308, %swap3A_309], %swap3A_312 {strides = array<i32>} : memref<16x128xf32, #tpu.memory_space<vmem>>, vector<1x16xf32>,
    %swap3A_313 = arith.constant 6 : i32
    %swap3A_314 = arith.index_cast %swap3A_313 : i32 to index
    %swap3A_315 = arith.constant 64 : index
    %swap3A_316 = tpu.vector_load %arg10[%swap3A_314, %swap3A_315] {strides = array<i32>} : memref<16x128xf32, #tpu.memory_space<vmem>>, vector<1x16xf32>,
    %swap3A_317 = vector.shape_cast %swap3A_316 : vector<1x16xf32> to vector<16xf32>
    %swap3A_318 = vector.shape_cast %broadcast_in_dim3A_1 : vector<16xf32> to vector<1x16xf32>
    tpu.vector_store %arg10[%swap3A_314, %swap3A_315], %swap3A_318 {strides = array<i32>} : memref<16x128xf32, #tpu.memory_space<vmem>>, vector<1x16xf32>,
    %swap3A_319 = arith.constant 6 : i32
    %swap3A_320 = arith.index_cast %swap3A_319 : i32 to index
    %swap3A_321 = arith.constant 80 : index
    %swap3A_322 = tpu.vector_load %arg10[%swap3A_320, %swap3A_321] {strides = array<i32>} : memref<16x128xf32, #tpu.memory_space<vmem>>, vector<1x16xf32>,
    %swap3A_323 = vector.shape_cast %swap3A_322 : vector<1x16xf32> to vector<16xf32>
    %swap3A_324 = vector.shape_cast %broadcast_in_dim3A_1 : vector<16xf32> to vector<1x16xf32>
    tpu.vector_store %arg10[%swap3A_320, %swap3A_321], %swap3A_324 {strides = array<i32>} : memref<16x128xf32, #tpu.memory_space<vmem>>, vector<1x16xf32>,
    %swap3A_325 = arith.constant 6 : i32
    %swap3A_326 = arith.index_cast %swap3A_325 : i32 to index
    %swap3A_327 = arith.constant 96 : index
    %swap3A_328 = tpu.vector_load %arg10[%swap3A_326, %swap3A_327] {strides = array<i32>} : memref<16x128xf32, #tpu.memory_space<vmem>>, vector<1x16xf32>,
    %swap3A_329 = vector.shape_cast %swap3A_328 : vector<1x16xf32> to vector<16xf32>
    %swap3A_330 = vector.shape_cast %broadcast_in_dim3A_1 : vector<16xf32> to vector<1x16xf32>
    tpu.vector_store %arg10[%swap3A_326, %swap3A_327], %swap3A_330 {strides = array<i32>} : memref<16x128xf32, #tpu.memory_space<vmem>>, vector<1x16xf32>,
    %swap3A_331 = arith.constant 6 : i32
    %swap3A_332 = arith.index_cast %swap3A_331 : i32 to index
    %swap3A_333 = arith.constant 112 : index
    %swap3A_334 = tpu.vector_load %arg10[%swap3A_332, %swap3A_333] {strides = array<i32>} : memref<16x128xf32, #tpu.memory_space<vmem>>, vector<1x16xf32>,
    %swap3A_335 = vector.shape_cast %swap3A_334 : vector<1x16xf32> to vector<16xf32>
    %swap3A_336 = vector.shape_cast %broadcast_in_dim3A_1 : vector<16xf32> to vector<1x16xf32>
    tpu.vector_store %arg10[%swap3A_332, %swap3A_333], %swap3A_336 {strides = array<i32>} : memref<16x128xf32, #tpu.memory_space<vmem>>, vector<1x16xf32>,
    %swap3A_337 = arith.constant 7 : i32
    %swap3A_338 = arith.index_cast %swap3A_337 : i32 to index
    %swap3A_339 = arith.constant 0 : index
    %swap3A_340 = tpu.vector_load %arg10[%swap3A_338, %swap3A_339] {strides = array<i32>} : memref<16x128xf32, #tpu.memory_space<vmem>>, vector<1x16xf32>,
    %swap3A_341 = vector.shape_cast %swap3A_340 : vector<1x16xf32> to vector<16xf32>
    %swap3A_342 = vector.shape_cast %broadcast_in_dim3A_1 : vector<16xf32> to vector<1x16xf32>
    tpu.vector_store %arg10[%swap3A_338, %swap3A_339], %swap3A_342 {strides = array<i32>} : memref<16x128xf32, #tpu.memory_space<vmem>>, vector<1x16xf32>,
    %swap3A_343 = arith.constant 7 : i32
    %swap3A_344 = arith.index_cast %swap3A_343 : i32 to index
    %swap3A_345 = arith.constant 16 : index
    %swap3A_346 = tpu.vector_load %arg10[%swap3A_344, %swap3A_345] {strides = array<i32>} : memref<16x128xf32, #tpu.memory_space<vmem>>, vector<1x16xf32>,
    %swap3A_347 = vector.shape_cast %swap3A_346 : vector<1x16xf32> to vector<16xf32>
    %swap3A_348 = vector.shape_cast %broadcast_in_dim3A_1 : vector<16xf32> to vector<1x16xf32>
    tpu.vector_store %arg10[%swap3A_344, %swap3A_345], %swap3A_348 {strides = array<i32>} : memref<16x128xf32, #tpu.memory_space<vmem>>, vector<1x16xf32>,
    %swap3A_349 = arith.constant 7 : i32
    %swap3A_350 = arith.index_cast %swap3A_349 : i32 to index
    %swap3A_351 = arith.constant 32 : index
    %swap3A_352 = tpu.vector_load %arg10[%swap3A_350, %swap3A_351] {strides = array<i32>} : memref<16x128xf32, #tpu.memory_space<vmem>>, vector<1x16xf32>,
    %swap3A_353 = vector.shape_cast %swap3A_352 : vector<1x16xf32> to vector<16xf32>
    %swap3A_354 = vector.shape_cast %broadcast_in_dim3A_1 : vector<16xf32> to vector<1x16xf32>
    tpu.vector_store %arg10[%swap3A_350, %swap3A_351], %swap3A_354 {strides = array<i32>} : memref<16x128xf32, #tpu.memory_space<vmem>>, vector<1x16xf32>,
    %swap3A_355 = arith.constant 7 : i32
    %swap3A_356 = arith.index_cast %swap3A_355 : i32 to index
    %swap3A_357 = arith.constant 48 : index
    %swap3A_358 = tpu.vector_load %arg10[%swap3A_356, %swap3A_357] {strides = array<i32>} : memref<16x128xf32, #tpu.memory_space<vmem>>, vector<1x16xf32>,
    %swap3A_359 = vector.shape_cast %swap3A_358 : vector<1x16xf32> to vector<16xf32>
    %swap3A_360 = vector.shape_cast %broadcast_in_dim3A_1 : vector<16xf32> to vector<1x16xf32>
    tpu.vector_store %arg10[%swap3A_356, %swap3A_357], %swap3A_360 {strides = array<i32>} : memref<16x128xf32, #tpu.memory_space<vmem>>, vector<1x16xf32>,
    %swap3A_361 = arith.constant 7 : i32
    %swap3A_362 = arith.index_cast %swap3A_361 : i32 to index
    %swap3A_363 = arith.constant 64 : index
    %swap3A_364 = tpu.vector_load %arg10[%swap3A_362, %swap3A_363] {strides = array<i32>} : memref<16x128xf32, #tpu.memory_space<vmem>>, vector<1x16xf32>,
    %swap3A_365 = vector.shape_cast %swap3A_364 : vector<1x16xf32> to vector<16xf32>
    %swap3A_366 = vector.shape_cast %broadcast_in_dim3A_1 : vector<16xf32> to vector<1x16xf32>
    tpu.vector_store %arg10[%swap3A_362, %swap3A_363], %swap3A_366 {strides = array<i32>} : memref<16x128xf32, #tpu.memory_space<vmem>>, vector<1x16xf32>,
    %swap3A_367 = arith.constant 7 : i32
    %swap3A_368 = arith.index_cast %swap3A_367 : i32 to index
    %swap3A_369 = arith.constant 80 : index
    %swap3A_370 = tpu.vector_load %arg10[%swap3A_368, %swap3A_369] {strides = array<i32>} : memref<16x128xf32, #tpu.memory_space<vmem>>, vector<1x16xf32>,
    %swap3A_371 = vector.shape_cast %swap3A_370 : vector<1x16xf32> to vector<16xf32>
    %swap3A_372 = vector.shape_cast %broadcast_in_dim3A_1 : vector<16xf32> to vector<1x16xf32>
    tpu.vector_store %arg10[%swap3A_368, %swap3A_369], %swap3A_372 {strides = array<i32>} : memref<16x128xf32, #tpu.memory_space<vmem>>, vector<1x16xf32>,
    %swap3A_373 = arith.constant 7 : i32
    %swap3A_374 = arith.index_cast %swap3A_373 : i32 to index
    %swap3A_375 = arith.constant 96 : index
    %swap3A_376 = tpu.vector_load %arg10[%swap3A_374, %swap3A_375] {strides = array<i32>} : memref<16x128xf32, #tpu.memory_space<vmem>>, vector<1x16xf32>,
    %swap3A_377 = vector.shape_cast %swap3A_376 : vector<1x16xf32> to vector<16xf32>
    %swap3A_378 = vector.shape_cast %broadcast_in_dim3A_1 : vector<16xf32> to vector<1x16xf32>
    tpu.vector_store %arg10[%swap3A_374, %swap3A_375], %swap3A_378 {strides = array<i32>} : memref<16x128xf32, #tpu.memory_space<vmem>>, vector<1x16xf32>,
    %swap3A_379 = arith.constant 7 : i32
    %swap3A_380 = arith.index_cast %swap3A_379 : i32 to index
    %swap3A_381 = arith.constant 112 : index
    %swap3A_382 = tpu.vector_load %arg10[%swap3A_380, %swap3A_381] {strides = array<i32>} : memref<16x128xf32, #tpu.memory_space<vmem>>, vector<1x16xf32>,
    %swap3A_383 = vector.shape_cast %swap3A_382 : vector<1x16xf32> to vector<16xf32>
    %swap3A_384 = vector.shape_cast %broadcast_in_dim3A_1 : vector<16xf32> to vector<1x16xf32>
    tpu.vector_store %arg10[%swap3A_380, %swap3A_381], %swap3A_384 {strides = array<i32>} : memref<16x128xf32, #tpu.memory_space<vmem>>, vector<1x16xf32>,
    %swap3A_385 = arith.constant 8 : i32
    %swap3A_386 = arith.index_cast %swap3A_385 : i32 to index
    %swap3A_387 = arith.constant 0 : index
    %swap3A_388 = tpu.vector_load %arg10[%swap3A_386, %swap3A_387] {strides = array<i32>} : memref<16x128xf32, #tpu.memory_space<vmem>>, vector<1x16xf32>,
    %swap3A_389 = vector.shape_cast %swap3A_388 : vector<1x16xf32> to vector<16xf32>
    %swap3A_390 = vector.shape_cast %broadcast_in_dim3A_1 : vector<16xf32> to vector<1x16xf32>
    tpu.vector_store %arg10[%swap3A_386, %swap3A_387], %swap3A_390 {strides = array<i32>} : memref<16x128xf32, #tpu.memory_space<vmem>>, vector<1x16xf32>,
    %swap3A_391 = arith.constant 8 : i32
    %swap3A_392 = arith.index_cast %swap3A_391 : i32 to index
    %swap3A_393 = arith.constant 16 : index
    %swap3A_394 = tpu.vector_load %arg10[%swap3A_392, %swap3A_393] {strides = array<i32>} : memref<16x128xf32, #tpu.memory_space<vmem>>, vector<1x16xf32>,
    %swap3A_395 = vector.shape_cast %swap3A_394 : vector<1x16xf32> to vector<16xf32>
    %swap3A_396 = vector.shape_cast %broadcast_in_dim3A_1 : vector<16xf32> to vector<1x16xf32>
    tpu.vector_store %arg10[%swap3A_392, %swap3A_393], %swap3A_396 {strides = array<i32>} : memref<16x128xf32, #tpu.memory_space<vmem>>, vector<1x16xf32>,
    %swap3A_397 = arith.constant 8 : i32
    %swap3A_398 = arith.index_cast %swap3A_397 : i32 to index
    %swap3A_399 = arith.constant 32 : index
    %swap3A_400 = tpu.vector_load %arg10[%swap3A_398, %swap3A_399] {strides = array<i32>} : memref<16x128xf32, #tpu.memory_space<vmem>>, vector<1x16xf32>,
    %swap3A_401 = vector.shape_cast %swap3A_400 : vector<1x16xf32> to vector<16xf32>
    %swap3A_402 = vector.shape_cast %broadcast_in_dim3A_1 : vector<16xf32> to vector<1x16xf32>
    tpu.vector_store %arg10[%swap3A_398, %swap3A_399], %swap3A_402 {strides = array<i32>} : memref<16x128xf32, #tpu.memory_space<vmem>>, vector<1x16xf32>,
    %swap3A_403 = arith.constant 8 : i32
    %swap3A_404 = arith.index_cast %swap3A_403 : i32 to index
    %swap3A_405 = arith.constant 48 : index
    %swap3A_406 = tpu.vector_load %arg10[%swap3A_404, %swap3A_405] {strides = array<i32>} : memref<16x128xf32, #tpu.memory_space<vmem>>, vector<1x16xf32>,
    %swap3A_407 = vector.shape_cast %swap3A_406 : vector<1x16xf32> to vector<16xf32>
    %swap3A_408 = vector.shape_cast %broadcast_in_dim3A_1 : vector<16xf32> to vector<1x16xf32>
    tpu.vector_store %arg10[%swap3A_404, %swap3A_405], %swap3A_408 {strides = array<i32>} : memref<16x128xf32, #tpu.memory_space<vmem>>, vector<1x16xf32>,
    %swap3A_409 = arith.constant 8 : i32
    %swap3A_410 = arith.index_cast %swap3A_409 : i32 to index
    %swap3A_411 = arith.constant 64 : index
    %swap3A_412 = tpu.vector_load %arg10[%swap3A_410, %swap3A_411] {strides = array<i32>} : memref<16x128xf32, #tpu.memory_space<vmem>>, vector<1x16xf32>,
    %swap3A_413 = vector.shape_cast %swap3A_412 : vector<1x16xf32> to vector<16xf32>
    %swap3A_414 = vector.shape_cast %broadcast_in_dim3A_1 : vector<16xf32> to vector<1x16xf32>
    tpu.vector_store %arg10[%swap3A_410, %swap3A_411], %swap3A_414 {strides = array<i32>} : memref<16x128xf32, #tpu.memory_space<vmem>>, vector<1x16xf32>,
    %swap3A_415 = arith.constant 8 : i32
    %swap3A_416 = arith.index_cast %swap3A_415 : i32 to index
    %swap3A_417 = arith.constant 80 : index
    %swap3A_418 = tpu.vector_load %arg10[%swap3A_416, %swap3A_417] {strides = array<i32>} : memref<16x128xf32, #tpu.memory_space<vmem>>, vector<1x16xf32>,
    %swap3A_419 = vector.shape_cast %swap3A_418 : vector<1x16xf32> to vector<16xf32>
    %swap3A_420 = vector.shape_cast %broadcast_in_dim3A_1 : vector<16xf32> to vector<1x16xf32>
    tpu.vector_store %arg10[%swap3A_416, %swap3A_417], %swap3A_420 {strides = array<i32>} : memref<16x128xf32, #tpu.memory_space<vmem>>, vector<1x16xf32>,
    %swap3A_421 = arith.constant 8 : i32
    %swap3A_422 = arith.index_cast %swap3A_421 : i32 to index
    %swap3A_423 = arith.constant 96 : index
    %swap3A_424 = tpu.vector_load %arg10[%swap3A_422, %swap3A_423] {strides = array<i32>} : memref<16x128xf32, #tpu.memory_space<vmem>>, vector<1x16xf32>,
    %swap3A_425 = vector.shape_cast %swap3A_424 : vector<1x16xf32> to vector<16xf32>
    %swap3A_426 = vector.shape_cast %broadcast_in_dim3A_1 : vector<16xf32> to vector<1x16xf32>
    tpu.vector_store %arg10[%swap3A_422, %swap3A_423], %swap3A_426 {strides = array<i32>} : memref<16x128xf32, #tpu.memory_space<vmem>>, vector<1x16xf32>,
    %swap3A_427 = arith.constant 8 : i32
    %swap3A_428 = arith.index_cast %swap3A_427 : i32 to index
    %swap3A_429 = arith.constant 112 : index
    %swap3A_430 = tpu.vector_load %arg10[%swap3A_428, %swap3A_429] {strides = array<i32>} : memref<16x128xf32, #tpu.memory_space<vmem>>, vector<1x16xf32>,
    %swap3A_431 = vector.shape_cast %swap3A_430 : vector<1x16xf32> to vector<16xf32>
    %swap3A_432 = vector.shape_cast %broadcast_in_dim3A_1 : vector<16xf32> to vector<1x16xf32>
    tpu.vector_store %arg10[%swap3A_428, %swap3A_429], %swap3A_432 {strides = array<i32>} : memref<16x128xf32, #tpu.memory_space<vmem>>, vector<1x16xf32>,
    %swap3A_433 = arith.constant 9 : i32
    %swap3A_434 = arith.index_cast %swap3A_433 : i32 to index
    %swap3A_435 = arith.constant 0 : index
    %swap3A_436 = tpu.vector_load %arg10[%swap3A_434, %swap3A_435] {strides = array<i32>} : memref<16x128xf32, #tpu.memory_space<vmem>>, vector<1x16xf32>,
    %swap3A_437 = vector.shape_cast %swap3A_436 : vector<1x16xf32> to vector<16xf32>
    %swap3A_438 = vector.shape_cast %broadcast_in_dim3A_1 : vector<16xf32> to vector<1x16xf32>
    tpu.vector_store %arg10[%swap3A_434, %swap3A_435], %swap3A_438 {strides = array<i32>} : memref<16x128xf32, #tpu.memory_space<vmem>>, vector<1x16xf32>,
    %swap3A_439 = arith.constant 9 : i32
    %swap3A_440 = arith.index_cast %swap3A_439 : i32 to index
    %swap3A_441 = arith.constant 16 : index
    %swap3A_442 = tpu.vector_load %arg10[%swap3A_440, %swap3A_441] {strides = array<i32>} : memref<16x128xf32, #tpu.memory_space<vmem>>, vector<1x16xf32>,
    %swap3A_443 = vector.shape_cast %swap3A_442 : vector<1x16xf32> to vector<16xf32>
    %swap3A_444 = vector.shape_cast %broadcast_in_dim3A_1 : vector<16xf32> to vector<1x16xf32>
    tpu.vector_store %arg10[%swap3A_440, %swap3A_441], %swap3A_444 {strides = array<i32>} : memref<16x128xf32, #tpu.memory_space<vmem>>, vector<1x16xf32>,
    %swap3A_445 = arith.constant 9 : i32
    %swap3A_446 = arith.index_cast %swap3A_445 : i32 to index
    %swap3A_447 = arith.constant 32 : index
    %swap3A_448 = tpu.vector_load %arg10[%swap3A_446, %swap3A_447] {strides = array<i32>} : memref<16x128xf32, #tpu.memory_space<vmem>>, vector<1x16xf32>,
    %swap3A_449 = vector.shape_cast %swap3A_448 : vector<1x16xf32> to vector<16xf32>
    %swap3A_450 = vector.shape_cast %broadcast_in_dim3A_1 : vector<16xf32> to vector<1x16xf32>
    tpu.vector_store %arg10[%swap3A_446, %swap3A_447], %swap3A_450 {strides = array<i32>} : memref<16x128xf32, #tpu.memory_space<vmem>>, vector<1x16xf32>,
    %swap3A_451 = arith.constant 9 : i32
    %swap3A_452 = arith.index_cast %swap3A_451 : i32 to index
    %swap3A_453 = arith.constant 48 : index
    %swap3A_454 = tpu.vector_load %arg10[%swap3A_452, %swap3A_453] {strides = array<i32>} : memref<16x128xf32, #tpu.memory_space<vmem>>, vector<1x16xf32>,
    %swap3A_455 = vector.shape_cast %swap3A_454 : vector<1x16xf32> to vector<16xf32>
    %swap3A_456 = vector.shape_cast %broadcast_in_dim3A_1 : vector<16xf32> to vector<1x16xf32>
    tpu.vector_store %arg10[%swap3A_452, %swap3A_453], %swap3A_456 {strides = array<i32>} : memref<16x128xf32, #tpu.memory_space<vmem>>, vector<1x16xf32>,
    %swap3A_457 = arith.constant 9 : i32
    %swap3A_458 = arith.index_cast %swap3A_457 : i32 to index
    %swap3A_459 = arith.constant 64 : index
    %swap3A_460 = tpu.vector_load %arg10[%swap3A_458, %swap3A_459] {strides = array<i32>} : memref<16x128xf32, #tpu.memory_space<vmem>>, vector<1x16xf32>,
    %swap3A_461 = vector.shape_cast %swap3A_460 : vector<1x16xf32> to vector<16xf32>
    %swap3A_462 = vector.shape_cast %broadcast_in_dim3A_1 : vector<16xf32> to vector<1x16xf32>
    tpu.vector_store %arg10[%swap3A_458, %swap3A_459], %swap3A_462 {strides = array<i32>} : memref<16x128xf32, #tpu.memory_space<vmem>>, vector<1x16xf32>,
    %swap3A_463 = arith.constant 9 : i32
    %swap3A_464 = arith.index_cast %swap3A_463 : i32 to index
    %swap3A_465 = arith.constant 80 : index
    %swap3A_466 = tpu.vector_load %arg10[%swap3A_464, %swap3A_465] {strides = array<i32>} : memref<16x128xf32, #tpu.memory_space<vmem>>, vector<1x16xf32>,
    %swap3A_467 = vector.shape_cast %swap3A_466 : vector<1x16xf32> to vector<16xf32>
    %swap3A_468 = vector.shape_cast %broadcast_in_dim3A_1 : vector<16xf32> to vector<1x16xf32>
    tpu.vector_store %arg10[%swap3A_464, %swap3A_465], %swap3A_468 {strides = array<i32>} : memref<16x128xf32, #tpu.memory_space<vmem>>, vector<1x16xf32>,
    %swap3A_469 = arith.constant 9 : i32
    %swap3A_470 = arith.index_cast %swap3A_469 : i32 to index
    %swap3A_471 = arith.constant 96 : index
    %swap3A_472 = tpu.vector_load %arg10[%swap3A_470, %swap3A_471] {strides = array<i32>} : memref<16x128xf32, #tpu.memory_space<vmem>>, vector<1x16xf32>,
    %swap3A_473 = vector.shape_cast %swap3A_472 : vector<1x16xf32> to vector<16xf32>
    %swap3A_474 = vector.shape_cast %broadcast_in_dim3A_1 : vector<16xf32> to vector<1x16xf32>
    tpu.vector_store %arg10[%swap3A_470, %swap3A_471], %swap3A_474 {strides = array<i32>} : memref<16x128xf32, #tpu.memory_space<vmem>>, vector<1x16xf32>,
    %swap3A_475 = arith.constant 9 : i32
    %swap3A_476 = arith.index_cast %swap3A_475 : i32 to index
    %swap3A_477 = arith.constant 112 : index
    %swap3A_478 = tpu.vector_load %arg10[%swap3A_476, %swap3A_477] {strides = array<i32>} : memref<16x128xf32, #tpu.memory_space<vmem>>, vector<1x16xf32>,
    %swap3A_479 = vector.shape_cast %swap3A_478 : vector<1x16xf32> to vector<16xf32>
    %swap3A_480 = vector.shape_cast %broadcast_in_dim3A_1 : vector<16xf32> to vector<1x16xf32>
    tpu.vector_store %arg10[%swap3A_476, %swap3A_477], %swap3A_480 {strides = array<i32>} : memref<16x128xf32, #tpu.memory_space<vmem>>, vector<1x16xf32>,
    %swap3A_481 = arith.constant 10 : i32
    %swap3A_482 = arith.index_cast %swap3A_481 : i32 to index
    %swap3A_483 = arith.constant 0 : index
    %swap3A_484 = tpu.vector_load %arg10[%swap3A_482, %swap3A_483] {strides = array<i32>} : memref<16x128xf32, #tpu.memory_space<vmem>>, vector<1x16xf32>,
    %swap3A_485 = vector.shape_cast %swap3A_484 : vector<1x16xf32> to vector<16xf32>
    %swap3A_486 = vector.shape_cast %broadcast_in_dim3A_1 : vector<16xf32> to vector<1x16xf32>
    tpu.vector_store %arg10[%swap3A_482, %swap3A_483], %swap3A_486 {strides = array<i32>} : memref<16x128xf32, #tpu.memory_space<vmem>>, vector<1x16xf32>,
    %swap3A_487 = arith.constant 10 : i32
    %swap3A_488 = arith.index_cast %swap3A_487 : i32 to index
    %swap3A_489 = arith.constant 16 : index
    %swap3A_490 = tpu.vector_load %arg10[%swap3A_488, %swap3A_489] {strides = array<i32>} : memref<16x128xf32, #tpu.memory_space<vmem>>, vector<1x16xf32>,
    %swap3A_491 = vector.shape_cast %swap3A_490 : vector<1x16xf32> to vector<16xf32>
    %swap3A_492 = vector.shape_cast %broadcast_in_dim3A_1 : vector<16xf32> to vector<1x16xf32>
    tpu.vector_store %arg10[%swap3A_488, %swap3A_489], %swap3A_492 {strides = array<i32>} : memref<16x128xf32, #tpu.memory_space<vmem>>, vector<1x16xf32>,
    %swap3A_493 = arith.constant 10 : i32
    %swap3A_494 = arith.index_cast %swap3A_493 : i32 to index
    %swap3A_495 = arith.constant 32 : index
    %swap3A_496 = tpu.vector_load %arg10[%swap3A_494, %swap3A_495] {strides = array<i32>} : memref<16x128xf32, #tpu.memory_space<vmem>>, vector<1x16xf32>,
    %swap3A_497 = vector.shape_cast %swap3A_496 : vector<1x16xf32> to vector<16xf32>
    %swap3A_498 = vector.shape_cast %broadcast_in_dim3A_1 : vector<16xf32> to vector<1x16xf32>
    tpu.vector_store %arg10[%swap3A_494, %swap3A_495], %swap3A_498 {strides = array<i32>} : memref<16x128xf32, #tpu.memory_space<vmem>>, vector<1x16xf32>,
    %swap3A_499 = arith.constant 10 : i32
    %swap3A_500 = arith.index_cast %swap3A_499 : i32 to index
    %swap3A_501 = arith.constant 48 : index
    %swap3A_502 = tpu.vector_load %arg10[%swap3A_500, %swap3A_501] {strides = array<i32>} : memref<16x128xf32, #tpu.memory_space<vmem>>, vector<1x16xf32>,
    %swap3A_503 = vector.shape_cast %swap3A_502 : vector<1x16xf32> to vector<16xf32>
    %swap3A_504 = vector.shape_cast %broadcast_in_dim3A_1 : vector<16xf32> to vector<1x16xf32>
    tpu.vector_store %arg10[%swap3A_500, %swap3A_501], %swap3A_504 {strides = array<i32>} : memref<16x128xf32, #tpu.memory_space<vmem>>, vector<1x16xf32>,
    %swap3A_505 = arith.constant 10 : i32
    %swap3A_506 = arith.index_cast %swap3A_505 : i32 to index
    %swap3A_507 = arith.constant 64 : index
    %swap3A_508 = tpu.vector_load %arg10[%swap3A_506, %swap3A_507] {strides = array<i32>} : memref<16x128xf32, #tpu.memory_space<vmem>>, vector<1x16xf32>,
    %swap3A_509 = vector.shape_cast %swap3A_508 : vector<1x16xf32> to vector<16xf32>
    %swap3A_510 = vector.shape_cast %broadcast_in_dim3A_1 : vector<16xf32> to vector<1x16xf32>
    tpu.vector_store %arg10[%swap3A_506, %swap3A_507], %swap3A_510 {strides = array<i32>} : memref<16x128xf32, #tpu.memory_space<vmem>>, vector<1x16xf32>,
    %swap3A_511 = arith.constant 10 : i32
    %swap3A_512 = arith.index_cast %swap3A_511 : i32 to index
    %swap3A_513 = arith.constant 80 : index
    %swap3A_514 = tpu.vector_load %arg10[%swap3A_512, %swap3A_513] {strides = array<i32>} : memref<16x128xf32, #tpu.memory_space<vmem>>, vector<1x16xf32>,
    %swap3A_515 = vector.shape_cast %swap3A_514 : vector<1x16xf32> to vector<16xf32>
    %swap3A_516 = vector.shape_cast %broadcast_in_dim3A_1 : vector<16xf32> to vector<1x16xf32>
    tpu.vector_store %arg10[%swap3A_512, %swap3A_513], %swap3A_516 {strides = array<i32>} : memref<16x128xf32, #tpu.memory_space<vmem>>, vector<1x16xf32>,
    %swap3A_517 = arith.constant 10 : i32
    %swap3A_518 = arith.index_cast %swap3A_517 : i32 to index
    %swap3A_519 = arith.constant 96 : index
    %swap3A_520 = tpu.vector_load %arg10[%swap3A_518, %swap3A_519] {strides = array<i32>} : memref<16x128xf32, #tpu.memory_space<vmem>>, vector<1x16xf32>,
    %swap3A_521 = vector.shape_cast %swap3A_520 : vector<1x16xf32> to vector<16xf32>
    %swap3A_522 = vector.shape_cast %broadcast_in_dim3A_1 : vector<16xf32> to vector<1x16xf32>
    tpu.vector_store %arg10[%swap3A_518, %swap3A_519], %swap3A_522 {strides = array<i32>} : memref<16x128xf32, #tpu.memory_space<vmem>>, vector<1x16xf32>,
    %swap3A_523 = arith.constant 10 : i32
    %swap3A_524 = arith.index_cast %swap3A_523 : i32 to index
    %swap3A_525 = arith.constant 112 : index
    %swap3A_526 = tpu.vector_load %arg10[%swap3A_524, %swap3A_525] {strides = array<i32>} : memref<16x128xf32, #tpu.memory_space<vmem>>, vector<1x16xf32>,
    %swap3A_527 = vector.shape_cast %swap3A_526 : vector<1x16xf32> to vector<16xf32>
    %swap3A_528 = vector.shape_cast %broadcast_in_dim3A_1 : vector<16xf32> to vector<1x16xf32>
    tpu.vector_store %arg10[%swap3A_524, %swap3A_525], %swap3A_528 {strides = array<i32>} : memref<16x128xf32, #tpu.memory_space<vmem>>, vector<1x16xf32>,
    %swap3A_529 = arith.constant 11 : i32
    %swap3A_530 = arith.index_cast %swap3A_529 : i32 to index
    %swap3A_531 = arith.constant 0 : index
    %swap3A_532 = tpu.vector_load %arg10[%swap3A_530, %swap3A_531] {strides = array<i32>} : memref<16x128xf32, #tpu.memory_space<vmem>>, vector<1x16xf32>,
    %swap3A_533 = vector.shape_cast %swap3A_532 : vector<1x16xf32> to vector<16xf32>
    %swap3A_534 = vector.shape_cast %broadcast_in_dim3A_1 : vector<16xf32> to vector<1x16xf32>
    tpu.vector_store %arg10[%swap3A_530, %swap3A_531], %swap3A_534 {strides = array<i32>} : memref<16x128xf32, #tpu.memory_space<vmem>>, vector<1x16xf32>,
    %swap3A_535 = arith.constant 11 : i32
    %swap3A_536 = arith.index_cast %swap3A_535 : i32 to index
    %swap3A_537 = arith.constant 16 : index
    %swap3A_538 = tpu.vector_load %arg10[%swap3A_536, %swap3A_537] {strides = array<i32>} : memref<16x128xf32, #tpu.memory_space<vmem>>, vector<1x16xf32>,
    %swap3A_539 = vector.shape_cast %swap3A_538 : vector<1x16xf32> to vector<16xf32>
    %swap3A_540 = vector.shape_cast %broadcast_in_dim3A_1 : vector<16xf32> to vector<1x16xf32>
    tpu.vector_store %arg10[%swap3A_536, %swap3A_537], %swap3A_540 {strides = array<i32>} : memref<16x128xf32, #tpu.memory_space<vmem>>, vector<1x16xf32>,
    %swap3A_541 = arith.constant 11 : i32
    %swap3A_542 = arith.index_cast %swap3A_541 : i32 to index
    %swap3A_543 = arith.constant 32 : index
    %swap3A_544 = tpu.vector_load %arg10[%swap3A_542, %swap3A_543] {strides = array<i32>} : memref<16x128xf32, #tpu.memory_space<vmem>>, vector<1x16xf32>,
    %swap3A_545 = vector.shape_cast %swap3A_544 : vector<1x16xf32> to vector<16xf32>
    %swap3A_546 = vector.shape_cast %broadcast_in_dim3A_1 : vector<16xf32> to vector<1x16xf32>
    tpu.vector_store %arg10[%swap3A_542, %swap3A_543], %swap3A_546 {strides = array<i32>} : memref<16x128xf32, #tpu.memory_space<vmem>>, vector<1x16xf32>,
    %swap3A_547 = arith.constant 11 : i32
    %swap3A_548 = arith.index_cast %swap3A_547 : i32 to index
    %swap3A_549 = arith.constant 48 : index
    %swap3A_550 = tpu.vector_load %arg10[%swap3A_548, %swap3A_549] {strides = array<i32>} : memref<16x128xf32, #tpu.memory_space<vmem>>, vector<1x16xf32>,
    %swap3A_551 = vector.shape_cast %swap3A_550 : vector<1x16xf32> to vector<16xf32>
    %swap3A_552 = vector.shape_cast %broadcast_in_dim3A_1 : vector<16xf32> to vector<1x16xf32>
    tpu.vector_store %arg10[%swap3A_548, %swap3A_549], %swap3A_552 {strides = array<i32>} : memref<16x128xf32, #tpu.memory_space<vmem>>, vector<1x16xf32>,
    %swap3A_553 = arith.constant 11 : i32
    %swap3A_554 = arith.index_cast %swap3A_553 : i32 to index
    %swap3A_555 = arith.constant 64 : index
    %swap3A_556 = tpu.vector_load %arg10[%swap3A_554, %swap3A_555] {strides = array<i32>} : memref<16x128xf32, #tpu.memory_space<vmem>>, vector<1x16xf32>,
    %swap3A_557 = vector.shape_cast %swap3A_556 : vector<1x16xf32> to vector<16xf32>
    %swap3A_558 = vector.shape_cast %broadcast_in_dim3A_1 : vector<16xf32> to vector<1x16xf32>
    tpu.vector_store %arg10[%swap3A_554, %swap3A_555], %swap3A_558 {strides = array<i32>} : memref<16x128xf32, #tpu.memory_space<vmem>>, vector<1x16xf32>,
    %swap3A_559 = arith.constant 11 : i32
    %swap3A_560 = arith.index_cast %swap3A_559 : i32 to index
    %swap3A_561 = arith.constant 80 : index
    %swap3A_562 = tpu.vector_load %arg10[%swap3A_560, %swap3A_561] {strides = array<i32>} : memref<16x128xf32, #tpu.memory_space<vmem>>, vector<1x16xf32>,
    %swap3A_563 = vector.shape_cast %swap3A_562 : vector<1x16xf32> to vector<16xf32>
    %swap3A_564 = vector.shape_cast %broadcast_in_dim3A_1 : vector<16xf32> to vector<1x16xf32>
    tpu.vector_store %arg10[%swap3A_560, %swap3A_561], %swap3A_564 {strides = array<i32>} : memref<16x128xf32, #tpu.memory_space<vmem>>, vector<1x16xf32>,
    %swap3A_565 = arith.constant 11 : i32
    %swap3A_566 = arith.index_cast %swap3A_565 : i32 to index
    %swap3A_567 = arith.constant 96 : index
    %swap3A_568 = tpu.vector_load %arg10[%swap3A_566, %swap3A_567] {strides = array<i32>} : memref<16x128xf32, #tpu.memory_space<vmem>>, vector<1x16xf32>,
    %swap3A_569 = vector.shape_cast %swap3A_568 : vector<1x16xf32> to vector<16xf32>
    %swap3A_570 = vector.shape_cast %broadcast_in_dim3A_1 : vector<16xf32> to vector<1x16xf32>
    tpu.vector_store %arg10[%swap3A_566, %swap3A_567], %swap3A_570 {strides = array<i32>} : memref<16x128xf32, #tpu.memory_space<vmem>>, vector<1x16xf32>,
    %swap3A_571 = arith.constant 11 : i32
    %swap3A_572 = arith.index_cast %swap3A_571 : i32 to index
    %swap3A_573 = arith.constant 112 : index
    %swap3A_574 = tpu.vector_load %arg10[%swap3A_572, %swap3A_573] {strides = array<i32>} : memref<16x128xf32, #tpu.memory_space<vmem>>, vector<1x16xf32>,
    %swap3A_575 = vector.shape_cast %swap3A_574 : vector<1x16xf32> to vector<16xf32>
    %swap3A_576 = vector.shape_cast %broadcast_in_dim3A_1 : vector<16xf32> to vector<1x16xf32>
    tpu.vector_store %arg10[%swap3A_572, %swap3A_573], %swap3A_576 {strides = array<i32>} : memref<16x128xf32, #tpu.memory_space<vmem>>, vector<1x16xf32>,
    %swap3A_577 = arith.constant 12 : i32
    %swap3A_578 = arith.index_cast %swap3A_577 : i32 to index
    %swap3A_579 = arith.constant 0 : index
    %swap3A_580 = tpu.vector_load %arg10[%swap3A_578, %swap3A_579] {strides = array<i32>} : memref<16x128xf32, #tpu.memory_space<vmem>>, vector<1x16xf32>,
    %swap3A_581 = vector.shape_cast %swap3A_580 : vector<1x16xf32> to vector<16xf32>
    %swap3A_582 = vector.shape_cast %broadcast_in_dim3A_1 : vector<16xf32> to vector<1x16xf32>
    tpu.vector_store %arg10[%swap3A_578, %swap3A_579], %swap3A_582 {strides = array<i32>} : memref<16x128xf32, #tpu.memory_space<vmem>>, vector<1x16xf32>,
    %swap3A_583 = arith.constant 12 : i32
    %swap3A_584 = arith.index_cast %swap3A_583 : i32 to index
    %swap3A_585 = arith.constant 16 : index
    %swap3A_586 = tpu.vector_load %arg10[%swap3A_584, %swap3A_585] {strides = array<i32>} : memref<16x128xf32, #tpu.memory_space<vmem>>, vector<1x16xf32>,
    %swap3A_587 = vector.shape_cast %swap3A_586 : vector<1x16xf32> to vector<16xf32>
    %swap3A_588 = vector.shape_cast %broadcast_in_dim3A_1 : vector<16xf32> to vector<1x16xf32>
    tpu.vector_store %arg10[%swap3A_584, %swap3A_585], %swap3A_588 {strides = array<i32>} : memref<16x128xf32, #tpu.memory_space<vmem>>, vector<1x16xf32>,
    %swap3A_589 = arith.constant 12 : i32
    %swap3A_590 = arith.index_cast %swap3A_589 : i32 to index
    %swap3A_591 = arith.constant 32 : index
    %swap3A_592 = tpu.vector_load %arg10[%swap3A_590, %swap3A_591] {strides = array<i32>} : memref<16x128xf32, #tpu.memory_space<vmem>>, vector<1x16xf32>,
    %swap3A_593 = vector.shape_cast %swap3A_592 : vector<1x16xf32> to vector<16xf32>
    %swap3A_594 = vector.shape_cast %broadcast_in_dim3A_1 : vector<16xf32> to vector<1x16xf32>
    tpu.vector_store %arg10[%swap3A_590, %swap3A_591], %swap3A_594 {strides = array<i32>} : memref<16x128xf32, #tpu.memory_space<vmem>>, vector<1x16xf32>,
    %swap3A_595 = arith.constant 12 : i32
    %swap3A_596 = arith.index_cast %swap3A_595 : i32 to index
    %swap3A_597 = arith.constant 48 : index
    %swap3A_598 = tpu.vector_load %arg10[%swap3A_596, %swap3A_597] {strides = array<i32>} : memref<16x128xf32, #tpu.memory_space<vmem>>, vector<1x16xf32>,
    %swap3A_599 = vector.shape_cast %swap3A_598 : vector<1x16xf32> to vector<16xf32>
    %swap3A_600 = vector.shape_cast %broadcast_in_dim3A_1 : vector<16xf32> to vector<1x16xf32>
    tpu.vector_store %arg10[%swap3A_596, %swap3A_597], %swap3A_600 {strides = array<i32>} : memref<16x128xf32, #tpu.memory_space<vmem>>, vector<1x16xf32>,
    %swap3A_601 = arith.constant 12 : i32
    %swap3A_602 = arith.index_cast %swap3A_601 : i32 to index
    %swap3A_603 = arith.constant 64 : index
    %swap3A_604 = tpu.vector_load %arg10[%swap3A_602, %swap3A_603] {strides = array<i32>} : memref<16x128xf32, #tpu.memory_space<vmem>>, vector<1x16xf32>,
    %swap3A_605 = vector.shape_cast %swap3A_604 : vector<1x16xf32> to vector<16xf32>
    %swap3A_606 = vector.shape_cast %broadcast_in_dim3A_1 : vector<16xf32> to vector<1x16xf32>
    tpu.vector_store %arg10[%swap3A_602, %swap3A_603], %swap3A_606 {strides = array<i32>} : memref<16x128xf32, #tpu.memory_space<vmem>>, vector<1x16xf32>,
    %swap3A_607 = arith.constant 12 : i32
    %swap3A_608 = arith.index_cast %swap3A_607 : i32 to index
    %swap3A_609 = arith.constant 80 : index
    %swap3A_610 = tpu.vector_load %arg10[%swap3A_608, %swap3A_609] {strides = array<i32>} : memref<16x128xf32, #tpu.memory_space<vmem>>, vector<1x16xf32>,
    %swap3A_611 = vector.shape_cast %swap3A_610 : vector<1x16xf32> to vector<16xf32>
    %swap3A_612 = vector.shape_cast %broadcast_in_dim3A_1 : vector<16xf32> to vector<1x16xf32>
    tpu.vector_store %arg10[%swap3A_608, %swap3A_609], %swap3A_612 {strides = array<i32>} : memref<16x128xf32, #tpu.memory_space<vmem>>, vector<1x16xf32>,
    %swap3A_613 = arith.constant 12 : i32
    %swap3A_614 = arith.index_cast %swap3A_613 : i32 to index
    %swap3A_615 = arith.constant 96 : index
    %swap3A_616 = tpu.vector_load %arg10[%swap3A_614, %swap3A_615] {strides = array<i32>} : memref<16x128xf32, #tpu.memory_space<vmem>>, vector<1x16xf32>,
    %swap3A_617 = vector.shape_cast %swap3A_616 : vector<1x16xf32> to vector<16xf32>
    %swap3A_618 = vector.shape_cast %broadcast_in_dim3A_1 : vector<16xf32> to vector<1x16xf32>
    tpu.vector_store %arg10[%swap3A_614, %swap3A_615], %swap3A_618 {strides = array<i32>} : memref<16x128xf32, #tpu.memory_space<vmem>>, vector<1x16xf32>,
    %swap3A_619 = arith.constant 12 : i32
    %swap3A_620 = arith.index_cast %swap3A_619 : i32 to index
    %swap3A_621 = arith.constant 112 : index
    %swap3A_622 = tpu.vector_load %arg10[%swap3A_620, %swap3A_621] {strides = array<i32>} : memref<16x128xf32, #tpu.memory_space<vmem>>, vector<1x16xf32>,
    %swap3A_623 = vector.shape_cast %swap3A_622 : vector<1x16xf32> to vector<16xf32>
    %swap3A_624 = vector.shape_cast %broadcast_in_dim3A_1 : vector<16xf32> to vector<1x16xf32>
    tpu.vector_store %arg10[%swap3A_620, %swap3A_621], %swap3A_624 {strides = array<i32>} : memref<16x128xf32, #tpu.memory_space<vmem>>, vector<1x16xf32>,
    %swap3A_625 = arith.constant 13 : i32
    %swap3A_626 = arith.index_cast %swap3A_625 : i32 to index
    %swap3A_627 = arith.constant 0 : index
    %swap3A_628 = tpu.vector_load %arg10[%swap3A_626, %swap3A_627] {strides = array<i32>} : memref<16x128xf32, #tpu.memory_space<vmem>>, vector<1x16xf32>,
    %swap3A_629 = vector.shape_cast %swap3A_628 : vector<1x16xf32> to vector<16xf32>
    %swap3A_630 = vector.shape_cast %broadcast_in_dim3A_1 : vector<16xf32> to vector<1x16xf32>
    tpu.vector_store %arg10[%swap3A_626, %swap3A_627], %swap3A_630 {strides = array<i32>} : memref<16x128xf32, #tpu.memory_space<vmem>>, vector<1x16xf32>,
    %swap3A_631 = arith.constant 13 : i32
    %swap3A_632 = arith.index_cast %swap3A_631 : i32 to index
    %swap3A_633 = arith.constant 16 : index
    %swap3A_634 = tpu.vector_load %arg10[%swap3A_632, %swap3A_633] {strides = array<i32>} : memref<16x128xf32, #tpu.memory_space<vmem>>, vector<1x16xf32>,
    %swap3A_635 = vector.shape_cast %swap3A_634 : vector<1x16xf32> to vector<16xf32>
    %swap3A_636 = vector.shape_cast %broadcast_in_dim3A_1 : vector<16xf32> to vector<1x16xf32>
    tpu.vector_store %arg10[%swap3A_632, %swap3A_633], %swap3A_636 {strides = array<i32>} : memref<16x128xf32, #tpu.memory_space<vmem>>, vector<1x16xf32>,
    %swap3A_637 = arith.constant 13 : i32
    %swap3A_638 = arith.index_cast %swap3A_637 : i32 to index
    %swap3A_639 = arith.constant 32 : index
    %swap3A_640 = tpu.vector_load %arg10[%swap3A_638, %swap3A_639] {strides = array<i32>} : memref<16x128xf32, #tpu.memory_space<vmem>>, vector<1x16xf32>,
    %swap3A_641 = vector.shape_cast %swap3A_640 : vector<1x16xf32> to vector<16xf32>
    %swap3A_642 = vector.shape_cast %broadcast_in_dim3A_1 : vector<16xf32> to vector<1x16xf32>
    tpu.vector_store %arg10[%swap3A_638, %swap3A_639], %swap3A_642 {strides = array<i32>} : memref<16x128xf32, #tpu.memory_space<vmem>>, vector<1x16xf32>,
    %swap3A_643 = arith.constant 13 : i32
    %swap3A_644 = arith.index_cast %swap3A_643 : i32 to index
    %swap3A_645 = arith.constant 48 : index
    %swap3A_646 = tpu.vector_load %arg10[%swap3A_644, %swap3A_645] {strides = array<i32>} : memref<16x128xf32, #tpu.memory_space<vmem>>, vector<1x16xf32>,
    %swap3A_647 = vector.shape_cast %swap3A_646 : vector<1x16xf32> to vector<16xf32>
    %swap3A_648 = vector.shape_cast %broadcast_in_dim3A_1 : vector<16xf32> to vector<1x16xf32>
    tpu.vector_store %arg10[%swap3A_644, %swap3A_645], %swap3A_648 {strides = array<i32>} : memref<16x128xf32, #tpu.memory_space<vmem>>, vector<1x16xf32>,
    %swap3A_649 = arith.constant 13 : i32
    %swap3A_650 = arith.index_cast %swap3A_649 : i32 to index
    %swap3A_651 = arith.constant 64 : index
    %swap3A_652 = tpu.vector_load %arg10[%swap3A_650, %swap3A_651] {strides = array<i32>} : memref<16x128xf32, #tpu.memory_space<vmem>>, vector<1x16xf32>,
    %swap3A_653 = vector.shape_cast %swap3A_652 : vector<1x16xf32> to vector<16xf32>
    %swap3A_654 = vector.shape_cast %broadcast_in_dim3A_1 : vector<16xf32> to vector<1x16xf32>
    tpu.vector_store %arg10[%swap3A_650, %swap3A_651], %swap3A_654 {strides = array<i32>} : memref<16x128xf32, #tpu.memory_space<vmem>>, vector<1x16xf32>,
    %swap3A_655 = arith.constant 13 : i32
    %swap3A_656 = arith.index_cast %swap3A_655 : i32 to index
    %swap3A_657 = arith.constant 80 : index
    %swap3A_658 = tpu.vector_load %arg10[%swap3A_656, %swap3A_657] {strides = array<i32>} : memref<16x128xf32, #tpu.memory_space<vmem>>, vector<1x16xf32>,
    %swap3A_659 = vector.shape_cast %swap3A_658 : vector<1x16xf32> to vector<16xf32>
    %swap3A_660 = vector.shape_cast %broadcast_in_dim3A_1 : vector<16xf32> to vector<1x16xf32>
    tpu.vector_store %arg10[%swap3A_656, %swap3A_657], %swap3A_660 {strides = array<i32>} : memref<16x128xf32, #tpu.memory_space<vmem>>, vector<1x16xf32>,
    %swap3A_661 = arith.constant 13 : i32
    %swap3A_662 = arith.index_cast %swap3A_661 : i32 to index
    %swap3A_663 = arith.constant 96 : index
    %swap3A_664 = tpu.vector_load %arg10[%swap3A_662, %swap3A_663] {strides = array<i32>} : memref<16x128xf32, #tpu.memory_space<vmem>>, vector<1x16xf32>,
    %swap3A_665 = vector.shape_cast %swap3A_664 : vector<1x16xf32> to vector<16xf32>
    %swap3A_666 = vector.shape_cast %broadcast_in_dim3A_1 : vector<16xf32> to vector<1x16xf32>
    tpu.vector_store %arg10[%swap3A_662, %swap3A_663], %swap3A_666 {strides = array<i32>} : memref<16x128xf32, #tpu.memory_space<vmem>>, vector<1x16xf32>,
    %swap3A_667 = arith.constant 13 : i32
    %swap3A_668 = arith.index_cast %swap3A_667 : i32 to index
    %swap3A_669 = arith.constant 112 : index
    %swap3A_670 = tpu.vector_load %arg10[%swap3A_668, %swap3A_669] {strides = array<i32>} : memref<16x128xf32, #tpu.memory_space<vmem>>, vector<1x16xf32>,
    %swap3A_671 = vector.shape_cast %swap3A_670 : vector<1x16xf32> to vector<16xf32>
    %swap3A_672 = vector.shape_cast %broadcast_in_dim3A_1 : vector<16xf32> to vector<1x16xf32>
    tpu.vector_store %arg10[%swap3A_668, %swap3A_669], %swap3A_672 {strides = array<i32>} : memref<16x128xf32, #tpu.memory_space<vmem>>, vector<1x16xf32>,
    %swap3A_673 = arith.constant 14 : i32
    %swap3A_674 = arith.index_cast %swap3A_673 : i32 to index
    %swap3A_675 = arith.constant 0 : index
    %swap3A_676 = tpu.vector_load %arg10[%swap3A_674, %swap3A_675] {strides = array<i32>} : memref<16x128xf32, #tpu.memory_space<vmem>>, vector<1x16xf32>,
    %swap3A_677 = vector.shape_cast %swap3A_676 : vector<1x16xf32> to vector<16xf32>
    %swap3A_678 = vector.shape_cast %broadcast_in_dim3A_1 : vector<16xf32> to vector<1x16xf32>
    tpu.vector_store %arg10[%swap3A_674, %swap3A_675], %swap3A_678 {strides = array<i32>} : memref<16x128xf32, #tpu.memory_space<vmem>>, vector<1x16xf32>,
    %swap3A_679 = arith.constant 14 : i32
    %swap3A_680 = arith.index_cast %swap3A_679 : i32 to index
    %swap3A_681 = arith.constant 16 : index
    %swap3A_682 = tpu.vector_load %arg10[%swap3A_680, %swap3A_681] {strides = array<i32>} : memref<16x128xf32, #tpu.memory_space<vmem>>, vector<1x16xf32>,
    %swap3A_683 = vector.shape_cast %swap3A_682 : vector<1x16xf32> to vector<16xf32>
    %swap3A_684 = vector.shape_cast %broadcast_in_dim3A_1 : vector<16xf32> to vector<1x16xf32>
    tpu.vector_store %arg10[%swap3A_680, %swap3A_681], %swap3A_684 {strides = array<i32>} : memref<16x128xf32, #tpu.memory_space<vmem>>, vector<1x16xf32>,
    %swap3A_685 = arith.constant 14 : i32
    %swap3A_686 = arith.index_cast %swap3A_685 : i32 to index
    %swap3A_687 = arith.constant 32 : index
    %swap3A_688 = tpu.vector_load %arg10[%swap3A_686, %swap3A_687] {strides = array<i32>} : memref<16x128xf32, #tpu.memory_space<vmem>>, vector<1x16xf32>,
    %swap3A_689 = vector.shape_cast %swap3A_688 : vector<1x16xf32> to vector<16xf32>
    %swap3A_690 = vector.shape_cast %broadcast_in_dim3A_1 : vector<16xf32> to vector<1x16xf32>
    tpu.vector_store %arg10[%swap3A_686, %swap3A_687], %swap3A_690 {strides = array<i32>} : memref<16x128xf32, #tpu.memory_space<vmem>>, vector<1x16xf32>,
    %swap3A_691 = arith.constant 14 : i32
    %swap3A_692 = arith.index_cast %swap3A_691 : i32 to index
    %swap3A_693 = arith.constant 48 : index
    %swap3A_694 = tpu.vector_load %arg10[%swap3A_692, %swap3A_693] {strides = array<i32>} : memref<16x128xf32, #tpu.memory_space<vmem>>, vector<1x16xf32>,
    %swap3A_695 = vector.shape_cast %swap3A_694 : vector<1x16xf32> to vector<16xf32>
    %swap3A_696 = vector.shape_cast %broadcast_in_dim3A_1 : vector<16xf32> to vector<1x16xf32>
    tpu.vector_store %arg10[%swap3A_692, %swap3A_693], %swap3A_696 {strides = array<i32>} : memref<16x128xf32, #tpu.memory_space<vmem>>, vector<1x16xf32>,
    %swap3A_697 = arith.constant 14 : i32
    %swap3A_698 = arith.index_cast %swap3A_697 : i32 to index
    %swap3A_699 = arith.constant 64 : index
    %swap3A_700 = tpu.vector_load %arg10[%swap3A_698, %swap3A_699] {strides = array<i32>} : memref<16x128xf32, #tpu.memory_space<vmem>>, vector<1x16xf32>,
    %swap3A_701 = vector.shape_cast %swap3A_700 : vector<1x16xf32> to vector<16xf32>
    %swap3A_702 = vector.shape_cast %broadcast_in_dim3A_1 : vector<16xf32> to vector<1x16xf32>
    tpu.vector_store %arg10[%swap3A_698, %swap3A_699], %swap3A_702 {strides = array<i32>} : memref<16x128xf32, #tpu.memory_space<vmem>>, vector<1x16xf32>,
    %swap3A_703 = arith.constant 14 : i32
    %swap3A_704 = arith.index_cast %swap3A_703 : i32 to index
    %swap3A_705 = arith.constant 80 : index
    %swap3A_706 = tpu.vector_load %arg10[%swap3A_704, %swap3A_705] {strides = array<i32>} : memref<16x128xf32, #tpu.memory_space<vmem>>, vector<1x16xf32>,
    %swap3A_707 = vector.shape_cast %swap3A_706 : vector<1x16xf32> to vector<16xf32>
    %swap3A_708 = vector.shape_cast %broadcast_in_dim3A_1 : vector<16xf32> to vector<1x16xf32>
    tpu.vector_store %arg10[%swap3A_704, %swap3A_705], %swap3A_708 {strides = array<i32>} : memref<16x128xf32, #tpu.memory_space<vmem>>, vector<1x16xf32>,
    %swap3A_709 = arith.constant 14 : i32
    %swap3A_710 = arith.index_cast %swap3A_709 : i32 to index
    %swap3A_711 = arith.constant 96 : index
    %swap3A_712 = tpu.vector_load %arg10[%swap3A_710, %swap3A_711] {strides = array<i32>} : memref<16x128xf32, #tpu.memory_space<vmem>>, vector<1x16xf32>,
    %swap3A_713 = vector.shape_cast %swap3A_712 : vector<1x16xf32> to vector<16xf32>
    %swap3A_714 = vector.shape_cast %broadcast_in_dim3A_1 : vector<16xf32> to vector<1x16xf32>
    tpu.vector_store %arg10[%swap3A_710, %swap3A_711], %swap3A_714 {strides = array<i32>} : memref<16x128xf32, #tpu.memory_space<vmem>>, vector<1x16xf32>,
    %swap3A_715 = arith.constant 14 : i32
    %swap3A_716 = arith.index_cast %swap3A_715 : i32 to index
    %swap3A_717 = arith.constant 112 : index
    %swap3A_718 = tpu.vector_load %arg10[%swap3A_716, %swap3A_717] {strides = array<i32>} : memref<16x128xf32, #tpu.memory_space<vmem>>, vector<1x16xf32>,
    %swap3A_719 = vector.shape_cast %swap3A_718 : vector<1x16xf32> to vector<16xf32>
    %swap3A_720 = vector.shape_cast %broadcast_in_dim3A_1 : vector<16xf32> to vector<1x16xf32>
    tpu.vector_store %arg10[%swap3A_716, %swap3A_717], %swap3A_720 {strides = array<i32>} : memref<16x128xf32, #tpu.memory_space<vmem>>, vector<1x16xf32>,
    %swap3A_721 = arith.constant 15 : i32
    %swap3A_722 = arith.index_cast %swap3A_721 : i32 to index
    %swap3A_723 = arith.constant 0 : index
    %swap3A_724 = tpu.vector_load %arg10[%swap3A_722, %swap3A_723] {strides = array<i32>} : memref<16x128xf32, #tpu.memory_space<vmem>>, vector<1x16xf32>,
    %swap3A_725 = vector.shape_cast %swap3A_724 : vector<1x16xf32> to vector<16xf32>
    %swap3A_726 = vector.shape_cast %broadcast_in_dim3A_1 : vector<16xf32> to vector<1x16xf32>
    tpu.vector_store %arg10[%swap3A_722, %swap3A_723], %swap3A_726 {strides = array<i32>} : memref<16x128xf32, #tpu.memory_space<vmem>>, vector<1x16xf32>,
    %swap3A_727 = arith.constant 15 : i32
    %swap3A_728 = arith.index_cast %swap3A_727 : i32 to index
    %swap3A_729 = arith.constant 16 : index
    %swap3A_730 = tpu.vector_load %arg10[%swap3A_728, %swap3A_729] {strides = array<i32>} : memref<16x128xf32, #tpu.memory_space<vmem>>, vector<1x16xf32>,
    %swap3A_731 = vector.shape_cast %swap3A_730 : vector<1x16xf32> to vector<16xf32>
    %swap3A_732 = vector.shape_cast %broadcast_in_dim3A_1 : vector<16xf32> to vector<1x16xf32>
    tpu.vector_store %arg10[%swap3A_728, %swap3A_729], %swap3A_732 {strides = array<i32>} : memref<16x128xf32, #tpu.memory_space<vmem>>, vector<1x16xf32>,
    %swap3A_733 = arith.constant 15 : i32
    %swap3A_734 = arith.index_cast %swap3A_733 : i32 to index
    %swap3A_735 = arith.constant 32 : index
    %swap3A_736 = tpu.vector_load %arg10[%swap3A_734, %swap3A_735] {strides = array<i32>} : memref<16x128xf32, #tpu.memory_space<vmem>>, vector<1x16xf32>,
    %swap3A_737 = vector.shape_cast %swap3A_736 : vector<1x16xf32> to vector<16xf32>
    %swap3A_738 = vector.shape_cast %broadcast_in_dim3A_1 : vector<16xf32> to vector<1x16xf32>
    tpu.vector_store %arg10[%swap3A_734, %swap3A_735], %swap3A_738 {strides = array<i32>} : memref<16x128xf32, #tpu.memory_space<vmem>>, vector<1x16xf32>,
    %swap3A_739 = arith.constant 15 : i32
    %swap3A_740 = arith.index_cast %swap3A_739 : i32 to index
    %swap3A_741 = arith.constant 48 : index
    %swap3A_742 = tpu.vector_load %arg10[%swap3A_740, %swap3A_741] {strides = array<i32>} : memref<16x128xf32, #tpu.memory_space<vmem>>, vector<1x16xf32>,
    %swap3A_743 = vector.shape_cast %swap3A_742 : vector<1x16xf32> to vector<16xf32>
    %swap3A_744 = vector.shape_cast %broadcast_in_dim3A_1 : vector<16xf32> to vector<1x16xf32>
    tpu.vector_store %arg10[%swap3A_740, %swap3A_741], %swap3A_744 {strides = array<i32>} : memref<16x128xf32, #tpu.memory_space<vmem>>, vector<1x16xf32>,
    %swap3A_745 = arith.constant 15 : i32
    %swap3A_746 = arith.index_cast %swap3A_745 : i32 to index
    %swap3A_747 = arith.constant 64 : index
    %swap3A_748 = tpu.vector_load %arg10[%swap3A_746, %swap3A_747] {strides = array<i32>} : memref<16x128xf32, #tpu.memory_space<vmem>>, vector<1x16xf32>,
    %swap3A_749 = vector.shape_cast %swap3A_748 : vector<1x16xf32> to vector<16xf32>
    %swap3A_750 = vector.shape_cast %broadcast_in_dim3A_1 : vector<16xf32> to vector<1x16xf32>
    tpu.vector_store %arg10[%swap3A_746, %swap3A_747], %swap3A_750 {strides = array<i32>} : memref<16x128xf32, #tpu.memory_space<vmem>>, vector<1x16xf32>,
    %swap3A_751 = arith.constant 15 : i32
    %swap3A_752 = arith.index_cast %swap3A_751 : i32 to index
    %swap3A_753 = arith.constant 80 : index
    %swap3A_754 = tpu.vector_load %arg10[%swap3A_752, %swap3A_753] {strides = array<i32>} : memref<16x128xf32, #tpu.memory_space<vmem>>, vector<1x16xf32>,
    %swap3A_755 = vector.shape_cast %swap3A_754 : vector<1x16xf32> to vector<16xf32>
    %swap3A_756 = vector.shape_cast %broadcast_in_dim3A_1 : vector<16xf32> to vector<1x16xf32>
    tpu.vector_store %arg10[%swap3A_752, %swap3A_753], %swap3A_756 {strides = array<i32>} : memref<16x128xf32, #tpu.memory_space<vmem>>, vector<1x16xf32>,
    %swap3A_757 = arith.constant 15 : i32
    %swap3A_758 = arith.index_cast %swap3A_757 : i32 to index
    %swap3A_759 = arith.constant 96 : index
    %swap3A_760 = tpu.vector_load %arg10[%swap3A_758, %swap3A_759] {strides = array<i32>} : memref<16x128xf32, #tpu.memory_space<vmem>>, vector<1x16xf32>,
    %swap3A_761 = vector.shape_cast %swap3A_760 : vector<1x16xf32> to vector<16xf32>
    %swap3A_762 = vector.shape_cast %broadcast_in_dim3A_1 : vector<16xf32> to vector<1x16xf32>
    tpu.vector_store %arg10[%swap3A_758, %swap3A_759], %swap3A_762 {strides = array<i32>} : memref<16x128xf32, #tpu.memory_space<vmem>>, vector<1x16xf32>,
    %swap3A_763 = arith.constant 15 : i32
    %swap3A_764 = arith.index_cast %swap3A_763 : i32 to index
    %swap3A_765 = arith.constant 112 : index
    %swap3A_766 = tpu.vector_load %arg10[%swap3A_764, %swap3A_765] {strides = array<i32>} : memref<16x128xf32, #tpu.memory_space<vmem>>, vector<1x16xf32>,
    %swap3A_767 = vector.shape_cast %swap3A_766 : vector<1x16xf32> to vector<16xf32>
    %swap3A_768 = vector.shape_cast %broadcast_in_dim3A_1 : vector<16xf32> to vector<1x16xf32>
    tpu.vector_store %arg10[%swap3A_764, %swap3A_765], %swap3A_768 {strides = array<i32>} : memref<16x128xf32, #tpu.memory_space<vmem>>, vector<1x16xf32>,
    %mul3A_769 = arith.constant 640 : i32
    %mul3A_770 = arith.muli %arg1, %mul3A_769 : i32
    %scan3A = arith.constant 0 : i32
    %scan3A_771 = arith.constant 40 : i32
    %scan3A_772 = arith.addi %scan3A, %scan3A_771 : i32
    %scan3A_773 = arith.constant 1 : i32
    scf.for %scan3A_1207 = %scan3A to %scan3A_772 step %scan3A_773  : i32 {
      %mul3A_1208 = arith.constant 16 : i32
      %mul3A_1209 = arith.muli %scan3A_1207, %mul3A_1208 : i32
      %add3A_1210 = arith.addi %mul3A_770, %mul3A_1209 : i32
      %dma_start3A_1211 = arith.constant 0 : i32
      %dma_start3A_1212 = tpu.memref_slice %arg11[%add3A_1210, %dma_start3A_1211] : memref<10240x128xf32, #tpu.memory_space<vmem_shared>> -> memref<16x128xf32, #tpu.memory_space<vmem_shared>>
      %dma_start3A_1213 = arith.constant 0 : i32
      %dma_start3A_1214 = tpu.memref_slice %arg11[%add3A_1210, %dma_start3A_1213] : memref<10240x128xf32, #tpu.memory_space<vmem_shared>> -> memref<16x128xf32, #tpu.memory_space<vmem_shared>>
      tpu.enqueue_dma source(%arg10 : memref<16x128xf32, #tpu.memory_space<vmem>>) target(%dma_start3A_1214 : memref<16x128xf32, #tpu.memory_space<vmem_shared>>) target_semaphore(%arg14 : memref<!tpu.dma_semaphore, #tpu.memory_space<semaphore_mem>>)
    }
    %scan3A_774 = arith.constant 40 : i32
    %scan3A_775 = arith.constant 0 : i32
    %scan3A_776 = arith.constant 40 : i32
    %scan3A_777 = arith.addi %scan3A_775, %scan3A_776 : i32
    %scan3A_778 = arith.constant 1 : i32
    scf.for %scan3A_1207 = %scan3A_775 to %scan3A_777 step %scan3A_778  : i32 {
      %mul3A_1208 = arith.constant 16 : i32
      %mul3A_1209 = arith.muli %scan3A_1207, %mul3A_1208 : i32
      %add3A_1210 = arith.addi %mul3A_770, %mul3A_1209 : i32
      %dma_wait3A_1211 = arith.constant 0 : i32
      %dma_wait3A_1212 = tpu.memref_slice %arg11[%add3A_1210, %dma_wait3A_1211] : memref<10240x128xf32, #tpu.memory_space<vmem_shared>> -> memref<16x128xf32, #tpu.memory_space<vmem_shared>>
      %dma_wait3A_1213 = arith.constant 0 : i32
      %dma_wait3A_1214 = tpu.memref_slice %arg11[%add3A_1210, %dma_wait3A_1213] : memref<10240x128xf32, #tpu.memory_space<vmem_shared>> -> memref<16x128xf32, #tpu.memory_space<vmem_shared>>
      tpu.wait_dma2 semaphore(%arg14 : memref<!tpu.dma_semaphore, #tpu.memory_space<semaphore_mem>>) src(%arg10 : memref<16x128xf32, #tpu.memory_space<vmem>>) dst(%dma_wait3A_1214 : memref<16x128xf32, #tpu.memory_space<vmem_shared>>)
    }
    %scan3A_779 = arith.constant 40 : i32
    "tpu.trace_stop"() : () -> ()
    "tpu.trace_start"() <{level = 10 : i32, message = "stage_idx"}> : () -> ()
    "tpu.region"() ({
      %run_scoped3A = tpu.sem_alloc : memref<!tpu.dma_semaphore, #tpu.memory_space<semaphore_mem>>
      %dma_start3A_1207 = arith.constant 0 : i32
      %dma_start3A_1208 = arith.constant 0 : i32
      %dma_start3A_1209 = tpu.memref_slice %arg3[%add3A, %dma_start3A_1207, %dma_start3A_1208] : memref<32x80x128xi32, #tpu.memory_space<hbm>> -> memref<1x80x128xi32, #tpu.memory_space<hbm>>
      %dma_start3A_1210 = tpu.memref_squeeze %dma_start3A_1209 : memref<1x80x128xi32, #tpu.memory_space<hbm>> -> memref<80x128xi32, #tpu.memory_space<hbm>>
      %dma_start3A_1211 = arith.constant 0 : i32
      %dma_start3A_1212 = arith.constant 0 : i32
      %dma_start3A_1213 = tpu.memref_slice %arg3[%add3A, %dma_start3A_1211, %dma_start3A_1212] : memref<32x80x128xi32, #tpu.memory_space<hbm>> -> memref<1x80x128xi32, #tpu.memory_space<hbm>>
      %dma_start3A_1214 = tpu.memref_squeeze %dma_start3A_1213 : memref<1x80x128xi32, #tpu.memory_space<hbm>> -> memref<80x128xi32, #tpu.memory_space<hbm>>
      tpu.enqueue_dma source(%dma_start3A_1214 : memref<80x128xi32, #tpu.memory_space<hbm>>) target(%arg5 : memref<80x128xi32, #tpu.memory_space<vmem>>) target_semaphore(%run_scoped3A : memref<!tpu.dma_semaphore, #tpu.memory_space<semaphore_mem>>)
      %dma_wait3A_1215 = arith.constant 0 : i32
      %dma_wait3A_1216 = arith.constant 0 : i32
      %dma_wait3A_1217 = tpu.memref_slice %arg3[%add3A, %dma_wait3A_1215, %dma_wait3A_1216] : memref<32x80x128xi32, #tpu.memory_space<hbm>> -> memref<1x80x128xi32, #tpu.memory_space<hbm>>
      %dma_wait3A_1218 = tpu.memref_squeeze %dma_wait3A_1217 : memref<1x80x128xi32, #tpu.memory_space<hbm>> -> memref<80x128xi32, #tpu.memory_space<hbm>>
      %dma_wait3A_1219 = arith.constant 0 : i32
      %dma_wait3A_1220 = arith.constant 0 : i32
      %dma_wait3A_1221 = tpu.memref_slice %arg3[%add3A, %dma_wait3A_1219, %dma_wait3A_1220] : memref<32x80x128xi32, #tpu.memory_space<hbm>> -> memref<1x80x128xi32, #tpu.memory_space<hbm>>
      %dma_wait3A_1222 = tpu.memref_squeeze %dma_wait3A_1221 : memref<1x80x128xi32, #tpu.memory_space<hbm>> -> memref<80x128xi32, #tpu.memory_space<hbm>>
      tpu.wait_dma2 semaphore(%run_scoped3A : memref<!tpu.dma_semaphore, #tpu.memory_space<semaphore_mem>>) src(%dma_wait3A_1222 : memref<80x128xi32, #tpu.memory_space<hbm>>) dst(%arg5 : memref<80x128xi32, #tpu.memory_space<vmem>>)
      tpu.yield
    }) : () -> ()
    "tpu.trace_stop"() : () -> ()
    %barrier3A = arith.constant 0 : index
    tpu.barrier barrier_id(%barrier3A)
    %get3A = arith.constant 0 : i32
    "tpu.trace_start"() <{level = 10 : i32, message = "main_loop"}> : () -> ()
    %get3A_780 = arith.index_cast %get3A : i32 to index
    %get3A_781 = arith.constant 0 : index
    %get3A_782 = tpu.vector_load %arg5[%get3A_780, %get3A_781] {strides = array<i32>} : memref<80x128xi32, #tpu.memory_space<vmem>>, vector<1x16xi32>,
    %get3A_783 = vector.shape_cast %get3A_782 : vector<1x16xi32> to vector<16xi32>
    %and3A = arith.constant 16383 : i32
    %and3A_784 = vector.broadcast %and3A : i32 to vector<16xi32>
    %and3A_785 = arith.andi %get3A_783, %and3A_784 : vector<16xi32>
    %swap3A_786 = arith.constant 0 : i32
    %swap3A_787 = arith.index_cast %swap3A_786 : i32 to index
    %swap3A_788 = arith.constant 0 : index
    %swap3A_789 = tpu.vector_load %arg7[%swap3A_787, %swap3A_788] {strides = array<i32>} : memref<4x128xi32, #tpu.memory_space<vmem>>, vector<1x16xi32>,
    %swap3A_790 = vector.shape_cast %swap3A_789 : vector<1x16xi32> to vector<16xi32>
    %swap3A_791 = vector.shape_cast %and3A_785 : vector<16xi32> to vector<1x16xi32>
    tpu.vector_store %arg7[%swap3A_787, %swap3A_788], %swap3A_791 {strides = array<i32>} : memref<4x128xi32, #tpu.memory_space<vmem>>, vector<1x16xi32>,
    %shift_right_logical3A = arith.constant 14 : i32
    %shift_right_logical3A_792 = vector.broadcast %shift_right_logical3A : i32 to vector<16xi32>
    %shift_right_logical3A_793 = arith.shrui %get3A_783, %shift_right_logical3A_792 : vector<16xi32>
    %swap3A_794 = arith.constant 0 : i32
    %swap3A_795 = arith.index_cast %swap3A_794 : i32 to index
    %swap3A_796 = arith.constant 0 : index
    %swap3A_797 = tpu.vector_load %arg6[%swap3A_795, %swap3A_796] {strides = array<i32>} : memref<4x128xi32, #tpu.memory_space<vmem>>, vector<1x16xi32>,
    %swap3A_798 = vector.shape_cast %swap3A_797 : vector<1x16xi32> to vector<16xi32>
    %swap3A_799 = vector.shape_cast %shift_right_logical3A_793 : vector<16xi32> to vector<1x16xi32>
    tpu.vector_store %arg6[%swap3A_795, %swap3A_796], %swap3A_799 {strides = array<i32>} : memref<4x128xi32, #tpu.memory_space<vmem>>, vector<1x16xi32>,
    %get3A_800 = arith.constant 0 : i32
    %get3A_801 = arith.index_cast %get3A_800 : i32 to index
    %get3A_802 = arith.constant 16 : index
    %get3A_803 = tpu.vector_load %arg5[%get3A_801, %get3A_802] {strides = array<i32>} : memref<80x128xi32, #tpu.memory_space<vmem>>, vector<1x16xi32>,
    %get3A_804 = vector.shape_cast %get3A_803 : vector<1x16xi32> to vector<16xi32>
    %and3A_805 = arith.constant 16383 : i32
    %and3A_806 = vector.broadcast %and3A_805 : i32 to vector<16xi32>
    %and3A_807 = arith.andi %get3A_804, %and3A_806 : vector<16xi32>
    %swap3A_808 = arith.constant 0 : i32
    %swap3A_809 = arith.index_cast %swap3A_808 : i32 to index
    %swap3A_810 = arith.constant 16 : index
    %swap3A_811 = tpu.vector_load %arg7[%swap3A_809, %swap3A_810] {strides = array<i32>} : memref<4x128xi32, #tpu.memory_space<vmem>>, vector<1x16xi32>,
    %swap3A_812 = vector.shape_cast %swap3A_811 : vector<1x16xi32> to vector<16xi32>
    %swap3A_813 = vector.shape_cast %and3A_807 : vector<16xi32> to vector<1x16xi32>
    tpu.vector_store %arg7[%swap3A_809, %swap3A_810], %swap3A_813 {strides = array<i32>} : memref<4x128xi32, #tpu.memory_space<vmem>>, vector<1x16xi32>,
    %shift_right_logical3A_814 = arith.constant 14 : i32
    %shift_right_logical3A_815 = vector.broadcast %shift_right_logical3A_814 : i32 to vector<16xi32>
    %shift_right_logical3A_816 = arith.shrui %get3A_804, %shift_right_logical3A_815 : vector<16xi32>
    %swap3A_817 = arith.constant 0 : i32
    %swap3A_818 = arith.index_cast %swap3A_817 : i32 to index
    %swap3A_819 = arith.constant 16 : index
    %swap3A_820 = tpu.vector_load %arg6[%swap3A_818, %swap3A_819] {strides = array<i32>} : memref<4x128xi32, #tpu.memory_space<vmem>>, vector<1x16xi32>,
    %swap3A_821 = vector.shape_cast %swap3A_820 : vector<1x16xi32> to vector<16xi32>
    %swap3A_822 = vector.shape_cast %shift_right_logical3A_816 : vector<16xi32> to vector<1x16xi32>
    tpu.vector_store %arg6[%swap3A_818, %swap3A_819], %swap3A_822 {strides = array<i32>} : memref<4x128xi32, #tpu.memory_space<vmem>>, vector<1x16xi32>,
    %get3A_823 = arith.constant 0 : i32
    %get3A_824 = arith.index_cast %get3A_823 : i32 to index
    %get3A_825 = arith.constant 32 : index
    %get3A_826 = tpu.vector_load %arg5[%get3A_824, %get3A_825] {strides = array<i32>} : memref<80x128xi32, #tpu.memory_space<vmem>>, vector<1x16xi32>,
    %get3A_827 = vector.shape_cast %get3A_826 : vector<1x16xi32> to vector<16xi32>
    %and3A_828 = arith.constant 16383 : i32
    %and3A_829 = vector.broadcast %and3A_828 : i32 to vector<16xi32>
    %and3A_830 = arith.andi %get3A_827, %and3A_829 : vector<16xi32>
    %swap3A_831 = arith.constant 0 : i32
    %swap3A_832 = arith.index_cast %swap3A_831 : i32 to index
    %swap3A_833 = arith.constant 32 : index
    %swap3A_834 = tpu.vector_load %arg7[%swap3A_832, %swap3A_833] {strides = array<i32>} : memref<4x128xi32, #tpu.memory_space<vmem>>, vector<1x16xi32>,
    %swap3A_835 = vector.shape_cast %swap3A_834 : vector<1x16xi32> to vector<16xi32>
    %swap3A_836 = vector.shape_cast %and3A_830 : vector<16xi32> to vector<1x16xi32>
    tpu.vector_store %arg7[%swap3A_832, %swap3A_833], %swap3A_836 {strides = array<i32>} : memref<4x128xi32, #tpu.memory_space<vmem>>, vector<1x16xi32>,
    %shift_right_logical3A_837 = arith.constant 14 : i32
    %shift_right_logical3A_838 = vector.broadcast %shift_right_logical3A_837 : i32 to vector<16xi32>
    %shift_right_logical3A_839 = arith.shrui %get3A_827, %shift_right_logical3A_838 : vector<16xi32>
    %swap3A_840 = arith.constant 0 : i32
    %swap3A_841 = arith.index_cast %swap3A_840 : i32 to index
    %swap3A_842 = arith.constant 32 : index
    %swap3A_843 = tpu.vector_load %arg6[%swap3A_841, %swap3A_842] {strides = array<i32>} : memref<4x128xi32, #tpu.memory_space<vmem>>, vector<1x16xi32>,
    %swap3A_844 = vector.shape_cast %swap3A_843 : vector<1x16xi32> to vector<16xi32>
    %swap3A_845 = vector.shape_cast %shift_right_logical3A_839 : vector<16xi32> to vector<1x16xi32>
    tpu.vector_store %arg6[%swap3A_841, %swap3A_842], %swap3A_845 {strides = array<i32>} : memref<4x128xi32, #tpu.memory_space<vmem>>, vector<1x16xi32>,
    %get3A_846 = arith.constant 0 : i32
    %get3A_847 = arith.index_cast %get3A_846 : i32 to index
    %get3A_848 = arith.constant 48 : index
    %get3A_849 = tpu.vector_load %arg5[%get3A_847, %get3A_848] {strides = array<i32>} : memref<80x128xi32, #tpu.memory_space<vmem>>, vector<1x16xi32>,
    %get3A_850 = vector.shape_cast %get3A_849 : vector<1x16xi32> to vector<16xi32>
    %and3A_851 = arith.constant 16383 : i32
    %and3A_852 = vector.broadcast %and3A_851 : i32 to vector<16xi32>
    %and3A_853 = arith.andi %get3A_850, %and3A_852 : vector<16xi32>
    %swap3A_854 = arith.constant 0 : i32
    %swap3A_855 = arith.index_cast %swap3A_854 : i32 to index
    %swap3A_856 = arith.constant 48 : index
    %swap3A_857 = tpu.vector_load %arg7[%swap3A_855, %swap3A_856] {strides = array<i32>} : memref<4x128xi32, #tpu.memory_space<vmem>>, vector<1x16xi32>,
    %swap3A_858 = vector.shape_cast %swap3A_857 : vector<1x16xi32> to vector<16xi32>
    %swap3A_859 = vector.shape_cast %and3A_853 : vector<16xi32> to vector<1x16xi32>
    tpu.vector_store %arg7[%swap3A_855, %swap3A_856], %swap3A_859 {strides = array<i32>} : memref<4x128xi32, #tpu.memory_space<vmem>>, vector<1x16xi32>,
    %shift_right_logical3A_860 = arith.constant 14 : i32
    %shift_right_logical3A_861 = vector.broadcast %shift_right_logical3A_860 : i32 to vector<16xi32>
    %shift_right_logical3A_862 = arith.shrui %get3A_850, %shift_right_logical3A_861 : vector<16xi32>
    %swap3A_863 = arith.constant 0 : i32
    %swap3A_864 = arith.index_cast %swap3A_863 : i32 to index
    %swap3A_865 = arith.constant 48 : index
    %swap3A_866 = tpu.vector_load %arg6[%swap3A_864, %swap3A_865] {strides = array<i32>} : memref<4x128xi32, #tpu.memory_space<vmem>>, vector<1x16xi32>,
    %swap3A_867 = vector.shape_cast %swap3A_866 : vector<1x16xi32> to vector<16xi32>
    %swap3A_868 = vector.shape_cast %shift_right_logical3A_862 : vector<16xi32> to vector<1x16xi32>
    tpu.vector_store %arg6[%swap3A_864, %swap3A_865], %swap3A_868 {strides = array<i32>} : memref<4x128xi32, #tpu.memory_space<vmem>>, vector<1x16xi32>,
    %get3A_869 = arith.constant 0 : i32
    %get3A_870 = arith.index_cast %get3A_869 : i32 to index
    %get3A_871 = arith.constant 64 : index
    %get3A_872 = tpu.vector_load %arg5[%get3A_870, %get3A_871] {strides = array<i32>} : memref<80x128xi32, #tpu.memory_space<vmem>>, vector<1x16xi32>,
    %get3A_873 = vector.shape_cast %get3A_872 : vector<1x16xi32> to vector<16xi32>
    %and3A_874 = arith.constant 16383 : i32
    %and3A_875 = vector.broadcast %and3A_874 : i32 to vector<16xi32>
    %and3A_876 = arith.andi %get3A_873, %and3A_875 : vector<16xi32>
    %swap3A_877 = arith.constant 0 : i32
    %swap3A_878 = arith.index_cast %swap3A_877 : i32 to index
    %swap3A_879 = arith.constant 64 : index
    %swap3A_880 = tpu.vector_load %arg7[%swap3A_878, %swap3A_879] {strides = array<i32>} : memref<4x128xi32, #tpu.memory_space<vmem>>, vector<1x16xi32>,
    %swap3A_881 = vector.shape_cast %swap3A_880 : vector<1x16xi32> to vector<16xi32>
    %swap3A_882 = vector.shape_cast %and3A_876 : vector<16xi32> to vector<1x16xi32>
    tpu.vector_store %arg7[%swap3A_878, %swap3A_879], %swap3A_882 {strides = array<i32>} : memref<4x128xi32, #tpu.memory_space<vmem>>, vector<1x16xi32>,
    %shift_right_logical3A_883 = arith.constant 14 : i32
    %shift_right_logical3A_884 = vector.broadcast %shift_right_logical3A_883 : i32 to vector<16xi32>
    %shift_right_logical3A_885 = arith.shrui %get3A_873, %shift_right_logical3A_884 : vector<16xi32>
    %swap3A_886 = arith.constant 0 : i32
    %swap3A_887 = arith.index_cast %swap3A_886 : i32 to index
    %swap3A_888 = arith.constant 64 : index
    %swap3A_889 = tpu.vector_load %arg6[%swap3A_887, %swap3A_888] {strides = array<i32>} : memref<4x128xi32, #tpu.memory_space<vmem>>, vector<1x16xi32>,
    %swap3A_890 = vector.shape_cast %swap3A_889 : vector<1x16xi32> to vector<16xi32>
    %swap3A_891 = vector.shape_cast %shift_right_logical3A_885 : vector<16xi32> to vector<1x16xi32>
    tpu.vector_store %arg6[%swap3A_887, %swap3A_888], %swap3A_891 {strides = array<i32>} : memref<4x128xi32, #tpu.memory_space<vmem>>, vector<1x16xi32>,
    %get3A_892 = arith.constant 0 : i32
    %get3A_893 = arith.index_cast %get3A_892 : i32 to index
    %get3A_894 = arith.constant 80 : index
    %get3A_895 = tpu.vector_load %arg5[%get3A_893, %get3A_894] {strides = array<i32>} : memref<80x128xi32, #tpu.memory_space<vmem>>, vector<1x16xi32>,
    %get3A_896 = vector.shape_cast %get3A_895 : vector<1x16xi32> to vector<16xi32>
    %and3A_897 = arith.constant 16383 : i32
    %and3A_898 = vector.broadcast %and3A_897 : i32 to vector<16xi32>
    %and3A_899 = arith.andi %get3A_896, %and3A_898 : vector<16xi32>
    %swap3A_900 = arith.constant 0 : i32
    %swap3A_901 = arith.index_cast %swap3A_900 : i32 to index
    %swap3A_902 = arith.constant 80 : index
    %swap3A_903 = tpu.vector_load %arg7[%swap3A_901, %swap3A_902] {strides = array<i32>} : memref<4x128xi32, #tpu.memory_space<vmem>>, vector<1x16xi32>,
    %swap3A_904 = vector.shape_cast %swap3A_903 : vector<1x16xi32> to vector<16xi32>
    %swap3A_905 = vector.shape_cast %and3A_899 : vector<16xi32> to vector<1x16xi32>
    tpu.vector_store %arg7[%swap3A_901, %swap3A_902], %swap3A_905 {strides = array<i32>} : memref<4x128xi32, #tpu.memory_space<vmem>>, vector<1x16xi32>,
    %shift_right_logical3A_906 = arith.constant 14 : i32
    %shift_right_logical3A_907 = vector.broadcast %shift_right_logical3A_906 : i32 to vector<16xi32>
    %shift_right_logical3A_908 = arith.shrui %get3A_896, %shift_right_logical3A_907 : vector<16xi32>
    %swap3A_909 = arith.constant 0 : i32
    %swap3A_910 = arith.index_cast %swap3A_909 : i32 to index
    %swap3A_911 = arith.constant 80 : index
    %swap3A_912 = tpu.vector_load %arg6[%swap3A_910, %swap3A_911] {strides = array<i32>} : memref<4x128xi32, #tpu.memory_space<vmem>>, vector<1x16xi32>,
    %swap3A_913 = vector.shape_cast %swap3A_912 : vector<1x16xi32> to vector<16xi32>
    %swap3A_914 = vector.shape_cast %shift_right_logical3A_908 : vector<16xi32> to vector<1x16xi32>
    tpu.vector_store %arg6[%swap3A_910, %swap3A_911], %swap3A_914 {strides = array<i32>} : memref<4x128xi32, #tpu.memory_space<vmem>>, vector<1x16xi32>,
    %get3A_915 = arith.constant 0 : i32
    %get3A_916 = arith.index_cast %get3A_915 : i32 to index
    %get3A_917 = arith.constant 96 : index
    %get3A_918 = tpu.vector_load %arg5[%get3A_916, %get3A_917] {strides = array<i32>} : memref<80x128xi32, #tpu.memory_space<vmem>>, vector<1x16xi32>,
    %get3A_919 = vector.shape_cast %get3A_918 : vector<1x16xi32> to vector<16xi32>
    %and3A_920 = arith.constant 16383 : i32
    %and3A_921 = vector.broadcast %and3A_920 : i32 to vector<16xi32>
    %and3A_922 = arith.andi %get3A_919, %and3A_921 : vector<16xi32>
    %swap3A_923 = arith.constant 0 : i32
    %swap3A_924 = arith.index_cast %swap3A_923 : i32 to index
    %swap3A_925 = arith.constant 96 : index
    %swap3A_926 = tpu.vector_load %arg7[%swap3A_924, %swap3A_925] {strides = array<i32>} : memref<4x128xi32, #tpu.memory_space<vmem>>, vector<1x16xi32>,
    %swap3A_927 = vector.shape_cast %swap3A_926 : vector<1x16xi32> to vector<16xi32>
    %swap3A_928 = vector.shape_cast %and3A_922 : vector<16xi32> to vector<1x16xi32>
    tpu.vector_store %arg7[%swap3A_924, %swap3A_925], %swap3A_928 {strides = array<i32>} : memref<4x128xi32, #tpu.memory_space<vmem>>, vector<1x16xi32>,
    %shift_right_logical3A_929 = arith.constant 14 : i32
    %shift_right_logical3A_930 = vector.broadcast %shift_right_logical3A_929 : i32 to vector<16xi32>
    %shift_right_logical3A_931 = arith.shrui %get3A_919, %shift_right_logical3A_930 : vector<16xi32>
    %swap3A_932 = arith.constant 0 : i32
    %swap3A_933 = arith.index_cast %swap3A_932 : i32 to index
    %swap3A_934 = arith.constant 96 : index
    %swap3A_935 = tpu.vector_load %arg6[%swap3A_933, %swap3A_934] {strides = array<i32>} : memref<4x128xi32, #tpu.memory_space<vmem>>, vector<1x16xi32>,
    %swap3A_936 = vector.shape_cast %swap3A_935 : vector<1x16xi32> to vector<16xi32>
    %swap3A_937 = vector.shape_cast %shift_right_logical3A_931 : vector<16xi32> to vector<1x16xi32>
    tpu.vector_store %arg6[%swap3A_933, %swap3A_934], %swap3A_937 {strides = array<i32>} : memref<4x128xi32, #tpu.memory_space<vmem>>, vector<1x16xi32>,
    %get3A_938 = arith.constant 0 : i32
    %get3A_939 = arith.index_cast %get3A_938 : i32 to index
    %get3A_940 = arith.constant 112 : index
    %get3A_941 = tpu.vector_load %arg5[%get3A_939, %get3A_940] {strides = array<i32>} : memref<80x128xi32, #tpu.memory_space<vmem>>, vector<1x16xi32>,
    %get3A_942 = vector.shape_cast %get3A_941 : vector<1x16xi32> to vector<16xi32>
    %and3A_943 = arith.constant 16383 : i32
    %and3A_944 = vector.broadcast %and3A_943 : i32 to vector<16xi32>
    %and3A_945 = arith.andi %get3A_942, %and3A_944 : vector<16xi32>
    %swap3A_946 = arith.constant 0 : i32
    %swap3A_947 = arith.index_cast %swap3A_946 : i32 to index
    %swap3A_948 = arith.constant 112 : index
    %swap3A_949 = tpu.vector_load %arg7[%swap3A_947, %swap3A_948] {strides = array<i32>} : memref<4x128xi32, #tpu.memory_space<vmem>>, vector<1x16xi32>,
    %swap3A_950 = vector.shape_cast %swap3A_949 : vector<1x16xi32> to vector<16xi32>
    %swap3A_951 = vector.shape_cast %and3A_945 : vector<16xi32> to vector<1x16xi32>
    tpu.vector_store %arg7[%swap3A_947, %swap3A_948], %swap3A_951 {strides = array<i32>} : memref<4x128xi32, #tpu.memory_space<vmem>>, vector<1x16xi32>,
    %shift_right_logical3A_952 = arith.constant 14 : i32
    %shift_right_logical3A_953 = vector.broadcast %shift_right_logical3A_952 : i32 to vector<16xi32>
    %shift_right_logical3A_954 = arith.shrui %get3A_942, %shift_right_logical3A_953 : vector<16xi32>
    %swap3A_955 = arith.constant 0 : i32
    %swap3A_956 = arith.index_cast %swap3A_955 : i32 to index
    %swap3A_957 = arith.constant 112 : index
    %swap3A_958 = tpu.vector_load %arg6[%swap3A_956, %swap3A_957] {strides = array<i32>} : memref<4x128xi32, #tpu.memory_space<vmem>>, vector<1x16xi32>,
    %swap3A_959 = vector.shape_cast %swap3A_958 : vector<1x16xi32> to vector<16xi32>
    %swap3A_960 = vector.shape_cast %shift_right_logical3A_954 : vector<16xi32> to vector<1x16xi32>
    tpu.vector_store %arg6[%swap3A_956, %swap3A_957], %swap3A_960 {strides = array<i32>} : memref<4x128xi32, #tpu.memory_space<vmem>>, vector<1x16xi32>,
    %get3A_961 = arith.constant 1 : i32
    %get3A_962 = arith.index_cast %get3A_961 : i32 to index
    %get3A_963 = arith.constant 0 : index
    %get3A_964 = tpu.vector_load %arg5[%get3A_962, %get3A_963] {strides = array<i32>} : memref<80x128xi32, #tpu.memory_space<vmem>>, vector<1x16xi32>,
    %get3A_965 = vector.shape_cast %get3A_964 : vector<1x16xi32> to vector<16xi32>
    %and3A_966 = arith.constant 16383 : i32
    %and3A_967 = vector.broadcast %and3A_966 : i32 to vector<16xi32>
    %and3A_968 = arith.andi %get3A_965, %and3A_967 : vector<16xi32>
    %swap3A_969 = arith.constant 1 : i32
    %swap3A_970 = arith.index_cast %swap3A_969 : i32 to index
    %swap3A_971 = arith.constant 0 : index
    %swap3A_972 = tpu.vector_load %arg7[%swap3A_970, %swap3A_971] {strides = array<i32>} : memref<4x128xi32, #tpu.memory_space<vmem>>, vector<1x16xi32>,
    %swap3A_973 = vector.shape_cast %swap3A_972 : vector<1x16xi32> to vector<16xi32>
    %swap3A_974 = vector.shape_cast %and3A_968 : vector<16xi32> to vector<1x16xi32>
    tpu.vector_store %arg7[%swap3A_970, %swap3A_971], %swap3A_974 {strides = array<i32>} : memref<4x128xi32, #tpu.memory_space<vmem>>, vector<1x16xi32>,
    %shift_right_logical3A_975 = arith.constant 14 : i32
    %shift_right_logical3A_976 = vector.broadcast %shift_right_logical3A_975 : i32 to vector<16xi32>
    %shift_right_logical3A_977 = arith.shrui %get3A_965, %shift_right_logical3A_976 : vector<16xi32>
    %swap3A_978 = arith.constant 1 : i32
    %swap3A_979 = arith.index_cast %swap3A_978 : i32 to index
    %swap3A_980 = arith.constant 0 : index
    %swap3A_981 = tpu.vector_load %arg6[%swap3A_979, %swap3A_980] {strides = array<i32>} : memref<4x128xi32, #tpu.memory_space<vmem>>, vector<1x16xi32>,
    %swap3A_982 = vector.shape_cast %swap3A_981 : vector<1x16xi32> to vector<16xi32>
    %swap3A_983 = vector.shape_cast %shift_right_logical3A_977 : vector<16xi32> to vector<1x16xi32>
    tpu.vector_store %arg6[%swap3A_979, %swap3A_980], %swap3A_983 {strides = array<i32>} : memref<4x128xi32, #tpu.memory_space<vmem>>, vector<1x16xi32>,
    %get3A_984 = arith.constant 1 : i32
    %get3A_985 = arith.index_cast %get3A_984 : i32 to index
    %get3A_986 = arith.constant 16 : index
    %get3A_987 = tpu.vector_load %arg5[%get3A_985, %get3A_986] {strides = array<i32>} : memref<80x128xi32, #tpu.memory_space<vmem>>, vector<1x16xi32>,
    %get3A_988 = vector.shape_cast %get3A_987 : vector<1x16xi32> to vector<16xi32>
    %and3A_989 = arith.constant 16383 : i32
    %and3A_990 = vector.broadcast %and3A_989 : i32 to vector<16xi32>
    %and3A_991 = arith.andi %get3A_988, %and3A_990 : vector<16xi32>
    %swap3A_992 = arith.constant 1 : i32
    %swap3A_993 = arith.index_cast %swap3A_992 : i32 to index
    %swap3A_994 = arith.constant 16 : index
    %swap3A_995 = tpu.vector_load %arg7[%swap3A_993, %swap3A_994] {strides = array<i32>} : memref<4x128xi32, #tpu.memory_space<vmem>>, vector<1x16xi32>,
    %swap3A_996 = vector.shape_cast %swap3A_995 : vector<1x16xi32> to vector<16xi32>
    %swap3A_997 = vector.shape_cast %and3A_991 : vector<16xi32> to vector<1x16xi32>
    tpu.vector_store %arg7[%swap3A_993, %swap3A_994], %swap3A_997 {strides = array<i32>} : memref<4x128xi32, #tpu.memory_space<vmem>>, vector<1x16xi32>,
    %shift_right_logical3A_998 = arith.constant 14 : i32
    %shift_right_logical3A_999 = vector.broadcast %shift_right_logical3A_998 : i32 to vector<16xi32>
    %shift_right_logical3A_1000 = arith.shrui %get3A_988, %shift_right_logical3A_999 : vector<16xi32>
    %swap3A_1001 = arith.constant 1 : i32
    %swap3A_1002 = arith.index_cast %swap3A_1001 : i32 to index
    %swap3A_1003 = arith.constant 16 : index
    %swap3A_1004 = tpu.vector_load %arg6[%swap3A_1002, %swap3A_1003] {strides = array<i32>} : memref<4x128xi32, #tpu.memory_space<vmem>>, vector<1x16xi32>,
    %swap3A_1005 = vector.shape_cast %swap3A_1004 : vector<1x16xi32> to vector<16xi32>
    %swap3A_1006 = vector.shape_cast %shift_right_logical3A_1000 : vector<16xi32> to vector<1x16xi32>
    tpu.vector_store %arg6[%swap3A_1002, %swap3A_1003], %swap3A_1006 {strides = array<i32>} : memref<4x128xi32, #tpu.memory_space<vmem>>, vector<1x16xi32>,
    %get3A_1007 = arith.constant 1 : i32
    %get3A_1008 = arith.index_cast %get3A_1007 : i32 to index
    %get3A_1009 = arith.constant 32 : index
    %get3A_1010 = tpu.vector_load %arg5[%get3A_1008, %get3A_1009] {strides = array<i32>} : memref<80x128xi32, #tpu.memory_space<vmem>>, vector<1x16xi32>,
    %get3A_1011 = vector.shape_cast %get3A_1010 : vector<1x16xi32> to vector<16xi32>
    %and3A_1012 = arith.constant 16383 : i32
    %and3A_1013 = vector.broadcast %and3A_1012 : i32 to vector<16xi32>
    %and3A_1014 = arith.andi %get3A_1011, %and3A_1013 : vector<16xi32>
    %swap3A_1015 = arith.constant 1 : i32
    %swap3A_1016 = arith.index_cast %swap3A_1015 : i32 to index
    %swap3A_1017 = arith.constant 32 : index
    %swap3A_1018 = tpu.vector_load %arg7[%swap3A_1016, %swap3A_1017] {strides = array<i32>} : memref<4x128xi32, #tpu.memory_space<vmem>>, vector<1x16xi32>,
    %swap3A_1019 = vector.shape_cast %swap3A_1018 : vector<1x16xi32> to vector<16xi32>
    %swap3A_1020 = vector.shape_cast %and3A_1014 : vector<16xi32> to vector<1x16xi32>
    tpu.vector_store %arg7[%swap3A_1016, %swap3A_1017], %swap3A_1020 {strides = array<i32>} : memref<4x128xi32, #tpu.memory_space<vmem>>, vector<1x16xi32>,
    %shift_right_logical3A_1021 = arith.constant 14 : i32
    %shift_right_logical3A_1022 = vector.broadcast %shift_right_logical3A_1021 : i32 to vector<16xi32>
    %shift_right_logical3A_1023 = arith.shrui %get3A_1011, %shift_right_logical3A_1022 : vector<16xi32>
    %swap3A_1024 = arith.constant 1 : i32
    %swap3A_1025 = arith.index_cast %swap3A_1024 : i32 to index
    %swap3A_1026 = arith.constant 32 : index
    %swap3A_1027 = tpu.vector_load %arg6[%swap3A_1025, %swap3A_1026] {strides = array<i32>} : memref<4x128xi32, #tpu.memory_space<vmem>>, vector<1x16xi32>,
    %swap3A_1028 = vector.shape_cast %swap3A_1027 : vector<1x16xi32> to vector<16xi32>
    %swap3A_1029 = vector.shape_cast %shift_right_logical3A_1023 : vector<16xi32> to vector<1x16xi32>
    tpu.vector_store %arg6[%swap3A_1025, %swap3A_1026], %swap3A_1029 {strides = array<i32>} : memref<4x128xi32, #tpu.memory_space<vmem>>, vector<1x16xi32>,
    %get3A_1030 = arith.constant 1 : i32
    %get3A_1031 = arith.index_cast %get3A_1030 : i32 to index
    %get3A_1032 = arith.constant 48 : index
    %get3A_1033 = tpu.vector_load %arg5[%get3A_1031, %get3A_1032] {strides = array<i32>} : memref<80x128xi32, #tpu.memory_space<vmem>>, vector<1x16xi32>,
    %get3A_1034 = vector.shape_cast %get3A_1033 : vector<1x16xi32> to vector<16xi32>
    %and3A_1035 = arith.constant 16383 : i32
    %and3A_1036 = vector.broadcast %and3A_1035 : i32 to vector<16xi32>
    %and3A_1037 = arith.andi %get3A_1034, %and3A_1036 : vector<16xi32>
    %swap3A_1038 = arith.constant 1 : i32
    %swap3A_1039 = arith.index_cast %swap3A_1038 : i32 to index
    %swap3A_1040 = arith.constant 48 : index
    %swap3A_1041 = tpu.vector_load %arg7[%swap3A_1039, %swap3A_1040] {strides = array<i32>} : memref<4x128xi32, #tpu.memory_space<vmem>>, vector<1x16xi32>,
    %swap3A_1042 = vector.shape_cast %swap3A_1041 : vector<1x16xi32> to vector<16xi32>
    %swap3A_1043 = vector.shape_cast %and3A_1037 : vector<16xi32> to vector<1x16xi32>
    tpu.vector_store %arg7[%swap3A_1039, %swap3A_1040], %swap3A_1043 {strides = array<i32>} : memref<4x128xi32, #tpu.memory_space<vmem>>, vector<1x16xi32>,
    %shift_right_logical3A_1044 = arith.constant 14 : i32
    %shift_right_logical3A_1045 = vector.broadcast %shift_right_logical3A_1044 : i32 to vector<16xi32>
    %shift_right_logical3A_1046 = arith.shrui %get3A_1034, %shift_right_logical3A_1045 : vector<16xi32>
    %swap3A_1047 = arith.constant 1 : i32
    %swap3A_1048 = arith.index_cast %swap3A_1047 : i32 to index
    %swap3A_1049 = arith.constant 48 : index
    %swap3A_1050 = tpu.vector_load %arg6[%swap3A_1048, %swap3A_1049] {strides = array<i32>} : memref<4x128xi32, #tpu.memory_space<vmem>>, vector<1x16xi32>,
    %swap3A_1051 = vector.shape_cast %swap3A_1050 : vector<1x16xi32> to vector<16xi32>
    %swap3A_1052 = vector.shape_cast %shift_right_logical3A_1046 : vector<16xi32> to vector<1x16xi32>
    tpu.vector_store %arg6[%swap3A_1048, %swap3A_1049], %swap3A_1052 {strides = array<i32>} : memref<4x128xi32, #tpu.memory_space<vmem>>, vector<1x16xi32>,
    %get3A_1053 = arith.constant 1 : i32
    %get3A_1054 = arith.index_cast %get3A_1053 : i32 to index
    %get3A_1055 = arith.constant 64 : index
    %get3A_1056 = tpu.vector_load %arg5[%get3A_1054, %get3A_1055] {strides = array<i32>} : memref<80x128xi32, #tpu.memory_space<vmem>>, vector<1x16xi32>,
    %get3A_1057 = vector.shape_cast %get3A_1056 : vector<1x16xi32> to vector<16xi32>
    %and3A_1058 = arith.constant 16383 : i32
    %and3A_1059 = vector.broadcast %and3A_1058 : i32 to vector<16xi32>
    %and3A_1060 = arith.andi %get3A_1057, %and3A_1059 : vector<16xi32>
    %swap3A_1061 = arith.constant 1 : i32
    %swap3A_1062 = arith.index_cast %swap3A_1061 : i32 to index
    %swap3A_1063 = arith.constant 64 : index
    %swap3A_1064 = tpu.vector_load %arg7[%swap3A_1062, %swap3A_1063] {strides = array<i32>} : memref<4x128xi32, #tpu.memory_space<vmem>>, vector<1x16xi32>,
    %swap3A_1065 = vector.shape_cast %swap3A_1064 : vector<1x16xi32> to vector<16xi32>
    %swap3A_1066 = vector.shape_cast %and3A_1060 : vector<16xi32> to vector<1x16xi32>
    tpu.vector_store %arg7[%swap3A_1062, %swap3A_1063], %swap3A_1066 {strides = array<i32>} : memref<4x128xi32, #tpu.memory_space<vmem>>, vector<1x16xi32>,
    %shift_right_logical3A_1067 = arith.constant 14 : i32
    %shift_right_logical3A_1068 = vector.broadcast %shift_right_logical3A_1067 : i32 to vector<16xi32>
    %shift_right_logical3A_1069 = arith.shrui %get3A_1057, %shift_right_logical3A_1068 : vector<16xi32>
    %swap3A_1070 = arith.constant 1 : i32
    %swap3A_1071 = arith.index_cast %swap3A_1070 : i32 to index
    %swap3A_1072 = arith.constant 64 : index
    %swap3A_1073 = tpu.vector_load %arg6[%swap3A_1071, %swap3A_1072] {strides = array<i32>} : memref<4x128xi32, #tpu.memory_space<vmem>>, vector<1x16xi32>,
    %swap3A_1074 = vector.shape_cast %swap3A_1073 : vector<1x16xi32> to vector<16xi32>
    %swap3A_1075 = vector.shape_cast %shift_right_logical3A_1069 : vector<16xi32> to vector<1x16xi32>
    tpu.vector_store %arg6[%swap3A_1071, %swap3A_1072], %swap3A_1075 {strides = array<i32>} : memref<4x128xi32, #tpu.memory_space<vmem>>, vector<1x16xi32>,
    %get3A_1076 = arith.constant 1 : i32
    %get3A_1077 = arith.index_cast %get3A_1076 : i32 to index
    %get3A_1078 = arith.constant 80 : index
    %get3A_1079 = tpu.vector_load %arg5[%get3A_1077, %get3A_1078] {strides = array<i32>} : memref<80x128xi32, #tpu.memory_space<vmem>>, vector<1x16xi32>,
    %get3A_1080 = vector.shape_cast %get3A_1079 : vector<1x16xi32> to vector<16xi32>
    %and3A_1081 = arith.constant 16383 : i32
    %and3A_1082 = vector.broadcast %and3A_1081 : i32 to vector<16xi32>
    %and3A_1083 = arith.andi %get3A_1080, %and3A_1082 : vector<16xi32>
    %swap3A_1084 = arith.constant 1 : i32
    %swap3A_1085 = arith.index_cast %swap3A_1084 : i32 to index
    %swap3A_1086 = arith.constant 80 : index
    %swap3A_1087 = tpu.vector_load %arg7[%swap3A_1085, %swap3A_1086] {strides = array<i32>} : memref<4x128xi32, #tpu.memory_space<vmem>>, vector<1x16xi32>,
    %swap3A_1088 = vector.shape_cast %swap3A_1087 : vector<1x16xi32> to vector<16xi32>
    %swap3A_1089 = vector.shape_cast %and3A_1083 : vector<16xi32> to vector<1x16xi32>
    tpu.vector_store %arg7[%swap3A_1085, %swap3A_1086], %swap3A_1089 {strides = array<i32>} : memref<4x128xi32, #tpu.memory_space<vmem>>, vector<1x16xi32>,
    %shift_right_logical3A_1090 = arith.constant 14 : i32
    %shift_right_logical3A_1091 = vector.broadcast %shift_right_logical3A_1090 : i32 to vector<16xi32>
    %shift_right_logical3A_1092 = arith.shrui %get3A_1080, %shift_right_logical3A_1091 : vector<16xi32>
    %swap3A_1093 = arith.constant 1 : i32
    %swap3A_1094 = arith.index_cast %swap3A_1093 : i32 to index
    %swap3A_1095 = arith.constant 80 : index
    %swap3A_1096 = tpu.vector_load %arg6[%swap3A_1094, %swap3A_1095] {strides = array<i32>} : memref<4x128xi32, #tpu.memory_space<vmem>>, vector<1x16xi32>,
    %swap3A_1097 = vector.shape_cast %swap3A_1096 : vector<1x16xi32> to vector<16xi32>
    %swap3A_1098 = vector.shape_cast %shift_right_logical3A_1092 : vector<16xi32> to vector<1x16xi32>
    tpu.vector_store %arg6[%swap3A_1094, %swap3A_1095], %swap3A_1098 {strides = array<i32>} : memref<4x128xi32, #tpu.memory_space<vmem>>, vector<1x16xi32>,
    %get3A_1099 = arith.constant 1 : i32
    %get3A_1100 = arith.index_cast %get3A_1099 : i32 to index
    %get3A_1101 = arith.constant 96 : index
    %get3A_1102 = tpu.vector_load %arg5[%get3A_1100, %get3A_1101] {strides = array<i32>} : memref<80x128xi32, #tpu.memory_space<vmem>>, vector<1x16xi32>,
    %get3A_1103 = vector.shape_cast %get3A_1102 : vector<1x16xi32> to vector<16xi32>
    %and3A_1104 = arith.constant 16383 : i32
    %and3A_1105 = vector.broadcast %and3A_1104 : i32 to vector<16xi32>
    %and3A_1106 = arith.andi %get3A_1103, %and3A_1105 : vector<16xi32>
    %swap3A_1107 = arith.constant 1 : i32
    %swap3A_1108 = arith.index_cast %swap3A_1107 : i32 to index
    %swap3A_1109 = arith.constant 96 : index
    %swap3A_1110 = tpu.vector_load %arg7[%swap3A_1108, %swap3A_1109] {strides = array<i32>} : memref<4x128xi32, #tpu.memory_space<vmem>>, vector<1x16xi32>,
    %swap3A_1111 = vector.shape_cast %swap3A_1110 : vector<1x16xi32> to vector<16xi32>
    %swap3A_1112 = vector.shape_cast %and3A_1106 : vector<16xi32> to vector<1x16xi32>
    tpu.vector_store %arg7[%swap3A_1108, %swap3A_1109], %swap3A_1112 {strides = array<i32>} : memref<4x128xi32, #tpu.memory_space<vmem>>, vector<1x16xi32>,
    %shift_right_logical3A_1113 = arith.constant 14 : i32
    %shift_right_logical3A_1114 = vector.broadcast %shift_right_logical3A_1113 : i32 to vector<16xi32>
    %shift_right_logical3A_1115 = arith.shrui %get3A_1103, %shift_right_logical3A_1114 : vector<16xi32>
    %swap3A_1116 = arith.constant 1 : i32
    %swap3A_1117 = arith.index_cast %swap3A_1116 : i32 to index
    %swap3A_1118 = arith.constant 96 : index
    %swap3A_1119 = tpu.vector_load %arg6[%swap3A_1117, %swap3A_1118] {strides = array<i32>} : memref<4x128xi32, #tpu.memory_space<vmem>>, vector<1x16xi32>,
    %swap3A_1120 = vector.shape_cast %swap3A_1119 : vector<1x16xi32> to vector<16xi32>
    %swap3A_1121 = vector.shape_cast %shift_right_logical3A_1115 : vector<16xi32> to vector<1x16xi32>
    tpu.vector_store %arg6[%swap3A_1117, %swap3A_1118], %swap3A_1121 {strides = array<i32>} : memref<4x128xi32, #tpu.memory_space<vmem>>, vector<1x16xi32>,
    %get3A_1122 = arith.constant 1 : i32
    %get3A_1123 = arith.index_cast %get3A_1122 : i32 to index
    %get3A_1124 = arith.constant 112 : index
    %get3A_1125 = tpu.vector_load %arg5[%get3A_1123, %get3A_1124] {strides = array<i32>} : memref<80x128xi32, #tpu.memory_space<vmem>>, vector<1x16xi32>,
    %get3A_1126 = vector.shape_cast %get3A_1125 : vector<1x16xi32> to vector<16xi32>
    %and3A_1127 = arith.constant 16383 : i32
    %and3A_1128 = vector.broadcast %and3A_1127 : i32 to vector<16xi32>
    %and3A_1129 = arith.andi %get3A_1126, %and3A_1128 : vector<16xi32>
    %swap3A_1130 = arith.constant 1 : i32
    %swap3A_1131 = arith.index_cast %swap3A_1130 : i32 to index
    %swap3A_1132 = arith.constant 112 : index
    %swap3A_1133 = tpu.vector_load %arg7[%swap3A_1131, %swap3A_1132] {strides = array<i32>} : memref<4x128xi32, #tpu.memory_space<vmem>>, vector<1x16xi32>,
    %swap3A_1134 = vector.shape_cast %swap3A_1133 : vector<1x16xi32> to vector<16xi32>
    %swap3A_1135 = vector.shape_cast %and3A_1129 : vector<16xi32> to vector<1x16xi32>
    tpu.vector_store %arg7[%swap3A_1131, %swap3A_1132], %swap3A_1135 {strides = array<i32>} : memref<4x128xi32, #tpu.memory_space<vmem>>, vector<1x16xi32>,
    %shift_right_logical3A_1136 = arith.constant 14 : i32
    %shift_right_logical3A_1137 = vector.broadcast %shift_right_logical3A_1136 : i32 to vector<16xi32>
    %shift_right_logical3A_1138 = arith.shrui %get3A_1126, %shift_right_logical3A_1137 : vector<16xi32>
    %swap3A_1139 = arith.constant 1 : i32
    %swap3A_1140 = arith.index_cast %swap3A_1139 : i32 to index
    %swap3A_1141 = arith.constant 112 : index
    %swap3A_1142 = tpu.vector_load %arg6[%swap3A_1140, %swap3A_1141] {strides = array<i32>} : memref<4x128xi32, #tpu.memory_space<vmem>>, vector<1x16xi32>,
    %swap3A_1143 = vector.shape_cast %swap3A_1142 : vector<1x16xi32> to vector<16xi32>
    %swap3A_1144 = vector.shape_cast %shift_right_logical3A_1138 : vector<16xi32> to vector<1x16xi32>
    tpu.vector_store %arg6[%swap3A_1140, %swap3A_1141], %swap3A_1144 {strides = array<i32>} : memref<4x128xi32, #tpu.memory_space<vmem>>, vector<1x16xi32>,
    %dma_start3A = arith.constant 0 : i32
    %dma_start3A_1145 = arith.constant 0 : i32
    %dma_start3A_1146 = tpu.memref_slice %arg7[%dma_start3A, %dma_start3A_1145] : memref<4x128xi32, #tpu.memory_space<vmem>> -> memref<1x128xi32, #tpu.memory_space<vmem>>
    %dma_start3A_1147 = tpu.memref_squeeze %dma_start3A_1146 : memref<1x128xi32, #tpu.memory_space<vmem>> -> memref<128xi32, #tpu.memory_space<vmem>>
    %dma_start3A_1148 = arith.constant 0 : i32
    %dma_start3A_1149 = arith.constant 0 : i32
    %dma_start3A_1150 = tpu.memref_slice %arg2[%dma_start3A_1148, %dma_start3A_1149] : memref<10000x128xf32, #tpu.memory_space<hbm>> -> memref<10000x128xf32, #tpu.memory_space<hbm>>
    tpu.enqueue_indirect_dma source(%dma_start3A_1150 : memref<10000x128xf32, #tpu.memory_space<hbm>>) target(%arg8 : memref<128x128xf32, #tpu.memory_space<vmem>>) offsets(%dma_start3A_1147 : memref<128xi32, #tpu.memory_space<vmem>>) semaphore(%arg12 : memref<!tpu.dma_semaphore, #tpu.memory_space<semaphore_mem>>)
    %dma_start3A_1151 = arith.constant 1 : i32
    %dma_start3A_1152 = arith.constant 0 : i32
    %dma_start3A_1153 = tpu.memref_slice %arg7[%dma_start3A_1151, %dma_start3A_1152] : memref<4x128xi32, #tpu.memory_space<vmem>> -> memref<1x128xi32, #tpu.memory_space<vmem>>
    %dma_start3A_1154 = tpu.memref_squeeze %dma_start3A_1153 : memref<1x128xi32, #tpu.memory_space<vmem>> -> memref<128xi32, #tpu.memory_space<vmem>>
    %dma_start3A_1155 = arith.constant 0 : i32
    %dma_start3A_1156 = arith.constant 0 : i32
    %dma_start3A_1157 = tpu.memref_slice %arg2[%dma_start3A_1155, %dma_start3A_1156] : memref<10000x128xf32, #tpu.memory_space<hbm>> -> memref<10000x128xf32, #tpu.memory_space<hbm>>
    tpu.enqueue_indirect_dma source(%dma_start3A_1157 : memref<10000x128xf32, #tpu.memory_space<hbm>>) target(%arg9 : memref<128x128xf32, #tpu.memory_space<vmem>>) offsets(%dma_start3A_1154 : memref<128xi32, #tpu.memory_space<vmem>>) semaphore(%arg13 : memref<!tpu.dma_semaphore, #tpu.memory_space<semaphore_mem>>)
    %scan3A_1158 = arith.constant 0 : i32
    %scan3A_1159 = arith.constant 39 : i32
    %scan3A_1160 = arith.addi %scan3A_1158, %scan3A_1159 : i32
    %scan3A_1161 = arith.constant 1 : i32
    scf.for %scan3A_1207 = %scan3A_1158 to %scan3A_1160 step %scan3A_1161  : i32 {
      %mul3A_1208 = arith.constant 2 : i32
      %mul3A_1209 = arith.muli %mul3A_1208, %scan3A_1207 : i32
      %jit3A = arith.constant 4 : i32
      %eq3A = arith.constant 0 : i32
      %eq3A_1210 = arith.cmpi eq, %jit3A, %eq3A : i32
      %jit3A_1211 = arith.constant 1 : i32
      %select_n3A = arith.select %eq3A_1210, %jit3A_1211, %jit3A : i32
      %rem3A = arith.remsi %mul3A_1209, %select_n3A : i32
      %ne3A = arith.constant 0 : i32
      %ne3A_1212 = arith.cmpi ne, %rem3A, %ne3A : i32
      %lt3A = arith.constant 0 : i32
      %lt3A_1213 = arith.cmpi slt, %rem3A, %lt3A : i32
      %lt3A_1214 = arith.constant 0 : i32
      %lt3A_1215 = arith.cmpi slt, %select_n3A, %lt3A_1214 : i32
      %ne3A_1216 = arith.xori %lt3A_1213, %lt3A_1215 : i1
      %and3A_1217 = arith.andi %ne3A_1216, %ne3A_1212 : i1
      %add3A_1218 = arith.addi %rem3A, %select_n3A : i32
      %select_n3A_1219 = arith.select %and3A_1217, %add3A_1218, %rem3A : i32
      %add3A_1220 = arith.constant 1 : i32
      %add3A_1221 = arith.addi %mul3A_1209, %add3A_1220 : i32
      %jit3A_1222 = arith.constant 4 : i32
      %eq3A_1223 = arith.constant 0 : i32
      %eq3A_1224 = arith.cmpi eq, %jit3A_1222, %eq3A_1223 : i32
      %jit3A_1225 = arith.constant 1 : i32
      %select_n3A_1226 = arith.select %eq3A_1224, %jit3A_1225, %jit3A_1222 : i32
      %rem3A_1227 = arith.remsi %add3A_1221, %select_n3A_1226 : i32
      %ne3A_1228 = arith.constant 0 : i32
      %ne3A_1229 = arith.cmpi ne, %rem3A_1227, %ne3A_1228 : i32
      %lt3A_1230 = arith.constant 0 : i32
      %lt3A_1231 = arith.cmpi slt, %rem3A_1227, %lt3A_1230 : i32
      %lt3A_1232 = arith.constant 0 : i32
      %lt3A_1233 = arith.cmpi slt, %select_n3A_1226, %lt3A_1232 : i32
      %ne3A_1234 = arith.xori %lt3A_1231, %lt3A_1233 : i1
      %and3A_1235 = arith.andi %ne3A_1234, %ne3A_1229 : i1
      %add3A_1236 = arith.addi %rem3A_1227, %select_n3A_1226 : i32
      %select_n3A_1237 = arith.select %and3A_1235, %add3A_1236, %rem3A_1227 : i32
      %add3A_1238 = arith.constant 2 : i32
      %add3A_1239 = arith.addi %mul3A_1209, %add3A_1238 : i32
      %jit3A_1240 = arith.constant 4 : i32
      %eq3A_1241 = arith.constant 0 : i32
      %eq3A_1242 = arith.cmpi eq, %jit3A_1240, %eq3A_1241 : i32
      %jit3A_1243 = arith.constant 1 : i32
      %select_n3A_1244 = arith.select %eq3A_1242, %jit3A_1243, %jit3A_1240 : i32
      %rem3A_1245 = arith.remsi %add3A_1239, %select_n3A_1244 : i32
      %ne3A_1246 = arith.constant 0 : i32
      %ne3A_1247 = arith.cmpi ne, %rem3A_1245, %ne3A_1246 : i32
      %lt3A_1248 = arith.constant 0 : i32
      %lt3A_1249 = arith.cmpi slt, %rem3A_1245, %lt3A_1248 : i32
      %lt3A_1250 = arith.constant 0 : i32
      %lt3A_1251 = arith.cmpi slt, %select_n3A_1244, %lt3A_1250 : i32
      %ne3A_1252 = arith.xori %lt3A_1249, %lt3A_1251 : i1
      %and3A_1253 = arith.andi %ne3A_1252, %ne3A_1247 : i1
      %add3A_1254 = arith.addi %rem3A_1245, %select_n3A_1244 : i32
      %select_n3A_1255 = arith.select %and3A_1253, %add3A_1254, %rem3A_1245 : i32
      %add3A_1256 = arith.constant 3 : i32
      %add3A_1257 = arith.addi %mul3A_1209, %add3A_1256 : i32
      %jit3A_1258 = arith.constant 4 : i32
      %eq3A_1259 = arith.constant 0 : i32
      %eq3A_1260 = arith.cmpi eq, %jit3A_1258, %eq3A_1259 : i32
      %jit3A_1261 = arith.constant 1 : i32
      %select_n3A_1262 = arith.select %eq3A_1260, %jit3A_1261, %jit3A_1258 : i32
      %rem3A_1263 = arith.remsi %add3A_1257, %select_n3A_1262 : i32
      %ne3A_1264 = arith.constant 0 : i32
      %ne3A_1265 = arith.cmpi ne, %rem3A_1263, %ne3A_1264 : i32
      %lt3A_1266 = arith.constant 0 : i32
      %lt3A_1267 = arith.cmpi slt, %rem3A_1263, %lt3A_1266 : i32
      %lt3A_1268 = arith.constant 0 : i32
      %lt3A_1269 = arith.cmpi slt, %select_n3A_1262, %lt3A_1268 : i32
      %ne3A_1270 = arith.xori %lt3A_1267, %lt3A_1269 : i1
      %and3A_1271 = arith.andi %ne3A_1270, %ne3A_1265 : i1
      %add3A_1272 = arith.addi %rem3A_1263, %select_n3A_1262 : i32
      %select_n3A_1273 = arith.select %and3A_1271, %add3A_1272, %rem3A_1263 : i32
      %dma_wait3A_1274 = arith.constant 0 : i32
      %dma_wait3A_1275 = tpu.memref_slice %arg7[%select_n3A_1219, %dma_wait3A_1274] : memref<4x128xi32, #tpu.memory_space<vmem>> -> memref<1x128xi32, #tpu.memory_space<vmem>>
      %dma_wait3A_1276 = tpu.memref_squeeze %dma_wait3A_1275 : memref<1x128xi32, #tpu.memory_space<vmem>> -> memref<128xi32, #tpu.memory_space<vmem>>
      %dma_wait3A_1277 = arith.constant 0 : i32
      %dma_wait3A_1278 = arith.constant 0 : i32
      %dma_wait3A_1279 = tpu.memref_slice %arg2[%dma_wait3A_1277, %dma_wait3A_1278] : memref<10000x128xf32, #tpu.memory_space<hbm>> -> memref<10000x128xf32, #tpu.memory_space<hbm>>
      tpu.wait_indirect_dma semaphore(%arg12 : memref<!tpu.dma_semaphore, #tpu.memory_space<semaphore_mem>>) src(%dma_wait3A_1279 : memref<10000x128xf32, #tpu.memory_space<hbm>>) dst(%arg8 : memref<128x128xf32, #tpu.memory_space<vmem>>)
      %dma_start3A_1280 = arith.constant 0 : i32
      %dma_start3A_1281 = tpu.memref_slice %arg6[%select_n3A_1219, %dma_start3A_1280] : memref<4x128xi32, #tpu.memory_space<vmem>> -> memref<1x128xi32, #tpu.memory_space<vmem>>
      %dma_start3A_1282 = tpu.memref_squeeze %dma_start3A_1281 : memref<1x128xi32, #tpu.memory_space<vmem>> -> memref<128xi32, #tpu.memory_space<vmem>>
      %dma_start3A_1283 = arith.constant 0 : i32
      %dma_start3A_1284 = arith.constant 0 : i32
      %dma_start3A_1285 = tpu.memref_slice %arg11[%dma_start3A_1283, %dma_start3A_1284] : memref<10240x128xf32, #tpu.memory_space<vmem_shared>> -> memref<10240x128xf32, #tpu.memory_space<vmem_shared>>
      tpu.enqueue_indirect_dma source(%arg8 : memref<128x128xf32, #tpu.memory_space<vmem>>) target(%dma_start3A_1285 : memref<10240x128xf32, #tpu.memory_space<vmem_shared>>) offsets(%dma_start3A_1282 : memref<128xi32, #tpu.memory_space<vmem>>) semaphore(%arg14 : memref<!tpu.dma_semaphore, #tpu.memory_space<semaphore_mem>>) {add = true}
      %dma_wait3A_1286 = arith.constant 0 : i32
      %dma_wait3A_1287 = tpu.memref_slice %arg7[%select_n3A_1237, %dma_wait3A_1286] : memref<4x128xi32, #tpu.memory_space<vmem>> -> memref<1x128xi32, #tpu.memory_space<vmem>>
      %dma_wait3A_1288 = tpu.memref_squeeze %dma_wait3A_1287 : memref<1x128xi32, #tpu.memory_space<vmem>> -> memref<128xi32, #tpu.memory_space<vmem>>
      %dma_wait3A_1289 = arith.constant 0 : i32
      %dma_wait3A_1290 = arith.constant 0 : i32
      %dma_wait3A_1291 = tpu.memref_slice %arg2[%dma_wait3A_1289, %dma_wait3A_1290] : memref<10000x128xf32, #tpu.memory_space<hbm>> -> memref<10000x128xf32, #tpu.memory_space<hbm>>
      tpu.wait_indirect_dma semaphore(%arg13 : memref<!tpu.dma_semaphore, #tpu.memory_space<semaphore_mem>>) src(%dma_wait3A_1291 : memref<10000x128xf32, #tpu.memory_space<hbm>>) dst(%arg9 : memref<128x128xf32, #tpu.memory_space<vmem>>)
      %dma_start3A_1292 = arith.constant 0 : i32
      %dma_start3A_1293 = tpu.memref_slice %arg6[%select_n3A_1237, %dma_start3A_1292] : memref<4x128xi32, #tpu.memory_space<vmem>> -> memref<1x128xi32, #tpu.memory_space<vmem>>
      %dma_start3A_1294 = tpu.memref_squeeze %dma_start3A_1293 : memref<1x128xi32, #tpu.memory_space<vmem>> -> memref<128xi32, #tpu.memory_space<vmem>>
      %dma_start3A_1295 = arith.constant 0 : i32
      %dma_start3A_1296 = arith.constant 0 : i32
      %dma_start3A_1297 = tpu.memref_slice %arg11[%dma_start3A_1295, %dma_start3A_1296] : memref<10240x128xf32, #tpu.memory_space<vmem_shared>> -> memref<10240x128xf32, #tpu.memory_space<vmem_shared>>
      tpu.enqueue_indirect_dma source(%arg9 : memref<128x128xf32, #tpu.memory_space<vmem>>) target(%dma_start3A_1297 : memref<10240x128xf32, #tpu.memory_space<vmem_shared>>) offsets(%dma_start3A_1294 : memref<128xi32, #tpu.memory_space<vmem>>) semaphore(%arg15 : memref<!tpu.dma_semaphore, #tpu.memory_space<semaphore_mem>>) {add = true}
      %add3A_1298 = arith.constant 2 : i32
      %add3A_1299 = arith.addi %mul3A_1209, %add3A_1298 : i32
      %get3A_1300 = arith.index_cast %add3A_1299 : i32 to index
      %get3A_1301 = arith.constant 0 : index
      %get3A_1302 = tpu.vector_load %arg5[%get3A_1300, %get3A_1301] {strides = array<i32>} : memref<80x128xi32, #tpu.memory_space<vmem>>, vector<1x16xi32>,
      %get3A_1303 = vector.shape_cast %get3A_1302 : vector<1x16xi32> to vector<16xi32>
      %and3A_1304 = arith.constant 16383 : i32
      %and3A_1305 = vector.broadcast %and3A_1304 : i32 to vector<16xi32>
      %and3A_1306 = arith.andi %get3A_1303, %and3A_1305 : vector<16xi32>
      %swap3A_1307 = arith.index_cast %select_n3A_1255 : i32 to index
      %swap3A_1308 = arith.constant 0 : index
      %swap3A_1309 = tpu.vector_load %arg7[%swap3A_1307, %swap3A_1308] {strides = array<i32>} : memref<4x128xi32, #tpu.memory_space<vmem>>, vector<1x16xi32>,
      %swap3A_1310 = vector.shape_cast %swap3A_1309 : vector<1x16xi32> to vector<16xi32>
      %swap3A_1311 = vector.shape_cast %and3A_1306 : vector<16xi32> to vector<1x16xi32>
      tpu.vector_store %arg7[%swap3A_1307, %swap3A_1308], %swap3A_1311 {strides = array<i32>} : memref<4x128xi32, #tpu.memory_space<vmem>>, vector<1x16xi32>,
      %shift_right_logical3A_1312 = arith.constant 14 : i32
      %shift_right_logical3A_1313 = vector.broadcast %shift_right_logical3A_1312 : i32 to vector<16xi32>
      %shift_right_logical3A_1314 = arith.shrui %get3A_1303, %shift_right_logical3A_1313 : vector<16xi32>
      %swap3A_1315 = arith.index_cast %select_n3A_1255 : i32 to index
      %swap3A_1316 = arith.constant 0 : index
      %swap3A_1317 = tpu.vector_load %arg6[%swap3A_1315, %swap3A_1316] {strides = array<i32>} : memref<4x128xi32, #tpu.memory_space<vmem>>, vector<1x16xi32>,
      %swap3A_1318 = vector.shape_cast %swap3A_1317 : vector<1x16xi32> to vector<16xi32>
      %swap3A_1319 = vector.shape_cast %shift_right_logical3A_1314 : vector<16xi32> to vector<1x16xi32>
      tpu.vector_store %arg6[%swap3A_1315, %swap3A_1316], %swap3A_1319 {strides = array<i32>} : memref<4x128xi32, #tpu.memory_space<vmem>>, vector<1x16xi32>,
      %get3A_1320 = arith.index_cast %add3A_1299 : i32 to index
      %get3A_1321 = arith.constant 16 : index
      %get3A_1322 = tpu.vector_load %arg5[%get3A_1320, %get3A_1321] {strides = array<i32>} : memref<80x128xi32, #tpu.memory_space<vmem>>, vector<1x16xi32>,
      %get3A_1323 = vector.shape_cast %get3A_1322 : vector<1x16xi32> to vector<16xi32>
      %and3A_1324 = arith.constant 16383 : i32
      %and3A_1325 = vector.broadcast %and3A_1324 : i32 to vector<16xi32>
      %and3A_1326 = arith.andi %get3A_1323, %and3A_1325 : vector<16xi32>
      %swap3A_1327 = arith.index_cast %select_n3A_1255 : i32 to index
      %swap3A_1328 = arith.constant 16 : index
      %swap3A_1329 = tpu.vector_load %arg7[%swap3A_1327, %swap3A_1328] {strides = array<i32>} : memref<4x128xi32, #tpu.memory_space<vmem>>, vector<1x16xi32>,
      %swap3A_1330 = vector.shape_cast %swap3A_1329 : vector<1x16xi32> to vector<16xi32>
      %swap3A_1331 = vector.shape_cast %and3A_1326 : vector<16xi32> to vector<1x16xi32>
      tpu.vector_store %arg7[%swap3A_1327, %swap3A_1328], %swap3A_1331 {strides = array<i32>} : memref<4x128xi32, #tpu.memory_space<vmem>>, vector<1x16xi32>,
      %shift_right_logical3A_1332 = arith.constant 14 : i32
      %shift_right_logical3A_1333 = vector.broadcast %shift_right_logical3A_1332 : i32 to vector<16xi32>
      %shift_right_logical3A_1334 = arith.shrui %get3A_1323, %shift_right_logical3A_1333 : vector<16xi32>
      %swap3A_1335 = arith.index_cast %select_n3A_1255 : i32 to index
      %swap3A_1336 = arith.constant 16 : index
      %swap3A_1337 = tpu.vector_load %arg6[%swap3A_1335, %swap3A_1336] {strides = array<i32>} : memref<4x128xi32, #tpu.memory_space<vmem>>, vector<1x16xi32>,
      %swap3A_1338 = vector.shape_cast %swap3A_1337 : vector<1x16xi32> to vector<16xi32>
      %swap3A_1339 = vector.shape_cast %shift_right_logical3A_1334 : vector<16xi32> to vector<1x16xi32>
      tpu.vector_store %arg6[%swap3A_1335, %swap3A_1336], %swap3A_1339 {strides = array<i32>} : memref<4x128xi32, #tpu.memory_space<vmem>>, vector<1x16xi32>,
      %get3A_1340 = arith.index_cast %add3A_1299 : i32 to index
      %get3A_1341 = arith.constant 32 : index
      %get3A_1342 = tpu.vector_load %arg5[%get3A_1340, %get3A_1341] {strides = array<i32>} : memref<80x128xi32, #tpu.memory_space<vmem>>, vector<1x16xi32>,
      %get3A_1343 = vector.shape_cast %get3A_1342 : vector<1x16xi32> to vector<16xi32>
      %and3A_1344 = arith.constant 16383 : i32
      %and3A_1345 = vector.broadcast %and3A_1344 : i32 to vector<16xi32>
      %and3A_1346 = arith.andi %get3A_1343, %and3A_1345 : vector<16xi32>
      %swap3A_1347 = arith.index_cast %select_n3A_1255 : i32 to index
      %swap3A_1348 = arith.constant 32 : index
      %swap3A_1349 = tpu.vector_load %arg7[%swap3A_1347, %swap3A_1348] {strides = array<i32>} : memref<4x128xi32, #tpu.memory_space<vmem>>, vector<1x16xi32>,
      %swap3A_1350 = vector.shape_cast %swap3A_1349 : vector<1x16xi32> to vector<16xi32>
      %swap3A_1351 = vector.shape_cast %and3A_1346 : vector<16xi32> to vector<1x16xi32>
      tpu.vector_store %arg7[%swap3A_1347, %swap3A_1348], %swap3A_1351 {strides = array<i32>} : memref<4x128xi32, #tpu.memory_space<vmem>>, vector<1x16xi32>,
      %shift_right_logical3A_1352 = arith.constant 14 : i32
      %shift_right_logical3A_1353 = vector.broadcast %shift_right_logical3A_1352 : i32 to vector<16xi32>
      %shift_right_logical3A_1354 = arith.shrui %get3A_1343, %shift_right_logical3A_1353 : vector<16xi32>
      %swap3A_1355 = arith.index_cast %select_n3A_1255 : i32 to index
      %swap3A_1356 = arith.constant 32 : index
      %swap3A_1357 = tpu.vector_load %arg6[%swap3A_1355, %swap3A_1356] {strides = array<i32>} : memref<4x128xi32, #tpu.memory_space<vmem>>, vector<1x16xi32>,
      %swap3A_1358 = vector.shape_cast %swap3A_1357 : vector<1x16xi32> to vector<16xi32>
      %swap3A_1359 = vector.shape_cast %shift_right_logical3A_1354 : vector<16xi32> to vector<1x16xi32>
      tpu.vector_store %arg6[%swap3A_1355, %swap3A_1356], %swap3A_1359 {strides = array<i32>} : memref<4x128xi32, #tpu.memory_space<vmem>>, vector<1x16xi32>,
      %get3A_1360 = arith.index_cast %add3A_1299 : i32 to index
      %get3A_1361 = arith.constant 48 : index
      %get3A_1362 = tpu.vector_load %arg5[%get3A_1360, %get3A_1361] {strides = array<i32>} : memref<80x128xi32, #tpu.memory_space<vmem>>, vector<1x16xi32>,
      %get3A_1363 = vector.shape_cast %get3A_1362 : vector<1x16xi32> to vector<16xi32>
      %and3A_1364 = arith.constant 16383 : i32
      %and3A_1365 = vector.broadcast %and3A_1364 : i32 to vector<16xi32>
      %and3A_1366 = arith.andi %get3A_1363, %and3A_1365 : vector<16xi32>
      %swap3A_1367 = arith.index_cast %select_n3A_1255 : i32 to index
      %swap3A_1368 = arith.constant 48 : index
      %swap3A_1369 = tpu.vector_load %arg7[%swap3A_1367, %swap3A_1368] {strides = array<i32>} : memref<4x128xi32, #tpu.memory_space<vmem>>, vector<1x16xi32>,
      %swap3A_1370 = vector.shape_cast %swap3A_1369 : vector<1x16xi32> to vector<16xi32>
      %swap3A_1371 = vector.shape_cast %and3A_1366 : vector<16xi32> to vector<1x16xi32>
      tpu.vector_store %arg7[%swap3A_1367, %swap3A_1368], %swap3A_1371 {strides = array<i32>} : memref<4x128xi32, #tpu.memory_space<vmem>>, vector<1x16xi32>,
      %shift_right_logical3A_1372 = arith.constant 14 : i32
      %shift_right_logical3A_1373 = vector.broadcast %shift_right_logical3A_1372 : i32 to vector<16xi32>
      %shift_right_logical3A_1374 = arith.shrui %get3A_1363, %shift_right_logical3A_1373 : vector<16xi32>
      %swap3A_1375 = arith.index_cast %select_n3A_1255 : i32 to index
      %swap3A_1376 = arith.constant 48 : index
      %swap3A_1377 = tpu.vector_load %arg6[%swap3A_1375, %swap3A_1376] {strides = array<i32>} : memref<4x128xi32, #tpu.memory_space<vmem>>, vector<1x16xi32>,
      %swap3A_1378 = vector.shape_cast %swap3A_1377 : vector<1x16xi32> to vector<16xi32>
      %swap3A_1379 = vector.shape_cast %shift_right_logical3A_1374 : vector<16xi32> to vector<1x16xi32>
      tpu.vector_store %arg6[%swap3A_1375, %swap3A_1376], %swap3A_1379 {strides = array<i32>} : memref<4x128xi32, #tpu.memory_space<vmem>>, vector<1x16xi32>,
      %get3A_1380 = arith.index_cast %add3A_1299 : i32 to index
      %get3A_1381 = arith.constant 64 : index
      %get3A_1382 = tpu.vector_load %arg5[%get3A_1380, %get3A_1381] {strides = array<i32>} : memref<80x128xi32, #tpu.memory_space<vmem>>, vector<1x16xi32>,
      %get3A_1383 = vector.shape_cast %get3A_1382 : vector<1x16xi32> to vector<16xi32>
      %and3A_1384 = arith.constant 16383 : i32
      %and3A_1385 = vector.broadcast %and3A_1384 : i32 to vector<16xi32>
      %and3A_1386 = arith.andi %get3A_1383, %and3A_1385 : vector<16xi32>
      %swap3A_1387 = arith.index_cast %select_n3A_1255 : i32 to index
      %swap3A_1388 = arith.constant 64 : index
      %swap3A_1389 = tpu.vector_load %arg7[%swap3A_1387, %swap3A_1388] {strides = array<i32>} : memref<4x128xi32, #tpu.memory_space<vmem>>, vector<1x16xi32>,
      %swap3A_1390 = vector.shape_cast %swap3A_1389 : vector<1x16xi32> to vector<16xi32>
      %swap3A_1391 = vector.shape_cast %and3A_1386 : vector<16xi32> to vector<1x16xi32>
      tpu.vector_store %arg7[%swap3A_1387, %swap3A_1388], %swap3A_1391 {strides = array<i32>} : memref<4x128xi32, #tpu.memory_space<vmem>>, vector<1x16xi32>,
      %shift_right_logical3A_1392 = arith.constant 14 : i32
      %shift_right_logical3A_1393 = vector.broadcast %shift_right_logical3A_1392 : i32 to vector<16xi32>
      %shift_right_logical3A_1394 = arith.shrui %get3A_1383, %shift_right_logical3A_1393 : vector<16xi32>
      %swap3A_1395 = arith.index_cast %select_n3A_1255 : i32 to index
      %swap3A_1396 = arith.constant 64 : index
      %swap3A_1397 = tpu.vector_load %arg6[%swap3A_1395, %swap3A_1396] {strides = array<i32>} : memref<4x128xi32, #tpu.memory_space<vmem>>, vector<1x16xi32>,
      %swap3A_1398 = vector.shape_cast %swap3A_1397 : vector<1x16xi32> to vector<16xi32>
      %swap3A_1399 = vector.shape_cast %shift_right_logical3A_1394 : vector<16xi32> to vector<1x16xi32>
      tpu.vector_store %arg6[%swap3A_1395, %swap3A_1396], %swap3A_1399 {strides = array<i32>} : memref<4x128xi32, #tpu.memory_space<vmem>>, vector<1x16xi32>,
      %get3A_1400 = arith.index_cast %add3A_1299 : i32 to index
      %get3A_1401 = arith.constant 80 : index
      %get3A_1402 = tpu.vector_load %arg5[%get3A_1400, %get3A_1401] {strides = array<i32>} : memref<80x128xi32, #tpu.memory_space<vmem>>, vector<1x16xi32>,
      %get3A_1403 = vector.shape_cast %get3A_1402 : vector<1x16xi32> to vector<16xi32>
      %and3A_1404 = arith.constant 16383 : i32
      %and3A_1405 = vector.broadcast %and3A_1404 : i32 to vector<16xi32>
      %and3A_1406 = arith.andi %get3A_1403, %and3A_1405 : vector<16xi32>
      %swap3A_1407 = arith.index_cast %select_n3A_1255 : i32 to index
      %swap3A_1408 = arith.constant 80 : index
      %swap3A_1409 = tpu.vector_load %arg7[%swap3A_1407, %swap3A_1408] {strides = array<i32>} : memref<4x128xi32, #tpu.memory_space<vmem>>, vector<1x16xi32>,
      %swap3A_1410 = vector.shape_cast %swap3A_1409 : vector<1x16xi32> to vector<16xi32>
      %swap3A_1411 = vector.shape_cast %and3A_1406 : vector<16xi32> to vector<1x16xi32>
      tpu.vector_store %arg7[%swap3A_1407, %swap3A_1408], %swap3A_1411 {strides = array<i32>} : memref<4x128xi32, #tpu.memory_space<vmem>>, vector<1x16xi32>,
      %shift_right_logical3A_1412 = arith.constant 14 : i32
      %shift_right_logical3A_1413 = vector.broadcast %shift_right_logical3A_1412 : i32 to vector<16xi32>
      %shift_right_logical3A_1414 = arith.shrui %get3A_1403, %shift_right_logical3A_1413 : vector<16xi32>
      %swap3A_1415 = arith.index_cast %select_n3A_1255 : i32 to index
      %swap3A_1416 = arith.constant 80 : index
      %swap3A_1417 = tpu.vector_load %arg6[%swap3A_1415, %swap3A_1416] {strides = array<i32>} : memref<4x128xi32, #tpu.memory_space<vmem>>, vector<1x16xi32>,
      %swap3A_1418 = vector.shape_cast %swap3A_1417 : vector<1x16xi32> to vector<16xi32>
      %swap3A_1419 = vector.shape_cast %shift_right_logical3A_1414 : vector<16xi32> to vector<1x16xi32>
      tpu.vector_store %arg6[%swap3A_1415, %swap3A_1416], %swap3A_1419 {strides = array<i32>} : memref<4x128xi32, #tpu.memory_space<vmem>>, vector<1x16xi32>,
      %get3A_1420 = arith.index_cast %add3A_1299 : i32 to index
      %get3A_1421 = arith.constant 96 : index
      %get3A_1422 = tpu.vector_load %arg5[%get3A_1420, %get3A_1421] {strides = array<i32>} : memref<80x128xi32, #tpu.memory_space<vmem>>, vector<1x16xi32>,
      %get3A_1423 = vector.shape_cast %get3A_1422 : vector<1x16xi32> to vector<16xi32>
      %and3A_1424 = arith.constant 16383 : i32
      %and3A_1425 = vector.broadcast %and3A_1424 : i32 to vector<16xi32>
      %and3A_1426 = arith.andi %get3A_1423, %and3A_1425 : vector<16xi32>
      %swap3A_1427 = arith.index_cast %select_n3A_1255 : i32 to index
      %swap3A_1428 = arith.constant 96 : index
      %swap3A_1429 = tpu.vector_load %arg7[%swap3A_1427, %swap3A_1428] {strides = array<i32>} : memref<4x128xi32, #tpu.memory_space<vmem>>, vector<1x16xi32>,
      %swap3A_1430 = vector.shape_cast %swap3A_1429 : vector<1x16xi32> to vector<16xi32>
      %swap3A_1431 = vector.shape_cast %and3A_1426 : vector<16xi32> to vector<1x16xi32>
      tpu.vector_store %arg7[%swap3A_1427, %swap3A_1428], %swap3A_1431 {strides = array<i32>} : memref<4x128xi32, #tpu.memory_space<vmem>>, vector<1x16xi32>,
      %shift_right_logical3A_1432 = arith.constant 14 : i32
      %shift_right_logical3A_1433 = vector.broadcast %shift_right_logical3A_1432 : i32 to vector<16xi32>
      %shift_right_logical3A_1434 = arith.shrui %get3A_1423, %shift_right_logical3A_1433 : vector<16xi32>
      %swap3A_1435 = arith.index_cast %select_n3A_1255 : i32 to index
      %swap3A_1436 = arith.constant 96 : index
      %swap3A_1437 = tpu.vector_load %arg6[%swap3A_1435, %swap3A_1436] {strides = array<i32>} : memref<4x128xi32, #tpu.memory_space<vmem>>, vector<1x16xi32>,
      %swap3A_1438 = vector.shape_cast %swap3A_1437 : vector<1x16xi32> to vector<16xi32>
      %swap3A_1439 = vector.shape_cast %shift_right_logical3A_1434 : vector<16xi32> to vector<1x16xi32>
      tpu.vector_store %arg6[%swap3A_1435, %swap3A_1436], %swap3A_1439 {strides = array<i32>} : memref<4x128xi32, #tpu.memory_space<vmem>>, vector<1x16xi32>,
      %get3A_1440 = arith.index_cast %add3A_1299 : i32 to index
      %get3A_1441 = arith.constant 112 : index
      %get3A_1442 = tpu.vector_load %arg5[%get3A_1440, %get3A_1441] {strides = array<i32>} : memref<80x128xi32, #tpu.memory_space<vmem>>, vector<1x16xi32>,
      %get3A_1443 = vector.shape_cast %get3A_1442 : vector<1x16xi32> to vector<16xi32>
      %and3A_1444 = arith.constant 16383 : i32
      %and3A_1445 = vector.broadcast %and3A_1444 : i32 to vector<16xi32>
      %and3A_1446 = arith.andi %get3A_1443, %and3A_1445 : vector<16xi32>
      %swap3A_1447 = arith.index_cast %select_n3A_1255 : i32 to index
      %swap3A_1448 = arith.constant 112 : index
      %swap3A_1449 = tpu.vector_load %arg7[%swap3A_1447, %swap3A_1448] {strides = array<i32>} : memref<4x128xi32, #tpu.memory_space<vmem>>, vector<1x16xi32>,
      %swap3A_1450 = vector.shape_cast %swap3A_1449 : vector<1x16xi32> to vector<16xi32>
      %swap3A_1451 = vector.shape_cast %and3A_1446 : vector<16xi32> to vector<1x16xi32>
      tpu.vector_store %arg7[%swap3A_1447, %swap3A_1448], %swap3A_1451 {strides = array<i32>} : memref<4x128xi32, #tpu.memory_space<vmem>>, vector<1x16xi32>,
      %shift_right_logical3A_1452 = arith.constant 14 : i32
      %shift_right_logical3A_1453 = vector.broadcast %shift_right_logical3A_1452 : i32 to vector<16xi32>
      %shift_right_logical3A_1454 = arith.shrui %get3A_1443, %shift_right_logical3A_1453 : vector<16xi32>
      %swap3A_1455 = arith.index_cast %select_n3A_1255 : i32 to index
      %swap3A_1456 = arith.constant 112 : index
      %swap3A_1457 = tpu.vector_load %arg6[%swap3A_1455, %swap3A_1456] {strides = array<i32>} : memref<4x128xi32, #tpu.memory_space<vmem>>, vector<1x16xi32>,
      %swap3A_1458 = vector.shape_cast %swap3A_1457 : vector<1x16xi32> to vector<16xi32>
      %swap3A_1459 = vector.shape_cast %shift_right_logical3A_1454 : vector<16xi32> to vector<1x16xi32>
      tpu.vector_store %arg6[%swap3A_1455, %swap3A_1456], %swap3A_1459 {strides = array<i32>} : memref<4x128xi32, #tpu.memory_space<vmem>>, vector<1x16xi32>,
      %add3A_1460 = arith.constant 3 : i32
      %add3A_1461 = arith.addi %mul3A_1209, %add3A_1460 : i32
      %get3A_1462 = arith.index_cast %add3A_1461 : i32 to index
      %get3A_1463 = arith.constant 0 : index
      %get3A_1464 = tpu.vector_load %arg5[%get3A_1462, %get3A_1463] {strides = array<i32>} : memref<80x128xi32, #tpu.memory_space<vmem>>, vector<1x16xi32>,
      %get3A_1465 = vector.shape_cast %get3A_1464 : vector<1x16xi32> to vector<16xi32>
      %and3A_1466 = arith.constant 16383 : i32
      %and3A_1467 = vector.broadcast %and3A_1466 : i32 to vector<16xi32>
      %and3A_1468 = arith.andi %get3A_1465, %and3A_1467 : vector<16xi32>
      %swap3A_1469 = arith.index_cast %select_n3A_1273 : i32 to index
      %swap3A_1470 = arith.constant 0 : index
      %swap3A_1471 = tpu.vector_load %arg7[%swap3A_1469, %swap3A_1470] {strides = array<i32>} : memref<4x128xi32, #tpu.memory_space<vmem>>, vector<1x16xi32>,
      %swap3A_1472 = vector.shape_cast %swap3A_1471 : vector<1x16xi32> to vector<16xi32>
      %swap3A_1473 = vector.shape_cast %and3A_1468 : vector<16xi32> to vector<1x16xi32>
      tpu.vector_store %arg7[%swap3A_1469, %swap3A_1470], %swap3A_1473 {strides = array<i32>} : memref<4x128xi32, #tpu.memory_space<vmem>>, vector<1x16xi32>,
      %shift_right_logical3A_1474 = arith.constant 14 : i32
      %shift_right_logical3A_1475 = vector.broadcast %shift_right_logical3A_1474 : i32 to vector<16xi32>
      %shift_right_logical3A_1476 = arith.shrui %get3A_1465, %shift_right_logical3A_1475 : vector<16xi32>
      %swap3A_1477 = arith.index_cast %select_n3A_1273 : i32 to index
      %swap3A_1478 = arith.constant 0 : index
      %swap3A_1479 = tpu.vector_load %arg6[%swap3A_1477, %swap3A_1478] {strides = array<i32>} : memref<4x128xi32, #tpu.memory_space<vmem>>, vector<1x16xi32>,
      %swap3A_1480 = vector.shape_cast %swap3A_1479 : vector<1x16xi32> to vector<16xi32>
      %swap3A_1481 = vector.shape_cast %shift_right_logical3A_1476 : vector<16xi32> to vector<1x16xi32>
      tpu.vector_store %arg6[%swap3A_1477, %swap3A_1478], %swap3A_1481 {strides = array<i32>} : memref<4x128xi32, #tpu.memory_space<vmem>>, vector<1x16xi32>,
      %get3A_1482 = arith.index_cast %add3A_1461 : i32 to index
      %get3A_1483 = arith.constant 16 : index
      %get3A_1484 = tpu.vector_load %arg5[%get3A_1482, %get3A_1483] {strides = array<i32>} : memref<80x128xi32, #tpu.memory_space<vmem>>, vector<1x16xi32>,
      %get3A_1485 = vector.shape_cast %get3A_1484 : vector<1x16xi32> to vector<16xi32>
      %and3A_1486 = arith.constant 16383 : i32
      %and3A_1487 = vector.broadcast %and3A_1486 : i32 to vector<16xi32>
      %and3A_1488 = arith.andi %get3A_1485, %and3A_1487 : vector<16xi32>
      %swap3A_1489 = arith.index_cast %select_n3A_1273 : i32 to index
      %swap3A_1490 = arith.constant 16 : index
      %swap3A_1491 = tpu.vector_load %arg7[%swap3A_1489, %swap3A_1490] {strides = array<i32>} : memref<4x128xi32, #tpu.memory_space<vmem>>, vector<1x16xi32>,
      %swap3A_1492 = vector.shape_cast %swap3A_1491 : vector<1x16xi32> to vector<16xi32>
      %swap3A_1493 = vector.shape_cast %and3A_1488 : vector<16xi32> to vector<1x16xi32>
      tpu.vector_store %arg7[%swap3A_1489, %swap3A_1490], %swap3A_1493 {strides = array<i32>} : memref<4x128xi32, #tpu.memory_space<vmem>>, vector<1x16xi32>,
      %shift_right_logical3A_1494 = arith.constant 14 : i32
      %shift_right_logical3A_1495 = vector.broadcast %shift_right_logical3A_1494 : i32 to vector<16xi32>
      %shift_right_logical3A_1496 = arith.shrui %get3A_1485, %shift_right_logical3A_1495 : vector<16xi32>
      %swap3A_1497 = arith.index_cast %select_n3A_1273 : i32 to index
      %swap3A_1498 = arith.constant 16 : index
      %swap3A_1499 = tpu.vector_load %arg6[%swap3A_1497, %swap3A_1498] {strides = array<i32>} : memref<4x128xi32, #tpu.memory_space<vmem>>, vector<1x16xi32>,
      %swap3A_1500 = vector.shape_cast %swap3A_1499 : vector<1x16xi32> to vector<16xi32>
      %swap3A_1501 = vector.shape_cast %shift_right_logical3A_1496 : vector<16xi32> to vector<1x16xi32>
      tpu.vector_store %arg6[%swap3A_1497, %swap3A_1498], %swap3A_1501 {strides = array<i32>} : memref<4x128xi32, #tpu.memory_space<vmem>>, vector<1x16xi32>,
      %get3A_1502 = arith.index_cast %add3A_1461 : i32 to index
      %get3A_1503 = arith.constant 32 : index
      %get3A_1504 = tpu.vector_load %arg5[%get3A_1502, %get3A_1503] {strides = array<i32>} : memref<80x128xi32, #tpu.memory_space<vmem>>, vector<1x16xi32>,
      %get3A_1505 = vector.shape_cast %get3A_1504 : vector<1x16xi32> to vector<16xi32>
      %and3A_1506 = arith.constant 16383 : i32
      %and3A_1507 = vector.broadcast %and3A_1506 : i32 to vector<16xi32>
      %and3A_1508 = arith.andi %get3A_1505, %and3A_1507 : vector<16xi32>
      %swap3A_1509 = arith.index_cast %select_n3A_1273 : i32 to index
      %swap3A_1510 = arith.constant 32 : index
      %swap3A_1511 = tpu.vector_load %arg7[%swap3A_1509, %swap3A_1510] {strides = array<i32>} : memref<4x128xi32, #tpu.memory_space<vmem>>, vector<1x16xi32>,
      %swap3A_1512 = vector.shape_cast %swap3A_1511 : vector<1x16xi32> to vector<16xi32>
      %swap3A_1513 = vector.shape_cast %and3A_1508 : vector<16xi32> to vector<1x16xi32>
      tpu.vector_store %arg7[%swap3A_1509, %swap3A_1510], %swap3A_1513 {strides = array<i32>} : memref<4x128xi32, #tpu.memory_space<vmem>>, vector<1x16xi32>,
      %shift_right_logical3A_1514 = arith.constant 14 : i32
      %shift_right_logical3A_1515 = vector.broadcast %shift_right_logical3A_1514 : i32 to vector<16xi32>
      %shift_right_logical3A_1516 = arith.shrui %get3A_1505, %shift_right_logical3A_1515 : vector<16xi32>
      %swap3A_1517 = arith.index_cast %select_n3A_1273 : i32 to index
      %swap3A_1518 = arith.constant 32 : index
      %swap3A_1519 = tpu.vector_load %arg6[%swap3A_1517, %swap3A_1518] {strides = array<i32>} : memref<4x128xi32, #tpu.memory_space<vmem>>, vector<1x16xi32>,
      %swap3A_1520 = vector.shape_cast %swap3A_1519 : vector<1x16xi32> to vector<16xi32>
      %swap3A_1521 = vector.shape_cast %shift_right_logical3A_1516 : vector<16xi32> to vector<1x16xi32>
      tpu.vector_store %arg6[%swap3A_1517, %swap3A_1518], %swap3A_1521 {strides = array<i32>} : memref<4x128xi32, #tpu.memory_space<vmem>>, vector<1x16xi32>,
      %get3A_1522 = arith.index_cast %add3A_1461 : i32 to index
      %get3A_1523 = arith.constant 48 : index
      %get3A_1524 = tpu.vector_load %arg5[%get3A_1522, %get3A_1523] {strides = array<i32>} : memref<80x128xi32, #tpu.memory_space<vmem>>, vector<1x16xi32>,
      %get3A_1525 = vector.shape_cast %get3A_1524 : vector<1x16xi32> to vector<16xi32>
      %and3A_1526 = arith.constant 16383 : i32
      %and3A_1527 = vector.broadcast %and3A_1526 : i32 to vector<16xi32>
      %and3A_1528 = arith.andi %get3A_1525, %and3A_1527 : vector<16xi32>
      %swap3A_1529 = arith.index_cast %select_n3A_1273 : i32 to index
      %swap3A_1530 = arith.constant 48 : index
      %swap3A_1531 = tpu.vector_load %arg7[%swap3A_1529, %swap3A_1530] {strides = array<i32>} : memref<4x128xi32, #tpu.memory_space<vmem>>, vector<1x16xi32>,
      %swap3A_1532 = vector.shape_cast %swap3A_1531 : vector<1x16xi32> to vector<16xi32>
      %swap3A_1533 = vector.shape_cast %and3A_1528 : vector<16xi32> to vector<1x16xi32>
      tpu.vector_store %arg7[%swap3A_1529, %swap3A_1530], %swap3A_1533 {strides = array<i32>} : memref<4x128xi32, #tpu.memory_space<vmem>>, vector<1x16xi32>,
      %shift_right_logical3A_1534 = arith.constant 14 : i32
      %shift_right_logical3A_1535 = vector.broadcast %shift_right_logical3A_1534 : i32 to vector<16xi32>
      %shift_right_logical3A_1536 = arith.shrui %get3A_1525, %shift_right_logical3A_1535 : vector<16xi32>
      %swap3A_1537 = arith.index_cast %select_n3A_1273 : i32 to index
      %swap3A_1538 = arith.constant 48 : index
      %swap3A_1539 = tpu.vector_load %arg6[%swap3A_1537, %swap3A_1538] {strides = array<i32>} : memref<4x128xi32, #tpu.memory_space<vmem>>, vector<1x16xi32>,
      %swap3A_1540 = vector.shape_cast %swap3A_1539 : vector<1x16xi32> to vector<16xi32>
      %swap3A_1541 = vector.shape_cast %shift_right_logical3A_1536 : vector<16xi32> to vector<1x16xi32>
      tpu.vector_store %arg6[%swap3A_1537, %swap3A_1538], %swap3A_1541 {strides = array<i32>} : memref<4x128xi32, #tpu.memory_space<vmem>>, vector<1x16xi32>,
      %get3A_1542 = arith.index_cast %add3A_1461 : i32 to index
      %get3A_1543 = arith.constant 64 : index
      %get3A_1544 = tpu.vector_load %arg5[%get3A_1542, %get3A_1543] {strides = array<i32>} : memref<80x128xi32, #tpu.memory_space<vmem>>, vector<1x16xi32>,
      %get3A_1545 = vector.shape_cast %get3A_1544 : vector<1x16xi32> to vector<16xi32>
      %and3A_1546 = arith.constant 16383 : i32
      %and3A_1547 = vector.broadcast %and3A_1546 : i32 to vector<16xi32>
      %and3A_1548 = arith.andi %get3A_1545, %and3A_1547 : vector<16xi32>
      %swap3A_1549 = arith.index_cast %select_n3A_1273 : i32 to index
      %swap3A_1550 = arith.constant 64 : index
      %swap3A_1551 = tpu.vector_load %arg7[%swap3A_1549, %swap3A_1550] {strides = array<i32>} : memref<4x128xi32, #tpu.memory_space<vmem>>, vector<1x16xi32>,
      %swap3A_1552 = vector.shape_cast %swap3A_1551 : vector<1x16xi32> to vector<16xi32>
      %swap3A_1553 = vector.shape_cast %and3A_1548 : vector<16xi32> to vector<1x16xi32>
      tpu.vector_store %arg7[%swap3A_1549, %swap3A_1550], %swap3A_1553 {strides = array<i32>} : memref<4x128xi32, #tpu.memory_space<vmem>>, vector<1x16xi32>,
      %shift_right_logical3A_1554 = arith.constant 14 : i32
      %shift_right_logical3A_1555 = vector.broadcast %shift_right_logical3A_1554 : i32 to vector<16xi32>
      %shift_right_logical3A_1556 = arith.shrui %get3A_1545, %shift_right_logical3A_1555 : vector<16xi32>
      %swap3A_1557 = arith.index_cast %select_n3A_1273 : i32 to index
      %swap3A_1558 = arith.constant 64 : index
      %swap3A_1559 = tpu.vector_load %arg6[%swap3A_1557, %swap3A_1558] {strides = array<i32>} : memref<4x128xi32, #tpu.memory_space<vmem>>, vector<1x16xi32>,
      %swap3A_1560 = vector.shape_cast %swap3A_1559 : vector<1x16xi32> to vector<16xi32>
      %swap3A_1561 = vector.shape_cast %shift_right_logical3A_1556 : vector<16xi32> to vector<1x16xi32>
      tpu.vector_store %arg6[%swap3A_1557, %swap3A_1558], %swap3A_1561 {strides = array<i32>} : memref<4x128xi32, #tpu.memory_space<vmem>>, vector<1x16xi32>,
      %get3A_1562 = arith.index_cast %add3A_1461 : i32 to index
      %get3A_1563 = arith.constant 80 : index
      %get3A_1564 = tpu.vector_load %arg5[%get3A_1562, %get3A_1563] {strides = array<i32>} : memref<80x128xi32, #tpu.memory_space<vmem>>, vector<1x16xi32>,
      %get3A_1565 = vector.shape_cast %get3A_1564 : vector<1x16xi32> to vector<16xi32>
      %and3A_1566 = arith.constant 16383 : i32
      %and3A_1567 = vector.broadcast %and3A_1566 : i32 to vector<16xi32>
      %and3A_1568 = arith.andi %get3A_1565, %and3A_1567 : vector<16xi32>
      %swap3A_1569 = arith.index_cast %select_n3A_1273 : i32 to index
      %swap3A_1570 = arith.constant 80 : index
      %swap3A_1571 = tpu.vector_load %arg7[%swap3A_1569, %swap3A_1570] {strides = array<i32>} : memref<4x128xi32, #tpu.memory_space<vmem>>, vector<1x16xi32>,
      %swap3A_1572 = vector.shape_cast %swap3A_1571 : vector<1x16xi32> to vector<16xi32>
      %swap3A_1573 = vector.shape_cast %and3A_1568 : vector<16xi32> to vector<1x16xi32>
      tpu.vector_store %arg7[%swap3A_1569, %swap3A_1570], %swap3A_1573 {strides = array<i32>} : memref<4x128xi32, #tpu.memory_space<vmem>>, vector<1x16xi32>,
      %shift_right_logical3A_1574 = arith.constant 14 : i32
      %shift_right_logical3A_1575 = vector.broadcast %shift_right_logical3A_1574 : i32 to vector<16xi32>
      %shift_right_logical3A_1576 = arith.shrui %get3A_1565, %shift_right_logical3A_1575 : vector<16xi32>
      %swap3A_1577 = arith.index_cast %select_n3A_1273 : i32 to index
      %swap3A_1578 = arith.constant 80 : index
      %swap3A_1579 = tpu.vector_load %arg6[%swap3A_1577, %swap3A_1578] {strides = array<i32>} : memref<4x128xi32, #tpu.memory_space<vmem>>, vector<1x16xi32>,
      %swap3A_1580 = vector.shape_cast %swap3A_1579 : vector<1x16xi32> to vector<16xi32>
      %swap3A_1581 = vector.shape_cast %shift_right_logical3A_1576 : vector<16xi32> to vector<1x16xi32>
      tpu.vector_store %arg6[%swap3A_1577, %swap3A_1578], %swap3A_1581 {strides = array<i32>} : memref<4x128xi32, #tpu.memory_space<vmem>>, vector<1x16xi32>,
      %get3A_1582 = arith.index_cast %add3A_1461 : i32 to index
      %get3A_1583 = arith.constant 96 : index
      %get3A_1584 = tpu.vector_load %arg5[%get3A_1582, %get3A_1583] {strides = array<i32>} : memref<80x128xi32, #tpu.memory_space<vmem>>, vector<1x16xi32>,
      %get3A_1585 = vector.shape_cast %get3A_1584 : vector<1x16xi32> to vector<16xi32>
      %and3A_1586 = arith.constant 16383 : i32
      %and3A_1587 = vector.broadcast %and3A_1586 : i32 to vector<16xi32>
      %and3A_1588 = arith.andi %get3A_1585, %and3A_1587 : vector<16xi32>
      %swap3A_1589 = arith.index_cast %select_n3A_1273 : i32 to index
      %swap3A_1590 = arith.constant 96 : index
      %swap3A_1591 = tpu.vector_load %arg7[%swap3A_1589, %swap3A_1590] {strides = array<i32>} : memref<4x128xi32, #tpu.memory_space<vmem>>, vector<1x16xi32>,
      %swap3A_1592 = vector.shape_cast %swap3A_1591 : vector<1x16xi32> to vector<16xi32>
      %swap3A_1593 = vector.shape_cast %and3A_1588 : vector<16xi32> to vector<1x16xi32>
      tpu.vector_store %arg7[%swap3A_1589, %swap3A_1590], %swap3A_1593 {strides = array<i32>} : memref<4x128xi32, #tpu.memory_space<vmem>>, vector<1x16xi32>,
      %shift_right_logical3A_1594 = arith.constant 14 : i32
      %shift_right_logical3A_1595 = vector.broadcast %shift_right_logical3A_1594 : i32 to vector<16xi32>
      %shift_right_logical3A_1596 = arith.shrui %get3A_1585, %shift_right_logical3A_1595 : vector<16xi32>
      %swap3A_1597 = arith.index_cast %select_n3A_1273 : i32 to index
      %swap3A_1598 = arith.constant 96 : index
      %swap3A_1599 = tpu.vector_load %arg6[%swap3A_1597, %swap3A_1598] {strides = array<i32>} : memref<4x128xi32, #tpu.memory_space<vmem>>, vector<1x16xi32>,
      %swap3A_1600 = vector.shape_cast %swap3A_1599 : vector<1x16xi32> to vector<16xi32>
      %swap3A_1601 = vector.shape_cast %shift_right_logical3A_1596 : vector<16xi32> to vector<1x16xi32>
      tpu.vector_store %arg6[%swap3A_1597, %swap3A_1598], %swap3A_1601 {strides = array<i32>} : memref<4x128xi32, #tpu.memory_space<vmem>>, vector<1x16xi32>,
      %get3A_1602 = arith.index_cast %add3A_1461 : i32 to index
      %get3A_1603 = arith.constant 112 : index
      %get3A_1604 = tpu.vector_load %arg5[%get3A_1602, %get3A_1603] {strides = array<i32>} : memref<80x128xi32, #tpu.memory_space<vmem>>, vector<1x16xi32>,
      %get3A_1605 = vector.shape_cast %get3A_1604 : vector<1x16xi32> to vector<16xi32>
      %and3A_1606 = arith.constant 16383 : i32
      %and3A_1607 = vector.broadcast %and3A_1606 : i32 to vector<16xi32>
      %and3A_1608 = arith.andi %get3A_1605, %and3A_1607 : vector<16xi32>
      %swap3A_1609 = arith.index_cast %select_n3A_1273 : i32 to index
      %swap3A_1610 = arith.constant 112 : index
      %swap3A_1611 = tpu.vector_load %arg7[%swap3A_1609, %swap3A_1610] {strides = array<i32>} : memref<4x128xi32, #tpu.memory_space<vmem>>, vector<1x16xi32>,
      %swap3A_1612 = vector.shape_cast %swap3A_1611 : vector<1x16xi32> to vector<16xi32>
      %swap3A_1613 = vector.shape_cast %and3A_1608 : vector<16xi32> to vector<1x16xi32>
      tpu.vector_store %arg7[%swap3A_1609, %swap3A_1610], %swap3A_1613 {strides = array<i32>} : memref<4x128xi32, #tpu.memory_space<vmem>>, vector<1x16xi32>,
      %shift_right_logical3A_1614 = arith.constant 14 : i32
      %shift_right_logical3A_1615 = vector.broadcast %shift_right_logical3A_1614 : i32 to vector<16xi32>
      %shift_right_logical3A_1616 = arith.shrui %get3A_1605, %shift_right_logical3A_1615 : vector<16xi32>
      %swap3A_1617 = arith.index_cast %select_n3A_1273 : i32 to index
      %swap3A_1618 = arith.constant 112 : index
      %swap3A_1619 = tpu.vector_load %arg6[%swap3A_1617, %swap3A_1618] {strides = array<i32>} : memref<4x128xi32, #tpu.memory_space<vmem>>, vector<1x16xi32>,
      %swap3A_1620 = vector.shape_cast %swap3A_1619 : vector<1x16xi32> to vector<16xi32>
      %swap3A_1621 = vector.shape_cast %shift_right_logical3A_1616 : vector<16xi32> to vector<1x16xi32>
      tpu.vector_store %arg6[%swap3A_1617, %swap3A_1618], %swap3A_1621 {strides = array<i32>} : memref<4x128xi32, #tpu.memory_space<vmem>>, vector<1x16xi32>,
      %dma_wait3A_1622 = arith.constant 0 : i32
      %dma_wait3A_1623 = tpu.memref_slice %arg6[%select_n3A_1219, %dma_wait3A_1622] : memref<4x128xi32, #tpu.memory_space<vmem>> -> memref<1x128xi32, #tpu.memory_space<vmem>>
      %dma_wait3A_1624 = tpu.memref_squeeze %dma_wait3A_1623 : memref<1x128xi32, #tpu.memory_space<vmem>> -> memref<128xi32, #tpu.memory_space<vmem>>
      %dma_wait3A_1625 = arith.constant 0 : i32
      %dma_wait3A_1626 = arith.constant 0 : i32
      %dma_wait3A_1627 = tpu.memref_slice %arg11[%dma_wait3A_1625, %dma_wait3A_1626] : memref<10240x128xf32, #tpu.memory_space<vmem_shared>> -> memref<10240x128xf32, #tpu.memory_space<vmem_shared>>
      tpu.wait_indirect_dma semaphore(%arg14 : memref<!tpu.dma_semaphore, #tpu.memory_space<semaphore_mem>>) src(%arg8 : memref<128x128xf32, #tpu.memory_space<vmem>>) dst(%dma_wait3A_1627 : memref<10240x128xf32, #tpu.memory_space<vmem_shared>>)
      %dma_start3A_1628 = arith.constant 0 : i32
      %dma_start3A_1629 = tpu.memref_slice %arg7[%select_n3A_1255, %dma_start3A_1628] : memref<4x128xi32, #tpu.memory_space<vmem>> -> memref<1x128xi32, #tpu.memory_space<vmem>>
      %dma_start3A_1630 = tpu.memref_squeeze %dma_start3A_1629 : memref<1x128xi32, #tpu.memory_space<vmem>> -> memref<128xi32, #tpu.memory_space<vmem>>
      %dma_start3A_1631 = arith.constant 0 : i32
      %dma_start3A_1632 = arith.constant 0 : i32
      %dma_start3A_1633 = tpu.memref_slice %arg2[%dma_start3A_1631, %dma_start3A_1632] : memref<10000x128xf32, #tpu.memory_space<hbm>> -> memref<10000x128xf32, #tpu.memory_space<hbm>>
      tpu.enqueue_indirect_dma source(%dma_start3A_1633 : memref<10000x128xf32, #tpu.memory_space<hbm>>) target(%arg8 : memref<128x128xf32, #tpu.memory_space<vmem>>) offsets(%dma_start3A_1630 : memref<128xi32, #tpu.memory_space<vmem>>) semaphore(%arg12 : memref<!tpu.dma_semaphore, #tpu.memory_space<semaphore_mem>>)
      %dma_wait3A_1634 = arith.constant 0 : i32
      %dma_wait3A_1635 = tpu.memref_slice %arg6[%select_n3A_1237, %dma_wait3A_1634] : memref<4x128xi32, #tpu.memory_space<vmem>> -> memref<1x128xi32, #tpu.memory_space<vmem>>
      %dma_wait3A_1636 = tpu.memref_squeeze %dma_wait3A_1635 : memref<1x128xi32, #tpu.memory_space<vmem>> -> memref<128xi32, #tpu.memory_space<vmem>>
      %dma_wait3A_1637 = arith.constant 0 : i32
      %dma_wait3A_1638 = arith.constant 0 : i32
      %dma_wait3A_1639 = tpu.memref_slice %arg11[%dma_wait3A_1637, %dma_wait3A_1638] : memref<10240x128xf32, #tpu.memory_space<vmem_shared>> -> memref<10240x128xf32, #tpu.memory_space<vmem_shared>>
      tpu.wait_indirect_dma semaphore(%arg15 : memref<!tpu.dma_semaphore, #tpu.memory_space<semaphore_mem>>) src(%arg9 : memref<128x128xf32, #tpu.memory_space<vmem>>) dst(%dma_wait3A_1639 : memref<10240x128xf32, #tpu.memory_space<vmem_shared>>)
      %dma_start3A_1640 = arith.constant 0 : i32
      %dma_start3A_1641 = tpu.memref_slice %arg7[%select_n3A_1273, %dma_start3A_1640] : memref<4x128xi32, #tpu.memory_space<vmem>> -> memref<1x128xi32, #tpu.memory_space<vmem>>
      %dma_start3A_1642 = tpu.memref_squeeze %dma_start3A_1641 : memref<1x128xi32, #tpu.memory_space<vmem>> -> memref<128xi32, #tpu.memory_space<vmem>>
      %dma_start3A_1643 = arith.constant 0 : i32
      %dma_start3A_1644 = arith.constant 0 : i32
      %dma_start3A_1645 = tpu.memref_slice %arg2[%dma_start3A_1643, %dma_start3A_1644] : memref<10000x128xf32, #tpu.memory_space<hbm>> -> memref<10000x128xf32, #tpu.memory_space<hbm>>
      tpu.enqueue_indirect_dma source(%dma_start3A_1645 : memref<10000x128xf32, #tpu.memory_space<hbm>>) target(%arg9 : memref<128x128xf32, #tpu.memory_space<vmem>>) offsets(%dma_start3A_1642 : memref<128xi32, #tpu.memory_space<vmem>>) semaphore(%arg13 : memref<!tpu.dma_semaphore, #tpu.memory_space<semaphore_mem>>)
    }
    %scan3A_1162 = arith.constant 39 : i32
    %dma_wait3A = arith.constant 2 : i32
    %dma_wait3A_1163 = arith.constant 0 : i32
    %dma_wait3A_1164 = tpu.memref_slice %arg7[%dma_wait3A, %dma_wait3A_1163] : memref<4x128xi32, #tpu.memory_space<vmem>> -> memref<1x128xi32, #tpu.memory_space<vmem>>
    %dma_wait3A_1165 = tpu.memref_squeeze %dma_wait3A_1164 : memref<1x128xi32, #tpu.memory_space<vmem>> -> memref<128xi32, #tpu.memory_space<vmem>>
    %dma_wait3A_1166 = arith.constant 0 : i32
    %dma_wait3A_1167 = arith.constant 0 : i32
    %dma_wait3A_1168 = tpu.memref_slice %arg2[%dma_wait3A_1166, %dma_wait3A_1167] : memref<10000x128xf32, #tpu.memory_space<hbm>> -> memref<10000x128xf32, #tpu.memory_space<hbm>>
    tpu.wait_indirect_dma semaphore(%arg12 : memref<!tpu.dma_semaphore, #tpu.memory_space<semaphore_mem>>) src(%dma_wait3A_1168 : memref<10000x128xf32, #tpu.memory_space<hbm>>) dst(%arg8 : memref<128x128xf32, #tpu.memory_space<vmem>>)
    %dma_start3A_1169 = arith.constant 2 : i32
    %dma_start3A_1170 = arith.constant 0 : i32
    %dma_start3A_1171 = tpu.memref_slice %arg6[%dma_start3A_1169, %dma_start3A_1170] : memref<4x128xi32, #tpu.memory_space<vmem>> -> memref<1x128xi32, #tpu.memory_space<vmem>>
    %dma_start3A_1172 = tpu.memref_squeeze %dma_start3A_1171 : memref<1x128xi32, #tpu.memory_space<vmem>> -> memref<128xi32, #tpu.memory_space<vmem>>
    %dma_start3A_1173 = arith.constant 0 : i32
    %dma_start3A_1174 = arith.constant 0 : i32
    %dma_start3A_1175 = tpu.memref_slice %arg11[%dma_start3A_1173, %dma_start3A_1174] : memref<10240x128xf32, #tpu.memory_space<vmem_shared>> -> memref<10240x128xf32, #tpu.memory_space<vmem_shared>>
    tpu.enqueue_indirect_dma source(%arg8 : memref<128x128xf32, #tpu.memory_space<vmem>>) target(%dma_start3A_1175 : memref<10240x128xf32, #tpu.memory_space<vmem_shared>>) offsets(%dma_start3A_1172 : memref<128xi32, #tpu.memory_space<vmem>>) semaphore(%arg14 : memref<!tpu.dma_semaphore, #tpu.memory_space<semaphore_mem>>) {add = true}
    %dma_wait3A_1176 = arith.constant 3 : i32
    %dma_wait3A_1177 = arith.constant 0 : i32
    %dma_wait3A_1178 = tpu.memref_slice %arg7[%dma_wait3A_1176, %dma_wait3A_1177] : memref<4x128xi32, #tpu.memory_space<vmem>> -> memref<1x128xi32, #tpu.memory_space<vmem>>
    %dma_wait3A_1179 = tpu.memref_squeeze %dma_wait3A_1178 : memref<1x128xi32, #tpu.memory_space<vmem>> -> memref<128xi32, #tpu.memory_space<vmem>>
    %dma_wait3A_1180 = arith.constant 0 : i32
    %dma_wait3A_1181 = arith.constant 0 : i32
    %dma_wait3A_1182 = tpu.memref_slice %arg2[%dma_wait3A_1180, %dma_wait3A_1181] : memref<10000x128xf32, #tpu.memory_space<hbm>> -> memref<10000x128xf32, #tpu.memory_space<hbm>>
    tpu.wait_indirect_dma semaphore(%arg13 : memref<!tpu.dma_semaphore, #tpu.memory_space<semaphore_mem>>) src(%dma_wait3A_1182 : memref<10000x128xf32, #tpu.memory_space<hbm>>) dst(%arg9 : memref<128x128xf32, #tpu.memory_space<vmem>>)
    %dma_start3A_1183 = arith.constant 3 : i32
    %dma_start3A_1184 = arith.constant 0 : i32
    %dma_start3A_1185 = tpu.memref_slice %arg6[%dma_start3A_1183, %dma_start3A_1184] : memref<4x128xi32, #tpu.memory_space<vmem>> -> memref<1x128xi32, #tpu.memory_space<vmem>>
    %dma_start3A_1186 = tpu.memref_squeeze %dma_start3A_1185 : memref<1x128xi32, #tpu.memory_space<vmem>> -> memref<128xi32, #tpu.memory_space<vmem>>
    %dma_start3A_1187 = arith.constant 0 : i32
    %dma_start3A_1188 = arith.constant 0 : i32
    %dma_start3A_1189 = tpu.memref_slice %arg11[%dma_start3A_1187, %dma_start3A_1188] : memref<10240x128xf32, #tpu.memory_space<vmem_shared>> -> memref<10240x128xf32, #tpu.memory_space<vmem_shared>>
    tpu.enqueue_indirect_dma source(%arg9 : memref<128x128xf32, #tpu.memory_space<vmem>>) target(%dma_start3A_1189 : memref<10240x128xf32, #tpu.memory_space<vmem_shared>>) offsets(%dma_start3A_1186 : memref<128xi32, #tpu.memory_space<vmem>>) semaphore(%arg15 : memref<!tpu.dma_semaphore, #tpu.memory_space<semaphore_mem>>) {add = true}
    %dma_wait3A_1190 = arith.constant 2 : i32
    %dma_wait3A_1191 = arith.constant 0 : i32
    %dma_wait3A_1192 = tpu.memref_slice %arg6[%dma_wait3A_1190, %dma_wait3A_1191] : memref<4x128xi32, #tpu.memory_space<vmem>> -> memref<1x128xi32, #tpu.memory_space<vmem>>
    %dma_wait3A_1193 = tpu.memref_squeeze %dma_wait3A_1192 : memref<1x128xi32, #tpu.memory_space<vmem>> -> memref<128xi32, #tpu.memory_space<vmem>>
    %dma_wait3A_1194 = arith.constant 0 : i32
    %dma_wait3A_1195 = arith.constant 0 : i32
    %dma_wait3A_1196 = tpu.memref_slice %arg11[%dma_wait3A_1194, %dma_wait3A_1195] : memref<10240x128xf32, #tpu.memory_space<vmem_shared>> -> memref<10240x128xf32, #tpu.memory_space<vmem_shared>>
    tpu.wait_indirect_dma semaphore(%arg14 : memref<!tpu.dma_semaphore, #tpu.memory_space<semaphore_mem>>) src(%arg8 : memref<128x128xf32, #tpu.memory_space<vmem>>) dst(%dma_wait3A_1196 : memref<10240x128xf32, #tpu.memory_space<vmem_shared>>)
    %dma_wait3A_1197 = arith.constant 3 : i32
    %dma_wait3A_1198 = arith.constant 0 : i32
    %dma_wait3A_1199 = tpu.memref_slice %arg6[%dma_wait3A_1197, %dma_wait3A_1198] : memref<4x128xi32, #tpu.memory_space<vmem>> -> memref<1x128xi32, #tpu.memory_space<vmem>>
    %dma_wait3A_1200 = tpu.memref_squeeze %dma_wait3A_1199 : memref<1x128xi32, #tpu.memory_space<vmem>> -> memref<128xi32, #tpu.memory_space<vmem>>
    %dma_wait3A_1201 = arith.constant 0 : i32
    %dma_wait3A_1202 = arith.constant 0 : i32
    %dma_wait3A_1203 = tpu.memref_slice %arg11[%dma_wait3A_1201, %dma_wait3A_1202] : memref<10240x128xf32, #tpu.memory_space<vmem_shared>> -> memref<10240x128xf32, #tpu.memory_space<vmem_shared>>
    tpu.wait_indirect_dma semaphore(%arg15 : memref<!tpu.dma_semaphore, #tpu.memory_space<semaphore_mem>>) src(%arg9 : memref<128x128xf32, #tpu.memory_space<vmem>>) dst(%dma_wait3A_1203 : memref<10240x128xf32, #tpu.memory_space<vmem_shared>>)
    "tpu.trace_stop"() : () -> ()
    %barrier3A_1204 = arith.constant 0 : index
    tpu.barrier barrier_id(%barrier3A_1204)
    "tpu.trace_start"() <{level = 10 : i32, message = "copy_out"}> : () -> ()
    %mul3A_1205 = arith.constant 640 : i32
    %mul3A_1206 = arith.muli %arg1, %mul3A_1205 : i32
    "tpu.region"() ({
      %run_scoped3A = tpu.sem_alloc : memref<!tpu.dma_semaphore, #tpu.memory_space<semaphore_mem>>
      %dma_start3A_1207 = arith.constant 0 : i32
      %dma_start3A_1208 = tpu.memref_slice %arg4[%arg0, %mul3A_1206, %dma_start3A_1207] : memref<2x10240x128xf32, #tpu.memory_space<hbm>> -> memref<1x640x128xf32, #tpu.memory_space<hbm>>
      %dma_start3A_1209 = tpu.memref_squeeze %dma_start3A_1208 : memref<1x640x128xf32, #tpu.memory_space<hbm>> -> memref<640x128xf32, #tpu.memory_space<hbm>>
      %dma_start3A_1210 = arith.constant 0 : i32
      %dma_start3A_1211 = tpu.memref_slice %arg11[%mul3A_1206, %dma_start3A_1210] : memref<10240x128xf32, #tpu.memory_space<vmem_shared>> -> memref<640x128xf32, #tpu.memory_space<vmem_shared>>
      tpu.enqueue_dma source(%dma_start3A_1211 : memref<640x128xf32, #tpu.memory_space<vmem_shared>>) target(%dma_start3A_1209 : memref<640x128xf32, #tpu.memory_space<hbm>>) target_semaphore(%run_scoped3A : memref<!tpu.dma_semaphore, #tpu.memory_space<semaphore_mem>>)
      %dma_wait3A_1212 = arith.constant 0 : i32
      %dma_wait3A_1213 = tpu.memref_slice %arg4[%arg0, %mul3A_1206, %dma_wait3A_1212] : memref<2x10240x128xf32, #tpu.memory_space<hbm>> -> memref<1x640x128xf32, #tpu.memory_space<hbm>>
      %dma_wait3A_1214 = tpu.memref_squeeze %dma_wait3A_1213 : memref<1x640x128xf32, #tpu.memory_space<hbm>> -> memref<640x128xf32, #tpu.memory_space<hbm>>
      %dma_wait3A_1215 = arith.constant 0 : i32
      %dma_wait3A_1216 = tpu.memref_slice %arg11[%mul3A_1206, %dma_wait3A_1215] : memref<10240x128xf32, #tpu.memory_space<vmem_shared>> -> memref<640x128xf32, #tpu.memory_space<vmem_shared>>
      tpu.wait_dma2 semaphore(%run_scoped3A : memref<!tpu.dma_semaphore, #tpu.memory_space<semaphore_mem>>) src(%dma_wait3A_1216 : memref<640x128xf32, #tpu.memory_space<vmem_shared>>) dst(%dma_wait3A_1214 : memref<640x128xf32, #tpu.memory_space<hbm>>)
      tpu.yield
    }) : () -> ()
    "tpu.trace_stop"() : () -> ()
    return
  }
}

module attributes {stable_mosaic.version = 14 : i64} {
  func.func @body(%arg0: memref<10000x128xf32, #tpu.memory_space<vmem>>, %arg1: memref<128x128xf32, #tpu.memory_space<vmem>>, %arg2: memref<2x10240x128xf32, #tpu.memory_space<vmem>>, %arg3: memref<10000xf32, #tpu.memory_space<vmem>>) attributes {dimension_semantics = [], scalar_prefetch = 0 : i64, scratch_operands = 0 : i64, tpu.core_type = #tpu.core_type<tc>} {
    %get3A = arith.constant 0 : index
    %get3A_0 = arith.constant 0 : index
    %get3A_1 = vector.load %arg1[%get3A, %get3A_0] : memref<128x128xf32, #tpu.memory_space<vmem>>, vector<128x128xf32>
    %get3A_2 = arith.constant 0 : index
    %get3A_3 = arith.constant 0 : index
    %get3A_4 = vector.load %arg1[%get3A_2, %get3A_3] : memref<128x128xf32, #tpu.memory_space<vmem>>, vector<128x128xf32>
    %transpose3A = tpu.transpose %get3A_4, [1, 0] : vector<128x128xf32> -> vector<128x128xf32>
    %add3A = arith.addf %get3A_1, %transpose3A : vector<128x128xf32>
    %get3A_5 = arith.constant 0 : index
    %get3A_6 = arith.constant 0 : index
    %get3A_7 = vector.load %arg0[%get3A_5, %get3A_6] : memref<10000x128xf32, #tpu.memory_space<vmem>>, vector<10000x128xf32>
    %dot_general3A = arith.constant dense<0.000000e+00> : vector<10000x128xf32>
    %dot_general3A_8 = tpu.matmul %get3A_7, %add3A, %dot_general3A {dimension_numbers = #tpu.dot_dimension_numbers<[1], [0], [0], [1], [0, 0, 1, 1], [], []>, transpose_lhs_hint = false} : vector<10000x128xf32>, vector<128x128xf32>, vector<10000x128xf32> -> vector<10000x128xf32>
    %get3A_9 = arith.constant 0 : index
    %get3A_10 = arith.constant 0 : index
    %get3A_11 = arith.constant 0 : index
    %get3A_12 = vector.load %arg2[%get3A_9, %get3A_10, %get3A_11] : memref<2x10240x128xf32, #tpu.memory_space<vmem>>, vector<1x10000x128xf32>
    %get3A_13 = vector.shape_cast %get3A_12 : vector<1x10000x128xf32> to vector<10000x128xf32>
    %get3A_14 = arith.constant 1 : index
    %get3A_15 = arith.constant 0 : index
    %get3A_16 = arith.constant 0 : index
    %get3A_17 = vector.load %arg2[%get3A_14, %get3A_15, %get3A_16] : memref<2x10240x128xf32, #tpu.memory_space<vmem>>, vector<1x10000x128xf32>
    %get3A_18 = vector.shape_cast %get3A_17 : vector<1x10000x128xf32> to vector<10000x128xf32>
    %add3A_19 = arith.addf %get3A_13, %get3A_18 : vector<10000x128xf32>
    %mul3A = arith.mulf %dot_general3A_8, %add3A_19 : vector<10000x128xf32>
    %reduce_sum3A = arith.constant dense<0.000000e+00> : vector<10000xf32>
    %reduce_sum3A_20 = vector.multi_reduction <add>, %mul3A, %reduce_sum3A [1] : vector<10000x128xf32> to vector<10000xf32>
    %swap3A = arith.constant 0 : index
    %swap3A_21 = vector.load %arg3[%swap3A] : memref<10000xf32, #tpu.memory_space<vmem>>, vector<10000xf32>
    tpu.vector_store %arg3[%swap3A], %reduce_sum3A_20 {strides = array<i32>} : memref<10000xf32, #tpu.memory_space<vmem>>, vector<10000xf32>,
    return
  }
}

</mosaic_0001>

<sc_bundles>
// kernel: kernel.4.cloned.1.call-start
scs
__scs_entry_jumppad:
0x0: {  	(pc) =	sbr.rel $0x88, $3  }
0x1: {  	(tag) =	ssettag $0x0;
	lr =	simm.s32 $0x1  }
0x2: {  	[smem:$0x3F9E] =	sst lr;
	_ =	strace $0xD0000000  }
0x3: {  	_ = 	snop  }
0x4: {  	_ = 	snop  }
0x5: {  	_ = 	snop  }
0x6: {  	_ = 	snop  }
0x7: {  	_ = 	snop  }
__scs_overlays_trampoline_lowered:
0x8: {  	[smem:$0x3FAD] =	sst s0  }
0x9: {  	[smem:$0x3FAE] =	sst s1  }
0xa: {  	[smem:$0x3FAF] =	sst s2  }
0xb: {  	[smem:$0x3FB0] =	sst s3  }
0xc: {  	[smem:$0x3FB1] =	sst s4  }
0xd: {  	[smem:$0x3FB2] =	sst s5  }
0xe: {  	[smem:$0x3FB3] =	sst s6  }
0xf: {  	[smem:$0x3FB4] =	sst s7  }
0x10: {  	[smem:$0x3FB5] =	sst s8  }
0x11: {  	[smem:$0x3FB6] =	sst s9;
	s0 =	simm.s32 @!p0 $0x0  }
0x12: {  	s1 =	sld [smem:$0x3F9C];
	s0 =	simm.s32 @p0 $0x1  }
0x13: {  	[smem:$0x3FB7] =	sst s0;
	s0 =	simm.s32 @!p1 $0x0  }
0x14: {  	s2 =	sld [smem:$0x3F9B];
	s0 =	simm.s32 @p1 $0x1  }
0x15: {  	[smem:$0x3FB8] =	sst s0;
	s0 =	simm.s32 @!p2 $0x0  }
0x16: {  	s3 =	sld [smem:$0x3FDB];
	s0 =	simm.s32 @p2 $0x1  }
0x17: {  	s4 =	simm.s32 $0x1BF5;
	[smem:$0x3FBA] =	sst s0  }
0x18: {  	s0 =	sld [smem:$0x3F9D];
	_ =	swait.ge [sflag:s4], $0x0  }
0x19: {  	s7 =	sld [smem:$0x3F9E]  }
0x1a: {  	s8 =	sadd.s32 $0xFFFFE003, lr  }
0x1b: {  	s9 =	sadd.s32 $0xFFFFFEF7, lr;
	s5 =	simm.s32 $0xFFFFFFFF;
	p2 =	slt.u32 s8, $0xFFFFF086  }
0x1c: {  	p1 =	slt.u32 s9, $0xF7A;
	s5 =	simm.s32 @!p2 $0x0  }
0x1d: {  	s5 =	simm.s32 @p1 $0x1;
	p0 =	seq.s32 s7, s2  }
0x1e: {  	s7 =	smul.u32 @!p0 $0xF7A, s2;
	p2 =	seq.s32 @!p0 s5, $0x0  }
0x1f: {  	s9 =	smul.u32 $0xF7A, s1;
	s8 =	simm.s32 @!p0 $0x1BF5;
	p2 =	por !p2, p0  }
0x20: {  	[sflag:s8] =	ssyncset.s32 @!p0 $0xFFFFF086;
	s6 =	sadd.s32 @!p0 s3, s7;
	s7 =	simm.s32 @!p0 $0x108  }
0x21: {  	s3 =	sadd.s32 s3, s9;
	s6 =	sadd.s32 @!p0 $0x88, s6;
	s7 =	simm.s32 @p2 $0x1082  }
0x22: {  	[simem:s7], [sflag:s8] =	dma.local @!p0 [hbm:s6], $0xF7A  }
0x23: {  	s9 =	sor.u32 $0xD0000000, s2;
	s6 =	simm.s32 $0x108;
	_ =	swait.ge @!p0 [sflag:s8], $0x0  }
0x24: {  	s3 =	sadd.s32 $0x88, s3;
	s6 =	simm.s32 @!p1 $0x1082;
	[sflag:s4] =	ssyncset.s32 $0xFFFFF086  }
0x25: {  	[simem:s6], [sflag:s4] =	dma.local [hbm:s3], $0xF7A  }
0x26: {  	[smem:$0x3F9E] =	sst s1;
	(tag) =	ssettag s2;
	_ =	strace s9  }
0x27: {  	s1 =	sld [smem:$0x3FAE]  }
0x28: {  	s2 =	sld [smem:$0x3FAF]  }
0x29: {  	s4 =	sld [smem:$0x3FB1]  }
0x2a: {  	p0 =	seq.s32 s5, $0x0;
	s5 =	sld [smem:$0x3FB2]  }
0x2b: {  	s6 =	sld [smem:$0x3FB3]  }
0x2c: {  	s7 =	sld [smem:$0x3FB4]  }
0x2d: {  	s3 =	simm.s32 $0x108;
	s8 =	sld [smem:$0x3FB5]  }
0x2e: {  	s3 =	simm.s32 @!p0 $0x1082;
	s9 =	sld [smem:$0x3FB6]  }
0x2f: {  	lr =	sadd.s32 s0, s3;
	s0 =	sld [smem:$0x3FAD]  }
0x30: {  	s3 =	sld [smem:$0x3FB0]  }
0x31: {  	[smem:$0x3FB9] =	sst s10  }
0x32: {  	s10 =	sld [smem:$0x3FB7];
	_ =	sdelay $0x3  }
0x33: {  	p0 =	seq.s32 s10, $0x1;
	s10 =	sld [smem:$0x3FB9];
	_ =	sdelay $0x3  }
0x34: {  	[smem:$0x3FB9] =	sst s10  }
0x35: {  	s10 =	sld [smem:$0x3FB8];
	_ =	sdelay $0x3  }
0x36: {  	p1 =	seq.s32 s10, $0x1;
	s10 =	sld [smem:$0x3FB9];
	_ =	sdelay $0x3  }
0x37: {  	[smem:$0x3FB9] =	sst s10  }
0x38: {  	s10 =	sld [smem:$0x3FBA]  }
0x39: {  	_ = 	snop;
	(pc) =	sbr.ind lr, $3  }
0x3a: {  	_ = 	snop  }
0x3b: {  	_ = 	snop  }
0x3c: {  	p2 =	seq.s32 s10, $0x1;
	s10 =	sld [smem:$0x3FB9]  }
0x3d: {  	_ =	shalt  }
0x3e: {  	_ =	shalt  }
0x3f: {  	_ =	shalt  }
0x40: {  	_ =	shalt  }
0x41: {  	_ =	shalt  }
0x42: {  	_ =	shalt  }
0x43: {  	_ =	shalt  }
0x44: {  	_ =	shalt  }
0x45: {  	_ =	shalt  }
0x46: {  	_ =	shalt  }
0x47: {  	_ =	shalt  }
0x48: {  	_ =	shalt  }
0x49: {  	_ =	shalt  }
0x4a: {  	_ =	shalt  }
0x4b: {  	_ =	shalt  }
0x4c: {  	_ =	shalt  }
0x4d: {  	_ =	shalt  }
0x4e: {  	_ =	shalt  }
0x4f: {  	_ =	shalt  }
0x50: {  	_ =	shalt  }
0x51: {  	_ =	shalt  }
0x52: {  	_ =	shalt  }
0x53: {  	_ =	shalt  }
0x54: {  	_ =	shalt  }
0x55: {  	_ =	shalt  }
0x56: {  	_ =	shalt  }
0x57: {  	_ =	shalt  }
0x58: {  	_ =	shalt  }
0x59: {  	_ =	shalt  }
0x5a: {  	_ =	shalt  }
0x5b: {  	_ =	shalt  }
0x5c: {  	_ =	shalt  }
0x5d: {  	_ =	shalt  }
0x5e: {  	_ =	shalt  }
0x5f: {  	_ =	shalt  }
0x60: {  	_ =	shalt  }
0x61: {  	_ =	shalt  }
0x62: {  	_ =	shalt  }
0x63: {  	_ =	shalt  }
0x64: {  	_ =	shalt  }
0x65: {  	_ =	shalt  }
0x66: {  	_ =	shalt  }
0x67: {  	_ =	shalt  }
0x68: {  	_ =	shalt  }
0x69: {  	_ =	shalt  }
0x6a: {  	_ =	shalt  }
0x6b: {  	_ =	shalt  }
0x6c: {  	_ =	shalt  }
0x6d: {  	_ =	shalt  }
0x6e: {  	_ =	shalt  }
0x6f: {  	_ =	shalt  }
0x70: {  	_ =	shalt  }
0x71: {  	_ =	shalt  }
0x72: {  	_ =	shalt  }
0x73: {  	_ =	shalt  }
0x74: {  	_ =	shalt  }
0x75: {  	_ =	shalt  }
0x76: {  	_ =	shalt  }
0x77: {  	_ =	shalt  }
0x78: {  	_ =	shalt  }
0x79: {  	_ =	shalt  }
0x7a: {  	_ =	shalt  }
0x7b: {  	_ =	shalt  }
0x7c: {  	_ =	shalt  }
0x7d: {  	_ =	shalt  }
0x7e: {  	_ =	shalt  }
0x7f: {  	_ =	shalt  }
0x80: {  	_ =	shalt  }
0x81: {  	_ =	shalt  }
0x82: {  	_ =	shalt  }
0x83: {  	_ =	shalt  }
0x84: {  	_ =	shalt  }
0x85: {  	_ =	shalt  }
0x86: {  	_ =	shalt  }
0x87: {  	_ =	shalt  }
.Lfunc_end0:
.L_simem_size_0:
called_computation_lowered:
.L_overlay_start_0:
0x88: {  	s2 =	sld [smem:$0x3FD9]  }
0x89: {  	s3 =	sld [smem:$0x3FFE];
	_ =	sdelay $0x1  }
0x8a: {  	s1 =	srdreg.scid  }
0x8b: {  	s0 =	sand.u32 $0x1, s1  }
0x8c: {  	s17 =	sshll.u32 s0, $0xA;
	s2 =	sadd.s32 s3, s2  }
0x8d: {  	s2 =	sadd.s32 s2, s17  }
0x8e: {  	[smem:$0x3FC5] =	sst s2  }
0x8f: {  	_ = 	snop  }
0x90: {  	s2 =	sld [smem:$0x3FC9];
	(tm) =	ssettm $0x1  }
0x91: {  	s18 =	sld [smem:$0x3FFB];
	_ =	sdelay $0x3  }
0x92: {  	_ =	strace s18  }
0x93: {  	s3 =	sld [smem:$0x3FFC];
	_ =	sdelay $0x3  }
0x94: {  	_ =	strace s3  }
0x95: {  	s3 =	sld [smem:$0x3FFD];
	_ =	sdelay $0x3  }
0x96: {  	_ =	strace s3  }
0x97: {  	_ =	strace $0x8FFFFFFF  }
0x98: {  	s19 =	sld [smem:$0x3FDB];
	_ =	sdelay $0x1  }
0x99: {  	s4 =	simm.s32 $_scs_section_size  }
0x9a: {  	s5 =	simm.s32 $_size__tile_overlayer_lowered;
	s6 =	simm.s32 $_tile_overlayer_lowered  }
0x9b: {  	s22 =	simm.s32 $0x1BFF;
	s21 =	sshll.u32 s6, $0x1;
	s3 =	sadd.s32 s4, s19  }
0x9c: {  	s7 =	simm.s32 $0x0;
	s20 =	sshll.u32 s5, $0x1;
	s5 =	sadd.s32 s21, s3  }
0x9d: {  	[timem:s7], [sflag:s22] =	dma.local [hbm:s5], s20  }
0x9e: {  	_ =	swait.ge [sflag:s22], s20  }
0x9f: {  	s4 =	ssub.s32 $0x0, s20;
	[sflag:s22] =	ssyncset.done $0x0  }
0xa0: {  	[sflag:s22] =	ssyncadd.s32 s4;
	_ =	sdelay $0x1  }
0xa1: {  	s23 =	simm.s32 $0x1B8B  }
0xa2: {  	_ =	swait.ge [sflag:s23], $0x1  }
0xa3: {  	[sflag:s23] =	ssyncset.done $0x0  }
0xa4: {  	s25 =	simm.s32 $0x1B8E;
	s24 =	sld [smem:$0x3FFE];
	[sflag:s23] =	ssyncadd.s32 $0xFFFFFFFF  }
0xa5: {  	s26 =	simm.s32 $execute0_lowered;
	[smem:$0x3FD2] =	sst s25  }
0xa6: {  	s5 =	sshll.u32 s26, $0x1;
	_ =	strace $0x80000046;
	[dreg:$0x1] =	wrdreg $0xFFFFFFFF  }
0xa7: {  	s28 =	simm.s32 $_size_execute0_lowered;
	s3 =	sadd.s32 s3, s5;
	[dreg:$0x0] =	wrdreg $0x0  }
0xa8: {  	s5 =	sshll.u32 s28, $0x1;
	[dreg:$0x2] =	wrdreg s3  }
0xa9: {  	[dreg:$0x3] =	wrdreg s5  }
0xaa: {  	[dreg:$0x4] =	wrdreg $0xC0  }
0xab: {  	_ =	task [dreg:s7], $0x5FFFF  }
0xac: {  	[dreg:$0x1] =	wrdreg $0xFFFFFFFF  }
0xad: {  	[dreg:$0x0] =	wrdreg $0x60  }
0xae: {  	[dreg:$0x2] =	wrdreg s2  }
0xaf: {  	[dreg:$0x3] =	wrdreg s24  }
0xb0: {  	[dreg:$0x4] =	wrdreg $0xB4000  }
0xb1: {  	[dreg:$0x5] =	wrdreg $0x9  }
0xb2: {  	_ =	task.clear_ibuf [dreg:s7], $0x6FFFF;
	_ =	strace $0x90000046  }
0xb3: {  	s29 =	simm.s32 $0x9;
	_ =	strace $0x8000004C  }
0xb4: {  	_ =	swait.ge [sflag:s29], $0x1  }
0xb5: {  	[sflag:s29] =	ssyncadd.s32 $0xFFFFFFFF  }
0xb6: {  	_ =	strace $0x9000004C  }
0xb7: {  	_ =	sfence  }
0xb8: {  	s30 =	sld [smem:$0x0];
	_ =	sdelay $0x2  }
0xb9: {  	s31 =	sshll.u32 s1, $0xD;
	s1 =	sshrl.u32 s1, $0x2  }
0xba: {  	s3 =	sand.u32 $0x4000, s31;
	s1 =	sadd.s32 s1, s30  }
0xbb: {  	s0 =	sor.u32 s3, s0;
	s1 =	sshll.u32 s1, $0x11  }
0xbc: {  	s0 =	sor.u32 s1, s0  }
0xbd: {  	s0 =	sadd.s32 $0x8F2B, s0  }
0xbe: {  	[sflag:s0] =	ssyncadd.remote.s32 $0x1  }
0xbf: {  	_ =	sfence.sel $0xFFFF  }
0xc0: {  	[dreg:$0x0] =	wrdreg $0xFFFFFFFF;
	(pc) =	sbr.abs _section_cstart, $3  }
0xc1: {  	[dreg:$0x1] =	wrdreg $0xFFFFFFFF  }
0xc2: {  	_ =	task.clear_ibuf [dreg:s7], $0x2FFFF;
	_ =	strace $0x9FFFFFFF  }
0xc3: {  	(tm) =	ssettm $0x7FFFFFFF  }
tec
execute0_lowered:
.L_overlay_start_1:
0x0: {  	(tag) =	ssettag $0x1  }
0x1: {  	s1 =	rddreg [dreg:$0x0]  }
0x2: {  	s0 =	rddreg [dreg:$0x1]  }
0x3: {  	s2 =	rddreg [dreg:$0x2]  }
0x4: {  	s3 =	srdreg.scid;
	s7 =	stileid.u32  }
0x5: {  	s6 =	simm.s32 $0x0;
	s3 =	sand.u32 $0x1, s3;
	s19 =	smul.u32 $0x14000, s7  }
0x6: {  	[smem:$0x7FF] =	sst s6;
	s20 =	smul.u32 $0x50000, s7;
	s4 =	sshll.u32 s3, $0x4  }
0x7: {  	s5 =	smul.u32 $0x140000, s3;
	s3 =	ssub.s32 $0x2, s3;
	s4 =	sor.u32 s7, s4  }
0x8: {  	_ =	strace $0x80000047;
	s21 =	sshrl.u32 s3, $0x1;
	s4 =	smul.u32 $0x500, s4  }
0x9: {  	s22 =	sshrl.u32 s20, $0x2;
	s5 =	sadd.s32 s19, s5;
	s3 =	ssub.s32 s3, s21  }
0xa: {  	s5 =	sshrl.u32 s5, $0x3;
	s23 =	smax.u32 s3, $0x1;
	s4 =	sadd.s32 s4, s0  }
0xb: {  	s0 =	sadd.s32 s5, s0;
	[dreg:$0x6] =	wrdreg s23;
	s4 =	sadd.s32 $0x800, s4  }
0xc: {  	s5 =	sadd.s32 s22, s2;
	s0 =	sadd.s32 $0xA800, s0;
	[dreg:$0x4] =	wrdreg s4  }
0xd: {  	s24 =	sadd.s32 $0x800, s5;
	[dreg:$0x5] =	wrdreg s0  }
0xe: {  	s25 =	sadd.s32 $0x1000, s5;
	[dreg:$0x7] =	wrdreg s24  }
0xf: {  	s26 =	sadd.s32 $0x1800, s5;
	[dreg:$0x8] =	wrdreg s25  }
0x10: {  	s31 =	sadd.s32 $0x2000, s5;
	[dreg:$0x9] =	wrdreg s26  }
0x11: {  	s3 =	sadd.s32 $0x2800, s5;
	[dreg:$0xa] =	wrdreg s31  }
0x12: {  	s6 =	sadd.s32 $0x3800, s5;
	[dreg:$0xb] =	wrdreg s3  }
0x13: {  	s7 =	sadd.s32 $0x4000, s5;
	[dreg:$0xd] =	wrdreg s6  }
0x14: {  	s8 =	sadd.s32 $0x4800, s5;
	[dreg:$0xe] =	wrdreg s7  }
0x15: {  	s9 =	sadd.s32 $0x5000, s5;
	[dreg:$0xf] =	wrdreg s8  }
0x16: {  	s10 =	sadd.s32 $0x5800, s5;
	[dreg:$0x10] =	wrdreg s9  }
0x17: {  	s11 =	sadd.s32 $0x6000, s5;
	[dreg:$0x11] =	wrdreg s10  }
0x18: {  	s12 =	sadd.s32 $0x6800, s5;
	[dreg:$0x12] =	wrdreg s11  }
0x19: {  	s13 =	sadd.s32 $0x7000, s5;
	[dreg:$0x13] =	wrdreg s12  }
0x1a: {  	s14 =	sadd.s32 $0x7800, s5;
	[dreg:$0x14] =	wrdreg s13  }
0x1b: {  	s15 =	sadd.s32 $0x8000, s5;
	[dreg:$0x15] =	wrdreg s14  }
0x1c: {  	s16 =	sadd.s32 $0x8800, s5;
	[dreg:$0x16] =	wrdreg s15  }
0x1d: {  	s17 =	sadd.s32 $0x9000, s5;
	[dreg:$0x17] =	wrdreg s16  }
0x1e: {  	s18 =	sadd.s32 $0x9800, s5;
	[dreg:$0x18] =	wrdreg s17  }
0x1f: {  	s19 =	sadd.s32 $0xA000, s5;
	[dreg:$0x19] =	wrdreg s18  }
0x20: {  	s20 =	sadd.s32 $0xA800, s5;
	[dreg:$0x1a] =	wrdreg s19  }
0x21: {  	s21 =	sadd.s32 $0xB000, s5;
	[dreg:$0x1b] =	wrdreg s20  }
0x22: {  	s28 =	simm.s32 $0x2;
	s22 =	sadd.s32 $0xB800, s5;
	[dreg:$0x1c] =	wrdreg s21  }
0x23: {  	s29 =	simm.s32 $0x4;
	s23 =	sadd.s32 $0xC000, s5;
	[dreg:$0x1d] =	wrdreg s22  }
0x24: {  	s30 =	simm.s32 $0x0;
	s4 =	sadd.s32 $0x3000, s5;
	[dreg:$0x1e] =	wrdreg s23  }
0x25: {  	s24 =	sadd.s32 $0xC800, s5;
	s25 =	sadd.s32 $0xD000, s5;
	s26 =	sadd.s32 $0xD800, s5  }
0x26: {  	s31 =	sadd.s32 $0xE000, s5;
	s9 =	sadd.s32 $0xE800, s5;
	s10 =	sadd.s32 $0xF000, s5  }
0x27: {  	s11 =	sadd.s32 $0xF800, s5;
	s12 =	sadd.s32 $0x10000, s5;
	s13 =	sadd.s32 $0x10800, s5  }
0x28: {  	s14 =	sadd.s32 $0x11000, s5;
	s15 =	sadd.s32 $0x11800, s5;
	[dreg:$0xc] =	wrdreg s4  }
0x29: {  	s16 =	sadd.s32 $0x12000, s5;
	s17 =	sadd.s32 $0x12800, s5;
	[dreg:$0x1f] =	wrdreg s24  }
0x2a: {  	s18 =	sadd.s32 $0x13000, s5;
	s19 =	sadd.s32 $0x13800, s5;
	[smem:$0x7FB] =	sst s25  }
0x2b: {  	s20 =	simm.s32 $0xAC00;
	s21 =	simm.s32 $0x3;
	[smem:$0x7FC] =	sst s26  }
0x2c: {  	s22 =	simm.s32 $0x5;
	s23 =	simm.s32 $0x80;
	[smem:$0x7FD] =	sst s31  }
0x2d: {  	v0 =	vimm.f32 $0.0e+00;
	s24 =	simm.s32 $0x2C00;
	s25 =	simm.s32 $0x6C00;
	s26 =	simm.s32 $0x1  }
.LBB2_1:
0x2e: {  	_ =	strace $0x80000048;
	[tilespmem:$0xAC00] =	vst v0  }
0x2f: {  	[tilespmem:$0xAC10] =	vst v0  }
0x30: {  	[tilespmem:$0xAC20] =	vst v0  }
0x31: {  	[tilespmem:$0xAC30] =	vst v0  }
0x32: {  	[tilespmem:$0xAC40] =	vst v0  }
0x33: {  	[tilespmem:$0xAC50] =	vst v0  }
0x34: {  	[tilespmem:$0xAC60] =	vst v0  }
0x35: {  	[tilespmem:$0xAC70] =	vst v0  }
0x36: {  	[tilespmem:$0xAC80] =	vst v0  }
0x37: {  	[tilespmem:$0xAC90] =	vst v0  }
0x38: {  	[tilespmem:$0xACA0] =	vst v0  }
0x39: {  	[tilespmem:$0xACB0] =	vst v0  }
0x3a: {  	[tilespmem:$0xACC0] =	vst v0  }
0x3b: {  	[tilespmem:$0xACD0] =	vst v0  }
0x3c: {  	[tilespmem:$0xACE0] =	vst v0  }
0x3d: {  	[tilespmem:$0xACF0] =	vst v0  }
0x3e: {  	[tilespmem:$0xAD00] =	vst v0  }
0x3f: {  	[tilespmem:$0xAD10] =	vst v0  }
0x40: {  	[tilespmem:$0xAD20] =	vst v0  }
0x41: {  	[tilespmem:$0xAD30] =	vst v0  }
0x42: {  	[tilespmem:$0xAD40] =	vst v0  }
0x43: {  	[tilespmem:$0xAD50] =	vst v0  }
0x44: {  	[tilespmem:$0xAD60] =	vst v0  }
0x45: {  	[tilespmem:$0xAD70] =	vst v0  }
0x46: {  	[tilespmem:$0xAD80] =	vst v0  }
0x47: {  	[tilespmem:$0xAD90] =	vst v0  }
0x48: {  	[tilespmem:$0xADA0] =	vst v0  }
0x49: {  	[tilespmem:$0xADB0] =	vst v0  }
0x4a: {  	[tilespmem:$0xADC0] =	vst v0  }
0x4b: {  	[tilespmem:$0xADD0] =	vst v0  }
0x4c: {  	[tilespmem:$0xADE0] =	vst v0  }
0x4d: {  	[tilespmem:$0xADF0] =	vst v0  }
0x4e: {  	[tilespmem:$0xAE00] =	vst v0  }
0x4f: {  	[tilespmem:$0xAE10] =	vst v0  }
0x50: {  	[tilespmem:$0xAE20] =	vst v0  }
0x51: {  	[tilespmem:$0xAE30] =	vst v0  }
0x52: {  	[tilespmem:$0xAE40] =	vst v0  }
0x53: {  	[tilespmem:$0xAE50] =	vst v0  }
0x54: {  	[tilespmem:$0xAE60] =	vst v0  }
0x55: {  	[tilespmem:$0xAE70] =	vst v0  }
0x56: {  	[tilespmem:$0xAE80] =	vst v0  }
0x57: {  	[tilespmem:$0xAE90] =	vst v0  }
0x58: {  	[tilespmem:$0xAEA0] =	vst v0  }
0x59: {  	[tilespmem:$0xAEB0] =	vst v0  }
0x5a: {  	[tilespmem:$0xAEC0] =	vst v0  }
0x5b: {  	[tilespmem:$0xAED0] =	vst v0  }
0x5c: {  	[tilespmem:$0xAEE0] =	vst v0  }
0x5d: {  	[tilespmem:$0xAEF0] =	vst v0  }
0x5e: {  	[tilespmem:$0xAF00] =	vst v0  }
0x5f: {  	[tilespmem:$0xAF10] =	vst v0  }
0x60: {  	[tilespmem:$0xAF20] =	vst v0  }
0x61: {  	[tilespmem:$0xAF30] =	vst v0  }
0x62: {  	[tilespmem:$0xAF40] =	vst v0  }
0x63: {  	[tilespmem:$0xAF50] =	vst v0  }
0x64: {  	[tilespmem:$0xAF60] =	vst v0  }
0x65: {  	[tilespmem:$0xAF70] =	vst v0  }
0x66: {  	[tilespmem:$0xAF80] =	vst v0  }
0x67: {  	[tilespmem:$0xAF90] =	vst v0  }
0x68: {  	[tilespmem:$0xAFA0] =	vst v0  }
0x69: {  	[tilespmem:$0xAFB0] =	vst v0  }
0x6a: {  	[tilespmem:$0xAFC0] =	vst v0  }
0x6b: {  	[tilespmem:$0xAFD0] =	vst v0  }
0x6c: {  	[tilespmem:$0xAFE0] =	vst v0  }
0x6d: {  	[tilespmem:$0xAFF0] =	vst v0  }
0x6e: {  	[tilespmem:$0xB000] =	vst v0  }
0x6f: {  	[tilespmem:$0xB010] =	vst v0  }
0x70: {  	[tilespmem:$0xB020] =	vst v0  }
0x71: {  	[tilespmem:$0xB030] =	vst v0  }
0x72: {  	[tilespmem:$0xB040] =	vst v0  }
0x73: {  	[tilespmem:$0xB050] =	vst v0  }
0x74: {  	[tilespmem:$0xB060] =	vst v0  }
0x75: {  	[tilespmem:$0xB070] =	vst v0  }
0x76: {  	[tilespmem:$0xB080] =	vst v0  }
0x77: {  	[tilespmem:$0xB090] =	vst v0  }
0x78: {  	[tilespmem:$0xB0A0] =	vst v0  }
0x79: {  	[tilespmem:$0xB0B0] =	vst v0  }
0x7a: {  	[tilespmem:$0xB0C0] =	vst v0  }
0x7b: {  	[tilespmem:$0xB0D0] =	vst v0  }
0x7c: {  	[tilespmem:$0xB0E0] =	vst v0  }
0x7d: {  	[tilespmem:$0xB0F0] =	vst v0  }
0x7e: {  	[tilespmem:$0xB100] =	vst v0  }
0x7f: {  	[tilespmem:$0xB110] =	vst v0  }
0x80: {  	[tilespmem:$0xB120] =	vst v0  }
0x81: {  	[tilespmem:$0xB130] =	vst v0  }
0x82: {  	[tilespmem:$0xB140] =	vst v0  }
0x83: {  	[tilespmem:$0xB150] =	vst v0  }
0x84: {  	[tilespmem:$0xB160] =	vst v0  }
0x85: {  	[tilespmem:$0xB170] =	vst v0  }
0x86: {  	[tilespmem:$0xB180] =	vst v0  }
0x87: {  	[tilespmem:$0xB190] =	vst v0  }
0x88: {  	[tilespmem:$0xB1A0] =	vst v0  }
0x89: {  	[tilespmem:$0xB1B0] =	vst v0  }
0x8a: {  	[tilespmem:$0xB1C0] =	vst v0  }
0x8b: {  	[tilespmem:$0xB1D0] =	vst v0  }
0x8c: {  	[tilespmem:$0xB1E0] =	vst v0  }
0x8d: {  	[tilespmem:$0xB1F0] =	vst v0  }
0x8e: {  	[tilespmem:$0xB200] =	vst v0  }
0x8f: {  	[tilespmem:$0xB210] =	vst v0  }
0x90: {  	[tilespmem:$0xB220] =	vst v0  }
0x91: {  	[tilespmem:$0xB230] =	vst v0  }
0x92: {  	[tilespmem:$0xB240] =	vst v0  }
0x93: {  	[tilespmem:$0xB250] =	vst v0  }
0x94: {  	[tilespmem:$0xB260] =	vst v0  }
0x95: {  	[tilespmem:$0xB270] =	vst v0  }
0x96: {  	[tilespmem:$0xB280] =	vst v0  }
0x97: {  	[tilespmem:$0xB290] =	vst v0  }
0x98: {  	[tilespmem:$0xB2A0] =	vst v0  }
0x99: {  	[tilespmem:$0xB2B0] =	vst v0  }
0x9a: {  	[tilespmem:$0xB2C0] =	vst v0  }
0x9b: {  	[tilespmem:$0xB2D0] =	vst v0  }
0x9c: {  	[tilespmem:$0xB2E0] =	vst v0  }
0x9d: {  	[tilespmem:$0xB2F0] =	vst v0  }
0x9e: {  	[tilespmem:$0xB300] =	vst v0  }
0x9f: {  	[tilespmem:$0xB310] =	vst v0  }
0xa0: {  	[tilespmem:$0xB320] =	vst v0  }
0xa1: {  	[tilespmem:$0xB330] =	vst v0  }
0xa2: {  	[tilespmem:$0xB340] =	vst v0  }
0xa3: {  	[tilespmem:$0xB350] =	vst v0  }
0xa4: {  	[tilespmem:$0xB360] =	vst v0  }
0xa5: {  	[tilespmem:$0xB370] =	vst v0  }
0xa6: {  	[tilespmem:$0xB380] =	vst v0  }
0xa7: {  	[tilespmem:$0xB390] =	vst v0  }
0xa8: {  	[tilespmem:$0xB3A0] =	vst v0  }
0xa9: {  	[tilespmem:$0xB3B0] =	vst v0  }
0xaa: {  	[tilespmem:$0xB3C0] =	vst v0  }
0xab: {  	[tilespmem:$0xB3D0] =	vst v0  }
0xac: {  	[tilespmem:$0xB3E0] =	vst v0  }
0xad: {  	[tilespmem:$0xB3F0] =	vst v0  }
0xae: {  	[spmem:s5] =	stream.linear.scatter [tilespmem:s20], [sflag:$0x3], $0x800, $0x200038;
	[tilespmem:$0x1F400] =	vst v63  }
0xaf: {  	s0 =	rddreg [dreg:$0x7]  }
0xb0: {  	s7 =	rddreg [dreg:$0x8]  }
0xb1: {  	[spmem:s0] =	stream.linear.scatter [tilespmem:s20], [sflag:$0x3], $0x800, $0x200038;
	[tilespmem:$0x1F400] =	vst v63  }
0xb2: {  	s8 =	rddreg [dreg:$0x9]  }
0xb3: {  	[spmem:s7] =	stream.linear.scatter [tilespmem:s20], [sflag:$0x3], $0x800, $0x200038;
	[tilespmem:$0x1F400] =	vst v63  }
0xb4: {  	s31 =	rddreg [dreg:$0xa]  }
0xb5: {  	[spmem:s8] =	stream.linear.scatter [tilespmem:s20], [sflag:$0x3], $0x800, $0x200038;
	[tilespmem:$0x1F400] =	vst v63  }
0xb6: {  	s3 =	rddreg [dreg:$0xb]  }
0xb7: {  	[spmem:s31] =	stream.linear.scatter [tilespmem:s20], [sflag:$0x3], $0x800, $0x200038;
	[tilespmem:$0x1F400] =	vst v63  }
0xb8: {  	s4 =	rddreg [dreg:$0xc]  }
0xb9: {  	[spmem:s3] =	stream.linear.scatter [tilespmem:s20], [sflag:$0x3], $0x800, $0x200038;
	[tilespmem:$0x1F400] =	vst v63  }
0xba: {  	s6 =	rddreg [dreg:$0xd]  }
0xbb: {  	[spmem:s4] =	stream.linear.scatter [tilespmem:s20], [sflag:$0x3], $0x800, $0x200038;
	[tilespmem:$0x1F400] =	vst v63  }
0xbc: {  	s7 =	rddreg [dreg:$0xe]  }
0xbd: {  	[spmem:s6] =	stream.linear.scatter [tilespmem:s20], [sflag:$0x3], $0x800, $0x200038;
	[tilespmem:$0x1F400] =	vst v63  }
0xbe: {  	s8 =	rddreg [dreg:$0xf]  }
0xbf: {  	[spmem:s7] =	stream.linear.scatter [tilespmem:s20], [sflag:$0x3], $0x800, $0x200038;
	[tilespmem:$0x1F400] =	vst v63  }
0xc0: {  	s31 =	rddreg [dreg:$0x10]  }
0xc1: {  	[spmem:s8] =	stream.linear.scatter [tilespmem:s20], [sflag:$0x3], $0x800, $0x200038;
	[tilespmem:$0x1F400] =	vst v63  }
0xc2: {  	s3 =	rddreg [dreg:$0x11]  }
0xc3: {  	[spmem:s31] =	stream.linear.scatter [tilespmem:s20], [sflag:$0x3], $0x800, $0x200038;
	[tilespmem:$0x1F400] =	vst v63  }
0xc4: {  	s4 =	rddreg [dreg:$0x12]  }
0xc5: {  	[spmem:s3] =	stream.linear.scatter [tilespmem:s20], [sflag:$0x3], $0x800, $0x200038;
	[tilespmem:$0x1F400] =	vst v63  }
0xc6: {  	s6 =	rddreg [dreg:$0x13]  }
0xc7: {  	[spmem:s4] =	stream.linear.scatter [tilespmem:s20], [sflag:$0x3], $0x800, $0x200038;
	[tilespmem:$0x1F400] =	vst v63  }
0xc8: {  	s7 =	rddreg [dreg:$0x14]  }
0xc9: {  	[spmem:s6] =	stream.linear.scatter [tilespmem:s20], [sflag:$0x3], $0x800, $0x200038;
	[tilespmem:$0x1F400] =	vst v63  }
0xca: {  	s8 =	rddreg [dreg:$0x15]  }
0xcb: {  	[spmem:s7] =	stream.linear.scatter [tilespmem:s20], [sflag:$0x3], $0x800, $0x200038;
	[tilespmem:$0x1F400] =	vst v63  }
0xcc: {  	s31 =	rddreg [dreg:$0x16]  }
0xcd: {  	[spmem:s8] =	stream.linear.scatter [tilespmem:s20], [sflag:$0x3], $0x800, $0x200038;
	[tilespmem:$0x1F400] =	vst v63  }
0xce: {  	s3 =	rddreg [dreg:$0x17]  }
0xcf: {  	[spmem:s31] =	stream.linear.scatter [tilespmem:s20], [sflag:$0x3], $0x800, $0x200038;
	[tilespmem:$0x1F400] =	vst v63  }
0xd0: {  	s4 =	rddreg [dreg:$0x18]  }
0xd1: {  	[spmem:s3] =	stream.linear.scatter [tilespmem:s20], [sflag:$0x3], $0x800, $0x200038;
	[tilespmem:$0x1F400] =	vst v63  }
0xd2: {  	s6 =	rddreg [dreg:$0x19]  }
0xd3: {  	[spmem:s4] =	stream.linear.scatter [tilespmem:s20], [sflag:$0x3], $0x800, $0x200038;
	[tilespmem:$0x1F400] =	vst v63  }
0xd4: {  	s7 =	rddreg [dreg:$0x1a]  }
0xd5: {  	[spmem:s6] =	stream.linear.scatter [tilespmem:s20], [sflag:$0x3], $0x800, $0x200038;
	[tilespmem:$0x1F400] =	vst v63  }
0xd6: {  	s8 =	rddreg [dreg:$0x1b]  }
0xd7: {  	[spmem:s7] =	stream.linear.scatter [tilespmem:s20], [sflag:$0x3], $0x800, $0x200038;
	[tilespmem:$0x1F400] =	vst v63  }
0xd8: {  	s31 =	rddreg [dreg:$0x1c]  }
0xd9: {  	[spmem:s8] =	stream.linear.scatter [tilespmem:s20], [sflag:$0x3], $0x800, $0x200038;
	[tilespmem:$0x1F400] =	vst v63  }
0xda: {  	s3 =	rddreg [dreg:$0x1d]  }
0xdb: {  	[spmem:s31] =	stream.linear.scatter [tilespmem:s20], [sflag:$0x3], $0x800, $0x200038;
	[tilespmem:$0x1F400] =	vst v63  }
0xdc: {  	s4 =	rddreg [dreg:$0x1e]  }
0xdd: {  	[spmem:s3] =	stream.linear.scatter [tilespmem:s20], [sflag:$0x3], $0x800, $0x200038;
	[tilespmem:$0x1F400] =	vst v63  }
0xde: {  	s6 =	rddreg [dreg:$0x1f]  }
0xdf: {  	[spmem:s4] =	stream.linear.scatter [tilespmem:s20], [sflag:$0x3], $0x800, $0x200038;
	[tilespmem:$0x1F400] =	vst v63  }
0xe0: {  	s7 =	sld [smem:$0x7FB]  }
0xe1: {  	[spmem:s6] =	stream.linear.scatter [tilespmem:s20], [sflag:$0x3], $0x800, $0x200038;
	[tilespmem:$0x1F400] =	vst v63  }
0xe2: {  	s8 =	sld [smem:$0x7FC]  }
0xe3: {  	[spmem:s7] =	stream.linear.scatter [tilespmem:s20], [sflag:$0x3], $0x800, $0x200038;
	[tilespmem:$0x1F400] =	vst v63  }
0xe4: {  	s31 =	sld [smem:$0x7FD]  }
0xe5: {  	[spmem:s8] =	stream.linear.scatter [tilespmem:s20], [sflag:$0x3], $0x800, $0x200038;
	[tilespmem:$0x1F400] =	vst v63  }
0xe6: {  	_ = 	snop  }
0xe7: {  	[spmem:s31] =	stream.linear.scatter [tilespmem:s20], [sflag:$0x3], $0x800, $0x200038;
	[tilespmem:$0x1F400] =	vst v63  }
0xe8: {  	_ = 	snop  }
0xe9: {  	[spmem:s9] =	stream.linear.scatter [tilespmem:s20], [sflag:$0x3], $0x800, $0x200038;
	[tilespmem:$0x1F400] =	vst v63  }
0xea: {  	_ = 	snop  }
0xeb: {  	[spmem:s10] =	stream.linear.scatter [tilespmem:s20], [sflag:$0x3], $0x800, $0x200038;
	[tilespmem:$0x1F400] =	vst v63  }
0xec: {  	_ = 	snop  }
0xed: {  	[spmem:s11] =	stream.linear.scatter [tilespmem:s20], [sflag:$0x3], $0x800, $0x200038;
	[tilespmem:$0x1F400] =	vst v63  }
0xee: {  	_ = 	snop  }
0xef: {  	[spmem:s12] =	stream.linear.scatter [tilespmem:s20], [sflag:$0x3], $0x800, $0x200038;
	[tilespmem:$0x1F400] =	vst v63  }
0xf0: {  	_ = 	snop  }
0xf1: {  	[spmem:s13] =	stream.linear.scatter [tilespmem:s20], [sflag:$0x3], $0x800, $0x200038;
	[tilespmem:$0x1F400] =	vst v63  }
0xf2: {  	_ = 	snop  }
0xf3: {  	[spmem:s14] =	stream.linear.scatter [tilespmem:s20], [sflag:$0x3], $0x800, $0x200038;
	[tilespmem:$0x1F400] =	vst v63  }
0xf4: {  	_ = 	snop  }
0xf5: {  	[spmem:s15] =	stream.linear.scatter [tilespmem:s20], [sflag:$0x3], $0x800, $0x200038;
	[tilespmem:$0x1F400] =	vst v63  }
0xf6: {  	_ = 	snop  }
0xf7: {  	[spmem:s16] =	stream.linear.scatter [tilespmem:s20], [sflag:$0x3], $0x800, $0x200038;
	[tilespmem:$0x1F400] =	vst v63  }
0xf8: {  	_ = 	snop  }
0xf9: {  	[spmem:s17] =	stream.linear.scatter [tilespmem:s20], [sflag:$0x3], $0x800, $0x200038;
	[tilespmem:$0x1F400] =	vst v63  }
0xfa: {  	_ = 	snop  }
0xfb: {  	[spmem:s18] =	stream.linear.scatter [tilespmem:s20], [sflag:$0x3], $0x800, $0x200038;
	[tilespmem:$0x1F400] =	vst v63  }
0xfc: {  	_ = 	snop  }
0xfd: {  	[spmem:s19] =	stream.linear.scatter [tilespmem:s20], [sflag:$0x3], $0x800, $0x200038;
	[tilespmem:$0x1F400] =	vst v63  }
0xfe: {  	_ =	swait.ge [sflag:s21], $0x800  }
0xff: {  	s0 =	simm.s32 $0x27;
	[sflag:s21] =	ssyncset.done $0x0  }
.LBB2_2:
0x100: {  	p0 =	sne.s32 s0, $0x1;
	s0 =	sadd.s32 $0xFFFFFFFF, s0;
	[sflag:s21] =	ssyncadd.s32 $0xFFFFF800  }
.Ltmp0:
0x101: {  	(pc) =	sbr.rel @p0 .LBB2_2-.Ltmp0, $3  }
0x102: {  	_ =	sdelay $0x1  }
0x103: {  	_ =	swait.ge [sflag:s21], $0x800  }
0x104: {  	[sflag:s21] =	ssyncset.done $0x0  }
0x105: {  	[sflag:s21] =	ssyncadd.s32 $0xFFFFF800  }
0x106: {  	_ =	strace $0x90000048  }
0x107: {  	_ =	strace $0x80000049  }
0x108: {  	s0 =	simm.s32 $0x0;
	s3 =	rddreg [dreg:$0x4]  }
0x109: {  	[tilespmem:s0], [sflag:$0x5] =	stream.linear.gather [hbm4b:s3+s0], $0x2800, $0x200038;
	[tilespmem:$0x1F400] =	vst v63  }
0x10a: {  	_ =	swait.ge [sflag:s22], $0x2800  }
0x10b: {  	[sflag:s22] =	ssyncset.done $0x0  }
0x10c: {  	[sflag:s22] =	ssyncadd.s32 $0xFFFFD800  }
0x10d: {  	_ =	strace $0x90000049  }
0x10e: {  	[bflag:$0x0] =	sbarrier.arrive $0xFFFF  }
0x10f: {  	_ =	strace $0x8000004A  }
0x110: {  	v1 =	vld [tilespmem:$0x0];
	_ =	sdelay $0x1  }
0x111: {  	v2 =	vld [tilespmem:$0x10];
	_ =	sdelay $0x1  }
0x112: {  	v3 =	vld [tilespmem:$0x20]  }
0x113: {  	v4 =	vand.u32 $0x3FFF, v1  }
0x114: {  	v59 =	vld [tilespmem:$0x30];
	v1 =	vshrl.u32 v1, $0xE;
	[tilespmem:$0x2A00] =	vst v4  }
0x115: {  	[tilespmem:$0x2800] =	vst v1;
	v1 =	vand.u32 $0x3FFF, v2  }
0x116: {  	[tilespmem:$0x2A10] =	vst v1;
	v1 =	vshrl.u32 v2, $0xE;
	v2 =	vld [tilespmem:$0x40]  }
0x117: {  	[tilespmem:$0x2810] =	vst v1;
	v1 =	vand.u32 $0x3FFF, v3  }
0x118: {  	[tilespmem:$0x2A20] =	vst v1;
	v1 =	vshrl.u32 v3, $0xE;
	v3 =	vld [tilespmem:$0x50]  }
0x119: {  	[tilespmem:$0x2820] =	vst v1;
	v1 =	vand.u32 $0x3FFF, v59  }
0x11a: {  	v60 =	vld [tilespmem:$0x60];
	[tilespmem:$0x2A30] =	vst v1;
	v1 =	vshrl.u32 v59, $0xE  }
0x11b: {  	[tilespmem:$0x2830] =	vst v1;
	v1 =	vand.u32 $0x3FFF, v2  }
0x11c: {  	[tilespmem:$0x2A40] =	vst v1;
	v1 =	vshrl.u32 v2, $0xE;
	v2 =	vld [tilespmem:$0x70]  }
0x11d: {  	[tilespmem:$0x2840] =	vst v1;
	v1 =	vand.u32 $0x3FFF, v3  }
0x11e: {  	[tilespmem:$0x2A50] =	vst v1;
	v1 =	vshrl.u32 v3, $0xE;
	v3 =	vld [tilespmem:$0x80]  }
0x11f: {  	[tilespmem:$0x2850] =	vst v1;
	v1 =	vand.u32 $0x3FFF, v60  }
0x120: {  	v61 =	vld [tilespmem:$0x90];
	[tilespmem:$0x2A60] =	vst v1;
	v1 =	vshrl.u32 v60, $0xE  }
0x121: {  	[tilespmem:$0x2860] =	vst v1;
	v1 =	vand.u32 $0x3FFF, v2  }
0x122: {  	[tilespmem:$0x2A70] =	vst v1;
	v1 =	vshrl.u32 v2, $0xE;
	v2 =	vld [tilespmem:$0xA0]  }
0x123: {  	[tilespmem:$0x2870] =	vst v1;
	v1 =	vand.u32 $0x3FFF, v3  }
0x124: {  	[tilespmem:$0x2A80] =	vst v1;
	v1 =	vshrl.u32 v3, $0xE;
	v3 =	vld [tilespmem:$0xB0]  }
0x125: {  	[tilespmem:$0x2880] =	vst v1;
	v1 =	vand.u32 $0x3FFF, v61  }
0x126: {  	v62 =	vld [tilespmem:$0xC0];
	[tilespmem:$0x2A90] =	vst v1;
	v1 =	vshrl.u32 v61, $0xE  }
0x127: {  	[tilespmem:$0x2890] =	vst v1;
	v1 =	vand.u32 $0x3FFF, v2  }
0x128: {  	[tilespmem:$0x2AA0] =	vst v1;
	v1 =	vshrl.u32 v2, $0xE;
	v2 =	vld [tilespmem:$0xD0]  }
0x129: {  	[tilespmem:$0x28A0] =	vst v1;
	v1 =	vand.u32 $0x3FFF, v3  }
0x12a: {  	[tilespmem:$0x2AB0] =	vst v1;
	v1 =	vshrl.u32 v3, $0xE;
	v3 =	vld [tilespmem:$0xE0]  }
0x12b: {  	[tilespmem:$0x28B0] =	vst v1;
	v1 =	vand.u32 $0x3FFF, v62  }
0x12c: {  	v63 =	vld [tilespmem:$0xF0];
	[tilespmem:$0x2AC0] =	vst v1;
	v1 =	vshrl.u32 v62, $0xE  }
0x12d: {  	[tilespmem:$0x28C0] =	vst v1;
	v1 =	vand.u32 $0x3FFF, v2  }
0x12e: {  	[tilespmem:$0x2AD0] =	vst v1;
	v1 =	vshrl.u32 v2, $0xE  }
0x12f: {  	[tilespmem:$0x28D0] =	vst v1;
	v1 =	vand.u32 $0x3FFF, v3  }
0x130: {  	[tilespmem:$0x2AE0] =	vst v1;
	v1 =	vshrl.u32 v3, $0xE  }
0x131: {  	[tilespmem:$0x28E0] =	vst v1;
	v1 =	vand.u32 $0x3FFF, v63  }
0x132: {  	[tilespmem:$0x2AF0] =	vst v1;
	v1 =	vshrl.u32 v63, $0xE  }
0x133: {  	s4 =	simm.s32 $0x2A00;
	[tilespmem:$0x28F0] =	vst v1  }
0x134: {  	[tilespmem:s24], [sflag:$0x1] =	stream.indirect.gather [hbm4b:s1+s23], $0x80, s4, s23, $0x2000b8;
	[tilespmem:$0x1F400] =	vst v63  }
0x135: {  	s6 =	simm.s32 $0x2A80  }
0x136: {  	[tilespmem:s25], [sflag:$0x2] =	stream.indirect.gather [hbm4b:s1+s23], $0x80, s6, s23, $0x2000b8;
	[tilespmem:$0x1F400] =	vst v63  }
0x137: {  	s7 =	simm.s32 $0x0;
	_ =	swait.ge [sflag:s26], $0x4000  }
0x138: {  	s0 =	sand.u32 $0x100, s7;
	[sflag:s26] =	ssyncset.done $0x0  }
0x139: {  	s8 =	sor.u32 $0x2800, s0;
	[sflag:s26] =	ssyncadd.s32 $0xFFFFC000  }
0x13a: {  	[spmem:s2] =	stream.indirect.scatter.add.f32 [tilespmem:s24], [sflag:$0x3], $0x80, s8, s23, $0x2000b8;
	[tilespmem:$0x1F400] =	vst v63  }
0x13b: {  	_ =	swait.ge [sflag:s28], $0x4000  }
0x13c: {  	[sflag:s28] =	ssyncset.done $0x0  }
0x13d: {  	s31 =	simm.s32 $0x1F0;
	s0 =	sor.u32 $0x2880, s0;
	[sflag:s28] =	ssyncadd.s32 $0xFFFFC000  }
0x13e: {  	[spmem:s2] =	stream.indirect.scatter.add.f32 [tilespmem:s25], [sflag:$0x4], $0x80, s0, s23, $0x2000b8;
	[tilespmem:$0x1F400] =	vst v63  }
0x13f: {  	v1 =	vld [tilespmem:s31+$0xFFFFFF10];
	_ =	sdelay $0x3  }
0x140: {  	s4 =	simm.s32 $0x100  }
0x141: {  	s6 =	sand.u32 $0x100, s4;
	v2 =	vand.u32 $0x3FFF, v1  }
0x142: {  	v1 =	vshrl.u32 v1, $0xE;
	[tilespmem:s6+$0x2A00] =	vst v2  }
0x143: {  	[tilespmem:s6+$0x2800] =	vst v1  }
0x144: {  	v1 =	vld [tilespmem:s31+$0xFFFFFF20];
	_ =	sdelay $0x4  }
0x145: {  	v2 =	vand.u32 $0x3FFF, v1  }
0x146: {  	v1 =	vshrl.u32 v1, $0xE;
	[tilespmem:s6+$0x2A10] =	vst v2  }
0x147: {  	[tilespmem:s6+$0x2810] =	vst v1  }
0x148: {  	v1 =	vld [tilespmem:s31+$0xFFFFFF30];
	_ =	sdelay $0x4  }
0x149: {  	v2 =	vand.u32 $0x3FFF, v1  }
0x14a: {  	v1 =	vshrl.u32 v1, $0xE;
	[tilespmem:s6+$0x2A20] =	vst v2  }
0x14b: {  	[tilespmem:s6+$0x2820] =	vst v1  }
0x14c: {  	v1 =	vld [tilespmem:s31+$0xFFFFFF40];
	_ =	sdelay $0x4  }
0x14d: {  	v2 =	vand.u32 $0x3FFF, v1  }
0x14e: {  	v1 =	vshrl.u32 v1, $0xE;
	[tilespmem:s6+$0x2A30] =	vst v2  }
0x14f: {  	[tilespmem:s6+$0x2830] =	vst v1  }
0x150: {  	v1 =	vld [tilespmem:s31+$0xFFFFFF50];
	_ =	sdelay $0x4  }
0x151: {  	v2 =	vand.u32 $0x3FFF, v1  }
0x152: {  	v1 =	vshrl.u32 v1, $0xE;
	[tilespmem:s6+$0x2A40] =	vst v2  }
0x153: {  	[tilespmem:s6+$0x2840] =	vst v1  }
0x154: {  	v1 =	vld [tilespmem:s31+$0xFFFFFF60];
	_ =	sdelay $0x4  }
0x155: {  	v2 =	vand.u32 $0x3FFF, v1  }
0x156: {  	v1 =	vshrl.u32 v1, $0xE;
	[tilespmem:s6+$0x2A50] =	vst v2  }
0x157: {  	[tilespmem:s6+$0x2850] =	vst v1  }
0x158: {  	v1 =	vld [tilespmem:s31+$0xFFFFFF70];
	_ =	sdelay $0x4  }
0x159: {  	v2 =	vand.u32 $0x3FFF, v1  }
0x15a: {  	v1 =	vshrl.u32 v1, $0xE;
	[tilespmem:s6+$0x2A60] =	vst v2  }
0x15b: {  	[tilespmem:s6+$0x2860] =	vst v1  }
0x15c: {  	v1 =	vld [tilespmem:s31+$0xFFFFFF80];
	_ =	sdelay $0x4  }
0x15d: {  	v2 =	vand.u32 $0x3FFF, v1  }
0x15e: {  	v1 =	vshrl.u32 v1, $0xE;
	[tilespmem:s6+$0x2A70] =	vst v2  }
0x15f: {  	[tilespmem:s6+$0x2870] =	vst v1  }
0x160: {  	v1 =	vld [tilespmem:s31+$0xFFFFFF90];
	_ =	sdelay $0x3  }
0x161: {  	s8 =	simm.s32 $0x180  }
0x162: {  	s7 =	sand.u32 $0x180, s8;
	v2 =	vand.u32 $0x3FFF, v1  }
0x163: {  	v1 =	vshrl.u32 v1, $0xE;
	[tilespmem:s7+$0x2A00] =	vst v2  }
0x164: {  	[tilespmem:s7+$0x2800] =	vst v1  }
0x165: {  	v1 =	vld [tilespmem:s31+$0xFFFFFFA0];
	_ =	sdelay $0x4  }
0x166: {  	v2 =	vand.u32 $0x3FFF, v1  }
0x167: {  	v1 =	vshrl.u32 v1, $0xE;
	[tilespmem:s7+$0x2A10] =	vst v2  }
0x168: {  	[tilespmem:s7+$0x2810] =	vst v1  }
0x169: {  	v1 =	vld [tilespmem:s31+$0xFFFFFFB0];
	_ =	sdelay $0x4  }
0x16a: {  	v2 =	vand.u32 $0x3FFF, v1  }
0x16b: {  	v1 =	vshrl.u32 v1, $0xE;
	[tilespmem:s7+$0x2A20] =	vst v2  }
0x16c: {  	[tilespmem:s7+$0x2820] =	vst v1  }
0x16d: {  	v1 =	vld [tilespmem:s31+$0xFFFFFFC0];
	_ =	sdelay $0x4  }
0x16e: {  	v2 =	vand.u32 $0x3FFF, v1  }
0x16f: {  	v1 =	vshrl.u32 v1, $0xE;
	[tilespmem:s7+$0x2A30] =	vst v2  }
0x170: {  	[tilespmem:s7+$0x2830] =	vst v1  }
0x171: {  	v1 =	vld [tilespmem:s31+$0xFFFFFFD0];
	_ =	sdelay $0x4  }
0x172: {  	v2 =	vand.u32 $0x3FFF, v1  }
0x173: {  	v1 =	vshrl.u32 v1, $0xE;
	[tilespmem:s7+$0x2A40] =	vst v2  }
0x174: {  	[tilespmem:s7+$0x2840] =	vst v1  }
0x175: {  	v1 =	vld [tilespmem:s31+$0xFFFFFFE0];
	_ =	sdelay $0x4  }
0x176: {  	v2 =	vand.u32 $0x3FFF, v1  }
0x177: {  	v1 =	vshrl.u32 v1, $0xE;
	[tilespmem:s7+$0x2A50] =	vst v2  }
0x178: {  	[tilespmem:s7+$0x2850] =	vst v1  }
0x179: {  	v1 =	vld [tilespmem:s31+$0xFFFFFFF0];
	_ =	sdelay $0x4  }
0x17a: {  	s4 =	simm.s32 $0x1F0;
	v2 =	vand.u32 $0x3FFF, v1  }
0x17b: {  	s8 =	sor.u32 $0x2A00, s6;
	s3 =	sor.u32 $0x2A00, s7;
	s0 =	simm.s32 $0x280;
	v1 =	vshrl.u32 v1, $0xE;
	[tilespmem:s7+$0x2A60] =	vst v2  }
.LBB2_4:
0x17c: {  	p0 =	sne.s32 s0, $0x2780  }
0x17d: {  	[tilespmem:s7+$0x2860] =	vst v1;
	s31 =	sadd.s32 $0x100, s31;
	s6 =	smov.u32 s0;
	s0 =	sadd.s32 $0x100, s0  }
0x17e: {  	v1 =	vld [tilespmem:s4+$0x0];
	s4 =	smov.u32 s31;
	_ =	sdelay $0x4  }
0x17f: {  	v2 =	vand.u32 $0x3FFF, v1;
	v1 =	vshrl.u32 v1, $0xE  }
0x180: {  	[tilespmem:s7+$0x2A70] =	vst v2  }
0x181: {  	[tilespmem:s7+$0x2870] =	vst v1  }
0x182: {  	_ =	swait.ge [sflag:s21], $0x4000  }
0x183: {  	[sflag:s21] =	ssyncset.done $0x0  }
0x184: {  	[sflag:s21] =	ssyncadd.s32 $0xFFFFC000  }
0x185: {  	[tilespmem:s24], [sflag:$0x1] =	stream.indirect.gather [hbm4b:s1+s23], $0x80, s8, s23, $0x2000b8;
	[tilespmem:$0x1F400] =	vst v63  }
0x186: {  	_ =	swait.ge [sflag:s29], $0x4000  }
0x187: {  	[sflag:s29] =	ssyncset.done $0x0  }
0x188: {  	[sflag:s29] =	ssyncadd.s32 $0xFFFFC000  }
0x189: {  	[tilespmem:s25], [sflag:$0x2] =	stream.indirect.gather [hbm4b:s1+s23], $0x80, s3, s23, $0x2000b8;
	[tilespmem:$0x1F400] =	vst v63  }
0x18a: {  	s3 =	sadd.s32 $0xFFFFFE80, s6;
	_ =	swait.ge [sflag:s26], $0x4000  }
0x18b: {  	s3 =	sand.u32 $0x100, s3;
	[sflag:s26] =	ssyncset.done $0x0  }
0x18c: {  	s7 =	sor.u32 $0x2800, s3;
	[sflag:s26] =	ssyncadd.s32 $0xFFFFC000  }
0x18d: {  	[spmem:s2] =	stream.indirect.scatter.add.f32 [tilespmem:s24], [sflag:$0x3], $0x80, s7, s23, $0x2000b8;
	[tilespmem:$0x1F400] =	vst v63  }
0x18e: {  	_ =	swait.ge [sflag:s28], $0x4000  }
0x18f: {  	[sflag:s28] =	ssyncset.done $0x0  }
0x190: {  	s3 =	sor.u32 $0x2880, s3;
	[sflag:s28] =	ssyncadd.s32 $0xFFFFC000  }
0x191: {  	[spmem:s2] =	stream.indirect.scatter.add.f32 [tilespmem:s25], [sflag:$0x4], $0x80, s3, s23, $0x2000b8;
	[tilespmem:$0x1F400] =	vst v63  }
0x192: {  	v1 =	vld [tilespmem:s31+$0xFFFFFF10];
	_ =	sdelay $0x3  }
0x193: {  	s3 =	sadd.s32 $0xFFFFFF80, s6  }
0x194: {  	s3 =	sand.u32 $0x100, s3;
	v2 =	vand.u32 $0x3FFF, v1;
	v1 =	vshrl.u32 v1, $0xE  }
0x195: {  	[tilespmem:s3+$0x2A00] =	vst v2  }
0x196: {  	[tilespmem:s3+$0x2800] =	vst v1  }
0x197: {  	v1 =	vld [tilespmem:s31+$0xFFFFFF20];
	_ =	sdelay $0x4  }
0x198: {  	v2 =	vand.u32 $0x3FFF, v1;
	v1 =	vshrl.u32 v1, $0xE  }
0x199: {  	[tilespmem:s3+$0x2A10] =	vst v2  }
0x19a: {  	[tilespmem:s3+$0x2810] =	vst v1  }
0x19b: {  	v1 =	vld [tilespmem:s31+$0xFFFFFF30];
	_ =	sdelay $0x4  }
0x19c: {  	v2 =	vand.u32 $0x3FFF, v1;
	v1 =	vshrl.u32 v1, $0xE  }
0x19d: {  	[tilespmem:s3+$0x2A20] =	vst v2  }
0x19e: {  	[tilespmem:s3+$0x2820] =	vst v1  }
0x19f: {  	v1 =	vld [tilespmem:s31+$0xFFFFFF40];
	_ =	sdelay $0x4  }
0x1a0: {  	v2 =	vand.u32 $0x3FFF, v1;
	v1 =	vshrl.u32 v1, $0xE  }
0x1a1: {  	[tilespmem:s3+$0x2A30] =	vst v2  }
0x1a2: {  	[tilespmem:s3+$0x2830] =	vst v1  }
0x1a3: {  	v1 =	vld [tilespmem:s31+$0xFFFFFF50];
	_ =	sdelay $0x4  }
0x1a4: {  	v2 =	vand.u32 $0x3FFF, v1;
	v1 =	vshrl.u32 v1, $0xE  }
0x1a5: {  	[tilespmem:s3+$0x2A40] =	vst v2  }
0x1a6: {  	[tilespmem:s3+$0x2840] =	vst v1  }
0x1a7: {  	v1 =	vld [tilespmem:s31+$0xFFFFFF60];
	_ =	sdelay $0x4  }
0x1a8: {  	v2 =	vand.u32 $0x3FFF, v1;
	v1 =	vshrl.u32 v1, $0xE  }
0x1a9: {  	[tilespmem:s3+$0x2A50] =	vst v2  }
0x1aa: {  	[tilespmem:s3+$0x2850] =	vst v1  }
0x1ab: {  	v1 =	vld [tilespmem:s31+$0xFFFFFF70];
	_ =	sdelay $0x4  }
0x1ac: {  	v2 =	vand.u32 $0x3FFF, v1;
	v1 =	vshrl.u32 v1, $0xE  }
0x1ad: {  	[tilespmem:s3+$0x2A60] =	vst v2  }
0x1ae: {  	[tilespmem:s3+$0x2860] =	vst v1  }
0x1af: {  	v1 =	vld [tilespmem:s31+$0xFFFFFF80];
	_ =	sdelay $0x4  }
0x1b0: {  	v2 =	vand.u32 $0x3FFF, v1;
	v1 =	vshrl.u32 v1, $0xE  }
0x1b1: {  	[tilespmem:s3+$0x2A70] =	vst v2  }
0x1b2: {  	[tilespmem:s3+$0x2870] =	vst v1  }
0x1b3: {  	v1 =	vld [tilespmem:s31+$0xFFFFFF90];
	_ =	sdelay $0x4  }
0x1b4: {  	s7 =	sand.u32 $0x180, s6;
	v2 =	vand.u32 $0x3FFF, v1;
	v1 =	vshrl.u32 v1, $0xE  }
0x1b5: {  	[tilespmem:s7+$0x2A00] =	vst v2  }
0x1b6: {  	[tilespmem:s7+$0x2800] =	vst v1  }
0x1b7: {  	v1 =	vld [tilespmem:s31+$0xFFFFFFA0];
	_ =	sdelay $0x4  }
0x1b8: {  	v2 =	vand.u32 $0x3FFF, v1;
	v1 =	vshrl.u32 v1, $0xE  }
0x1b9: {  	[tilespmem:s7+$0x2A10] =	vst v2  }
0x1ba: {  	[tilespmem:s7+$0x2810] =	vst v1  }
0x1bb: {  	v1 =	vld [tilespmem:s31+$0xFFFFFFB0];
	_ =	sdelay $0x4  }
0x1bc: {  	v2 =	vand.u32 $0x3FFF, v1;
	v1 =	vshrl.u32 v1, $0xE  }
0x1bd: {  	[tilespmem:s7+$0x2A20] =	vst v2  }
0x1be: {  	[tilespmem:s7+$0x2820] =	vst v1  }
0x1bf: {  	v1 =	vld [tilespmem:s31+$0xFFFFFFC0];
	_ =	sdelay $0x4  }
0x1c0: {  	v2 =	vand.u32 $0x3FFF, v1;
	v1 =	vshrl.u32 v1, $0xE  }
0x1c1: {  	[tilespmem:s7+$0x2A30] =	vst v2  }
0x1c2: {  	[tilespmem:s7+$0x2830] =	vst v1  }
0x1c3: {  	v1 =	vld [tilespmem:s31+$0xFFFFFFD0];
	_ =	sdelay $0x4  }
0x1c4: {  	v2 =	vand.u32 $0x3FFF, v1;
	v1 =	vshrl.u32 v1, $0xE  }
0x1c5: {  	[tilespmem:s7+$0x2A40] =	vst v2  }
0x1c6: {  	[tilespmem:s7+$0x2840] =	vst v1  }
0x1c7: {  	v1 =	vld [tilespmem:s31+$0xFFFFFFE0];
	_ =	sdelay $0x4  }
0x1c8: {  	v2 =	vand.u32 $0x3FFF, v1;
	v1 =	vshrl.u32 v1, $0xE  }
0x1c9: {  	[tilespmem:s7+$0x2A50] =	vst v2  }
0x1ca: {  	[tilespmem:s7+$0x2850] =	vst v1  }
0x1cb: {  	v1 =	vld [tilespmem:s31+$0xFFFFFFF0];
	_ =	sdelay $0x1  }
.Ltmp1:
0x1cc: {  	s8 =	sor.u32 $0x2A00, s3;
	(pc) =	sbr.rel @p0 .LBB2_4-.Ltmp1, $3  }
0x1cd: {  	_ =	sdelay $0x1  }
0x1ce: {  	v2 =	vand.u32 $0x3FFF, v1;
	v1 =	vshrl.u32 v1, $0xE  }
0x1cf: {  	s3 =	sor.u32 $0x2A00, s7;
	[tilespmem:s7+$0x2A60] =	vst v2  }
0x1d0: {  	[tilespmem:s7+$0x2860] =	vst v1  }
0x1d1: {  	v1 =	vld [tilespmem:s4+$0x0];
	_ =	sdelay $0x4  }
0x1d2: {  	v2 =	vand.u32 $0x3FFF, v1  }
0x1d3: {  	v1 =	vshrl.u32 v1, $0xE;
	[tilespmem:s7+$0x2A70] =	vst v2  }
0x1d4: {  	[tilespmem:s7+$0x2870] =	vst v1  }
0x1d5: {  	_ =	swait.ge [sflag:s21], $0x4000  }
0x1d6: {  	[sflag:s21] =	ssyncset.done $0x0  }
0x1d7: {  	[sflag:s21] =	ssyncadd.s32 $0xFFFFC000  }
0x1d8: {  	[tilespmem:s24], [sflag:$0x1] =	stream.indirect.gather [hbm4b:s1+s23], $0x80, s8, s23, $0x2000b8;
	[tilespmem:$0x1F400] =	vst v63  }
0x1d9: {  	_ =	swait.ge [sflag:s29], $0x4000  }
0x1da: {  	[sflag:s29] =	ssyncset.done $0x0  }
0x1db: {  	[sflag:s29] =	ssyncadd.s32 $0xFFFFC000  }
0x1dc: {  	[tilespmem:s25], [sflag:$0x2] =	stream.indirect.gather [hbm4b:s1+s23], $0x80, s3, s23, $0x2000b8;
	[tilespmem:$0x1F400] =	vst v63  }
0x1dd: {  	_ =	swait.ge [sflag:s26], $0x4000  }
0x1de: {  	[sflag:s26] =	ssyncset.done $0x0  }
0x1df: {  	s0 =	simm.s32 $0x2900;
	[sflag:s26] =	ssyncadd.s32 $0xFFFFC000  }
0x1e0: {  	[spmem:s2] =	stream.indirect.scatter.add.f32 [tilespmem:s24], [sflag:$0x3], $0x80, s0, s23, $0x2000b8;
	[tilespmem:$0x1F400] =	vst v63  }
0x1e1: {  	_ =	swait.ge [sflag:s28], $0x4000  }
0x1e2: {  	[sflag:s28] =	ssyncset.done $0x0  }
0x1e3: {  	s4 =	simm.s32 $0x2980;
	[sflag:s28] =	ssyncadd.s32 $0xFFFFC000  }
0x1e4: {  	[spmem:s2] =	stream.indirect.scatter.add.f32 [tilespmem:s25], [sflag:$0x4], $0x80, s4, s23, $0x2000b8;
	[tilespmem:$0x1F400] =	vst v63  }
0x1e5: {  	_ =	swait.ge [sflag:s21], $0x4000  }
0x1e6: {  	[sflag:s21] =	ssyncset.done $0x0  }
0x1e7: {  	[sflag:s21] =	ssyncadd.s32 $0xFFFFC000  }
0x1e8: {  	_ =	swait.ge [sflag:s29], $0x4000  }
0x1e9: {  	[sflag:s29] =	ssyncset.done $0x0  }
0x1ea: {  	[sflag:s29] =	ssyncadd.s32 $0xFFFFC000  }
0x1eb: {  	_ =	strace $0x9000004A  }
0x1ec: {  	s6 =	stileid.u32;
	[bflag:$0x0] =	sbarrier.arrive $0xFFFF  }
0x1ed: {  	s0 =	sshll.u32 s6, $0x6;
	_ =	strace $0x8000004B  }
0x1ee: {  	s7 =	sshrl.u32 s5, $0x3;
	s0 =	sor.u32 $0x1C05, s0;
	s8 =	rddreg [dreg:$0x5]  }
0x1ef: {  	[hbm:s8], [sflag:s0] =	dma.local [spmem:s7], $0x2800  }
0x1f0: {  	_ =	swait.ge [sflag:s22], $0x2800  }
0x1f1: {  	s30 =	sadd.s32 $0x1, s30;
	s31 =	rddreg [dreg:$0x6]  }
0x1f2: {  	p0 =	sne.s32 s30, s31  }
.Ltmp2:
0x1f3: {  	_ = 	snop;
	(pc) =	sbr.rel @p0 .LBB2_1-.Ltmp2, $4  }
0x1f4: {  	_ = 	snop  }
0x1f5: {  	[sflag:s22] =	ssyncset.done $0x0  }
0x1f6: {  	[sflag:s22] =	ssyncadd.s32 $0xFFFFD800  }
0x1f7: {  	_ =	strace $0x9000004B  }
0x1f8: {  	_ =	sfence.sel $0x180000  }
0x1f9: {  	[bflag:$0x0] =	sbarrier.arrive $0xFFFF  }
0x1fa: {  	_ =	strace $0x90000047  }
0x1fb: {  	s0 =	stileid.u32;
	[bflag:$0x2] =	sbarrier.arrive $0xFFFF  }
0x1fc: {  	p0 =	sne.s32 s0, $0x0;
	s0 =	rddreg [dreg:$0x3]  }
0x1fd: {  	s0 =	sadd.s32 @!p0 $0x100000, s0  }
0x1fe: {  	[sflag:s0] =	ssyncadd.tile.s32 @!p0 $0x1;
	_ =	shalt  }
.Lfunc_end2:
_tile_overlayer_lowered:
.L_overlay_start_2:
0x1ff: {  	(tag) =	ssettag $0x2  }
0x200: {  	s0 =	rddreg [dreg:$0x0];
	s2 =	stileid.u32  }
0x201: {  	s1 =	rddreg [dreg:$0x1];
	p0 =	sne.s32 s2, $0x0  }
0x202: {  	s3 =	rddreg [dreg:$0x2];
	[bflag:$0x3] =	sbarrier.arrive $0xFFFF;
	s2 =	simm.s32 @!p0 $0x1C05  }
0x203: {  	[timem:s3], [sflag:s2] =	dma.local @!p0 [hbm:s0], s1  }
0x204: {  	s0 =	simm.s32 @!p0 $0x5  }
0x205: {  	_ =	swait.ge @!p0 [sflag:s0], s1  }
0x206: {  	s1 =	ssub.s32 @!p0 $0x0, s1;
	[sflag:s0] =	ssyncset.done @!p0 $0x0  }
0x207: {  	[sflag:s0] =	ssyncadd.s32 @!p0 s1  }
0x208: {  	[bflag:$0x3] =	sbarrier.arrive $0xFFFF  }
0x209: {  	_ =	shalt  }

</sc_bundles>
